<compile_context>
chip_gen: v7x
topology: tpu7x:2x2x1
jax: 0.10.2.dev20260603
libtpu: 0.0.44.dev20260713+nightly
codegen_flags: <defaults>
</compile_context>

<pallas_src>
import functools

import jax
import jax.numpy as jnp
from jax import lax
from jax.experimental import pallas as pl
from jax.experimental.pallas import tpu as pltpu
from jax.experimental.pallas import tpu_sc as plsc

N_NODES = 50000
N_P = 50048
N_EDGES = 800000
N_H = 16
N_GRAPHS = 1024
G_P = 1040
NC = 2
NS = 16
NW = NC * NS
CH = 128
E_CHUNKS = N_EDGES // CH
G_CHUNKS = N_P // CH
NB = N_P // NS
E_BLK = 4000
E_GRID = N_EDGES // E_BLK

_SELU_SCALE = 1.0507009873554805
_SELU_ALPHA = 1.6732632423543772


_EMUL_EDGE = True
_EMUL_GRU = True
_EMUL_RO = True
_EMUL_FIN = True


def _dot(a, b, emul):
  if emul:
    return jnp.dot(a.astype(jnp.bfloat16), b.astype(jnp.bfloat16),
                   preferred_element_type=jnp.float32)
  return jnp.dot(a, b, preferred_element_type=jnp.float32,
                 precision=lax.Precision.HIGHEST)


def _bf16r(v):
  return v.astype(jnp.bfloat16).astype(jnp.float32)


def _selu(v):
  return _SELU_SCALE * jnp.where(
      v > 0, v, _SELU_ALPHA * (jnp.exp(jnp.minimum(v, 0.0)) - 1.0))


_mesh = lambda: plsc.VectorSubcoreMesh(
    core_axis_name="c", subcore_axis_name="s", num_cores=NC, num_subcores=NS)



def _sc_gather(h, idx2d):
  iters = (E_CHUNKS + NW - 1) // NW

  def body(h_ref, idx_ref, out_ref, idx2d_v, rows_v, sem):
    w = lax.axis_index("s") * NC + lax.axis_index("c")
    lo = (w * E_CHUNKS) // NW
    hi = ((w + 1) * E_CHUNKS) // NW
    base = jnp.minimum(lo, E_CHUNKS - iters)
    pltpu.sync_copy(idx_ref.at[pl.ds(base, iters)], idx2d_v)

    def step(chunk, carry):
      pltpu.async_copy(h_ref.at[idx2d_v.at[chunk - base]], rows_v, sem).wait()
      pltpu.sync_copy(rows_v, out_ref.at[pl.ds(chunk * CH, CH)])
      return carry

    lax.fori_loop(lo, hi, step, 0)

  fn = pl.kernel(
      body,
      out_type=jax.ShapeDtypeStruct((N_EDGES, N_H), jnp.float32),
      mesh=_mesh(),
      compiler_params=pltpu.CompilerParams(use_tc_tiling_on_sc=False),
      scratch_types=[
          pltpu.VMEM((iters, CH), jnp.int32),
          pltpu.VMEM((CH, N_H), jnp.float32),
          pltpu.SemaphoreType.DMA,
      ],
  )
  return fn(h, idx2d)


def _sc_scatter_nodes(m, idx2d, zeros_n):
  iters = (E_CHUNKS + NW - 1) // NW

  def body(m_ref, idx_ref, z_ref, out_ref, idx2d_v, rows_v, acc):
    c = lax.axis_index("c")
    s = lax.axis_index("s")
    w = s * NC + c
    r0 = s * NB
    lo = (w * E_CHUNKS) // NW
    hi = ((w + 1) * E_CHUNKS) // NW
    base = jnp.minimum(lo, E_CHUNKS - iters)
    pltpu.sync_copy(idx_ref.at[pl.ds(base, iters)], idx2d_v)
    pltpu.sync_copy(z_ref.at[pl.ds(r0, NB)], acc.at[pl.ds(r0, NB)])
    plsc.subcore_barrier()

    def step(chunk, carry):
      pltpu.sync_copy(m_ref.at[pl.ds(chunk * CH, CH)], rows_v)
      pltpu.sync_copy(rows_v, acc.at[idx2d_v.at[chunk - base]], add=True)
      return carry

    lax.fori_loop(lo, hi, step, 0)
    plsc.subcore_barrier()
    pltpu.sync_copy(acc.at[pl.ds(r0, NB)], out_ref.at[c].at[pl.ds(r0, NB)])

  fn = pl.kernel(
      body,
      out_type=jax.ShapeDtypeStruct((NC, N_P, N_H), jnp.float32),
      mesh=_mesh(),
      compiler_params=pltpu.CompilerParams(use_tc_tiling_on_sc=False),
      scratch_types=[
          pltpu.VMEM((iters, CH), jnp.int32),
          pltpu.VMEM((CH, N_H), jnp.float32),
          pltpu.VMEM_SHARED((N_P, N_H), jnp.float32),
      ],
  )
  return fn(m, idx2d, zeros_n)


def _sc_segsum_graphs(rr, seg2d, zeros_g):
  iters = (G_CHUNKS + NW - 1) // NW
  rows_per_tile = G_P // NS

  def body(rr_ref, idx_ref, z_ref, out_ref, idx2d_v, rows_v, acc):
    c = lax.axis_index("c")
    s = lax.axis_index("s")
    w = s * NC + c
    r0 = s * rows_per_tile
    lo = (w * G_CHUNKS) // NW
    hi = ((w + 1) * G_CHUNKS) // NW
    base = jnp.minimum(lo, G_CHUNKS - iters)
    pltpu.sync_copy(idx_ref.at[pl.ds(base, iters)], idx2d_v)
    pltpu.sync_copy(z_ref.at[pl.ds(r0, rows_per_tile)],
                    acc.at[pl.ds(r0, rows_per_tile)])
    plsc.subcore_barrier()

    def step(chunk, carry):
      pltpu.sync_copy(rr_ref.at[pl.ds(chunk * CH, CH)], rows_v)
      pltpu.sync_copy(rows_v, acc.at[idx2d_v.at[chunk - base]], add=True)
      return carry

    lax.fori_loop(lo, hi, step, 0)
    plsc.subcore_barrier()
    pltpu.sync_copy(acc.at[pl.ds(r0, rows_per_tile)],
                    out_ref.at[c].at[pl.ds(r0, rows_per_tile)])

  fn = pl.kernel(
      body,
      out_type=jax.ShapeDtypeStruct((NC, G_P, 128), jnp.float32),
      mesh=_mesh(),
      compiler_params=pltpu.CompilerParams(use_tc_tiling_on_sc=False),
      scratch_types=[
          pltpu.VMEM((iters, CH), jnp.int32),
          pltpu.VMEM((CH, 128), jnp.float32),
          pltpu.VMEM_SHARED((G_P, 128), jnp.float32),
      ],
  )
  return fn(rr, seg2d, zeros_g)



def _full(shape):
  return pl.BlockSpec(shape, lambda i: (0,) * len(shape))


def _tc_edge(e, hg, Wl1, bl1, Wl2, bl2, Wb1, bb1, Wb2, bb2):

  def body(e_ref, hg_ref, wl1, bl1_r, wl2, bl2_r, wb1, bb1_r, wb2, bb2_r,
           out_ref):
    ev = e_ref[...]
    u = _selu(ev * wl1[...] + bl1_r[...])
    ub = _selu(ev * wb1[...] + bb1_r[...])
    a2 = _dot(u, wl2[...], _EMUL_EDGE) + bl2_r[...]
    bv = _dot(ub, wb2[...], _EMUL_EDGE) + bb2_r[...]
    ci = lax.broadcasted_iota(jnp.int32, (N_H, N_H * N_H), 0)
    cj = lax.broadcasted_iota(jnp.int32, (N_H, N_H * N_H), 1)
    tmat = (cj % N_H == ci).astype(jnp.bfloat16)
    si = lax.broadcasted_iota(jnp.int32, (N_H * N_H, N_H), 0)
    sj = lax.broadcasted_iota(jnp.int32, (N_H * N_H, N_H), 1)
    smat = (si // N_H == sj).astype(jnp.bfloat16)
    f32 = jnp.float32
    bdot = lambda a, b: jnp.dot(a, b, preferred_element_type=f32)
    hgv = hg_ref[...]
    hhi = hgv.astype(jnp.bfloat16)
    hlo = (hgv - hhi.astype(f32)).astype(jnp.bfloat16)
    hgt = bdot(hhi, tmat) + bdot(hlo, tmat)
    prod = a2 * hgt
    phi = prod.astype(jnp.bfloat16)
    plo = (prod - phi.astype(f32)).astype(jnp.bfloat16)
    out_ref[...] = bdot(phi, smat) + bdot(plo, smat) + bv

  return pl.pallas_call(
      body,
      grid=(E_GRID,),
      in_specs=[
          pl.BlockSpec((E_BLK, 1), lambda i: (i, 0)),
          pl.BlockSpec((E_BLK, N_H), lambda i: (i, 0)),
          _full((1, 64)), _full((1, 64)),
          _full((64, 256)), _full((1, 256)),
          _full((1, 64)), _full((1, 64)),
          _full((64, N_H)), _full((1, N_H)),
      ],
      out_specs=pl.BlockSpec((E_BLK, N_H), lambda i: (i, 0)),
      out_shape=jax.ShapeDtypeStruct((N_EDGES, N_H), jnp.float32),
  )(e, hg, Wl1, bl1, Wl2, bl2, Wb1, bb1, Wb2, bb2)


def _tc_gru(h, p0, p1, Wgz, Wgr, Wgn, Ugz, Ugr, Ugn, bgz, bgr, bgn):
  def body(h_ref, p0_ref, p1_ref, wgz, wgr, wgn, ugz, ugr, ugn,
           bz, br_, bn, out_ref):
    hv = h_ref[...]
    m = p0_ref[...] + p1_ref[...]
    dot = lambda a, b: _dot(a, b, _EMUL_GRU)
    z = jax.nn.sigmoid(dot(m, wgz[...]) + bz[...] + dot(hv, ugz[...]))
    r = jax.nn.sigmoid(dot(m, wgr[...]) + br_[...] + dot(hv, ugr[...]))
    n = jnp.tanh(dot(m, wgn[...]) + bn[...] + r * dot(hv, ugn[...]))
    out_ref[...] = z * hv + (1.0 - z) * n

  blk = lambda i: (i, 0)
  return pl.pallas_call(
      body,
      grid=(NS,),
      in_specs=[pl.BlockSpec((NB, N_H), blk)] * 3
      + [_full((N_H, N_H))] * 6 + [_full((1, N_H))] * 3,
      out_specs=pl.BlockSpec((NB, N_H), blk),
      out_shape=jax.ShapeDtypeStruct((N_P, N_H), jnp.float32),
  )(h, p0, p1, Wgz, Wgr, Wgn, Ugz, Ugr, Ugn, bgz, bgr, bgn)


def _tc_readout(h, xp, Wi32, bi, Wr, br, Wj132, bj1, Wj2, bj2):
  def body(h_ref, x_ref, wi, bi_r, wr, br_r, wj1, bj1_r, wj2, bj2_r, out_ref):
    hv = h_ref[...]
    xv = x_ref[...]
    hx = jnp.concatenate(
        [hv, xv, jnp.zeros((hv.shape[0], 14), jnp.float32)], axis=1)
    dot = lambda a, b: _dot(a, b, _EMUL_RO)
    i_ = jnp.tanh(dot(hx, wi[...]) + bi_r[...])
    rr = jax.nn.sigmoid(dot(i_, wr[...]) + br_r[...])
    j = _selu(dot(hx, wj1[...]) + bj1_r[...])
    j = dot(j, wj2[...]) + bj2_r[...]
    out_ref[...] = rr * j

  blk = lambda i: (i, 0)
  return pl.pallas_call(
      body,
      grid=(NS,),
      in_specs=[
          pl.BlockSpec((NB, N_H), blk),
          pl.BlockSpec((NB, 2), blk),
          _full((32, 128)), _full((1, 128)),
          _full((128, 128)), _full((1, 128)),
          _full((32, 128)), _full((1, 128)),
          _full((128, 128)), _full((1, 128)),
      ],
      out_specs=pl.BlockSpec((NB, 128), blk),
      out_shape=jax.ShapeDtypeStruct((N_P, 128), jnp.float32),
  )(h, xp, Wi32, bi, Wr, br, Wj132, bj1, Wj2, bj2)


def _tc_final(nb0, nb1, Wf1, bf1, Wf2p, bf2):
  def body(n0_ref, n1_ref, wf1, bf1_r, wf2, bf2_r, out_ref):
    nb = n0_ref[...] + n1_ref[...]
    t = _selu(_dot(nb, wf1[...], _EMUL_FIN) + bf1_r[...])
    out_ref[...] = _dot(t, wf2[...], _EMUL_FIN) + bf2_r[0, 0]

  return pl.pallas_call(
      body,
      grid=(1,),
      in_specs=[
          _full((N_GRAPHS, 128)), _full((N_GRAPHS, 128)),
          _full((128, 128)), _full((1, 128)),
          _full((128, 128)), _full((1, 1)),
      ],
      out_specs=_full((N_GRAPHS, 128)),
      out_shape=jax.ShapeDtypeStruct((N_GRAPHS, 128), jnp.float32),
  )(nb0, nb1, Wf1, bf1, Wf2p, bf2)



def kernel(x, e, first, second, segment, Wl1, bl1, Wl2, bl2, Wb1, bb1,
           Wb2, bb2, Wg, Ug, bg, Wi, bi, Wr, br, Wj1, bj1, Wj2, bj2,
           Wf1, bf1, Wf2, bf2):
  pad_n = N_P - N_NODES
  h = jnp.pad(x, ((0, pad_n), (0, N_H - 2)))
  xp = jnp.pad(x, ((0, pad_n), (0, 0)))
  first2d = first.reshape(E_CHUNKS, CH)
  second2d = second.reshape(E_CHUNKS, CH)
  seg_pad = N_GRAPHS + (jnp.arange(pad_n, dtype=jnp.int32) % (G_P - N_GRAPHS))
  seg2d = jnp.concatenate([segment, seg_pad]).reshape(G_CHUNKS, CH)
  zeros_n = jnp.zeros((N_P, N_H), jnp.float32)
  zeros_g = jnp.zeros((G_P, 128), jnp.float32)

  Wl1r = Wl1.reshape(1, 64)
  Wb1r = Wb1.reshape(1, 64)
  bl1r = bl1.reshape(1, 64)
  bb1r = bb1.reshape(1, 64)
  bl2r = bl2.reshape(1, 256)
  bb2r = bb2.reshape(1, N_H)
  Wgz, Wgr, Wgn = Wg[:, :16], Wg[:, 16:32], Wg[:, 32:]
  Ugz, Ugr, Ugn = Ug[:, :16], Ug[:, 16:32], Ug[:, 32:]
  bgz, bgr, bgn = bg[:16].reshape(1, 16), bg[16:32].reshape(1, 16), \
      bg[32:].reshape(1, 16)
  Wi32 = jnp.pad(Wi, ((0, 14), (0, 0)))
  Wj132 = jnp.pad(Wj1, ((0, 14), (0, 0)))
  bir = bi.reshape(1, 128)
  brr = br.reshape(1, 128)
  bj1r = bj1.reshape(1, 128)
  bj2r = bj2.reshape(1, 128)
  bf1r = bf1.reshape(1, 128)
  Wf2p = jnp.pad(Wf2, ((0, 0), (0, 127)))
  bf2r = bf2.reshape(1, 1)

  for _ in range(2):
    hg = _sc_gather(h, first2d)
    m = _tc_edge(e, hg, Wl1r, bl1r, Wl2, bl2r, Wb1r, bb1r, Wb2, bb2r)
    parts = _sc_scatter_nodes(m, second2d, zeros_n)
    h = _tc_gru(h, parts[0], parts[1], Wgz, Wgr, Wgn, Ugz, Ugr, Ugn,
                bgz, bgr, bgn)

  rr = _tc_readout(h, xp, Wi32, bir, Wr, brr, Wj132, bj1r, Wj2, bj2r)
  partsg = _sc_segsum_graphs(rr, seg2d, zeros_g)
  f = _tc_final(partsg[0, :N_GRAPHS], partsg[1, :N_GRAPHS], Wf1, bf1r,
                Wf2p, bf2r)
  return f[:, :1]

# --- scband reference (transcript-rebuilt; emitter-appended) ---
"""Pipeline reference for scband-message-passing-38199439131004 (READ-ONLY COPY).

The authoritative reference and input builder live on the scoring server;
editing this copy changes nothing except your own understanding.
"""

import jax, jax.numpy as jnp
import numpy as np

N_NODES = 50000
N_EDGES = 800000
N_PAD = 14
N_H = 16
N_PAS = 2
MHID = 64
NINF = 128
RN = 128
N_GRAPHS = 1024


def _dense(k, fan_in, fan_out):
    return jax.random.normal(k, (fan_in, fan_out), dtype=jnp.float32) / np.sqrt(fan_in)


def setup_inputs(seed: int = 0) -> dict:
    key = jax.random.key(seed)
    ks = jax.random.split(key, 20)
    inp = {}
    inp["x"] = jax.random.normal(ks[0], (N_NODES, 2), dtype=jnp.float32)
    inp["e"] = jax.random.normal(ks[1], (N_EDGES, 1), dtype=jnp.float32)
    inp["first"] = jax.random.randint(ks[2], (N_EDGES,), 0, N_NODES, dtype=jnp.int32)
    inp["second"] = jax.random.randint(ks[3], (N_EDGES,), 0, N_NODES, dtype=jnp.int32)
    inp["segment"] = jnp.sort(jax.random.randint(ks[4], (N_NODES,), 0, N_GRAPHS, dtype=jnp.int32))
    inp["Wl1"] = _dense(ks[5], 1, MHID); inp["bl1"] = jnp.zeros((MHID,), jnp.float32)
    inp["Wl2"] = _dense(ks[6], MHID, N_H * N_H); inp["bl2"] = jnp.zeros((N_H * N_H,), jnp.float32)
    inp["Wb1"] = _dense(ks[7], 1, MHID); inp["bb1"] = jnp.zeros((MHID,), jnp.float32)
    inp["Wb2"] = _dense(ks[8], MHID, N_H); inp["bb2"] = jnp.zeros((N_H,), jnp.float32)
    inp["Wg"] = _dense(ks[9], N_H, 3 * N_H); inp["Ug"] = _dense(ks[10], N_H, 3 * N_H); inp["bg"] = jnp.zeros((3 * N_H,), jnp.float32)
    inp["Wi"] = _dense(ks[11], N_H + 2, RN); inp["bi"] = jnp.zeros((RN,), jnp.float32)
    inp["Wr"] = _dense(ks[12], RN, RN); inp["br"] = jnp.zeros((RN,), jnp.float32)
    inp["Wj1"] = _dense(ks[13], N_H + 2, RN); inp["bj1"] = jnp.zeros((RN,), jnp.float32)
    inp["Wj2"] = _dense(ks[14], RN, RN); inp["bj2"] = jnp.zeros((RN,), jnp.float32)
    inp["Wf1"] = _dense(ks[15], RN, NINF); inp["bf1"] = jnp.zeros((NINF,), jnp.float32)
    inp["Wf2"] = _dense(ks[16], NINF, 1); inp["bf2"] = jnp.zeros((1,), jnp.float32)
    return inp


def reference(x, e, first, second, segment, Wl1, bl1, Wl2, bl2, Wb1, bb1, Wb2, bb2, Wg, Ug, bg, Wi, bi, Wr, br, Wj1, bj1, Wj2, bj2, Wf1, bf1, Wf2, bf2):
    h = jnp.pad(x, ((0, 0), (0, N_PAD)))
    for _ in range(N_PAS):
        hg = jnp.take(h, first, axis=0)
        a = (jax.nn.selu(e @ Wl1 + bl1) @ Wl2 + bl2).reshape(-1, N_H, N_H)
        m = jnp.einsum('eij,ej->ei', a, hg)
        bvec = jax.nn.selu(e @ Wb1 + bb1) @ Wb2 + bb2
        m = m + bvec
        m = jax.ops.segment_sum(m, second, num_segments=N_NODES)
        gx = m @ Wg + bg
        gh = h @ Ug
        xz, xr, xn = jnp.split(gx, 3, axis=1)
        hz, hr, hn = jnp.split(gh, 3, axis=1)
        z = jax.nn.sigmoid(xz + hz)
        r = jax.nn.sigmoid(xr + hr)
        n = jnp.tanh(xn + r * hn)
        h = z * h + (1.0 - z) * n
    hx = jnp.concatenate([h, x], axis=1)
    i_ = jnp.tanh(hx @ Wi + bi)
    RR = jax.nn.sigmoid(i_ @ Wr + br)
    j = jax.nn.selu(hx @ Wj1 + bj1)
    j = j @ Wj2 + bj2
    RR = RR * j
    nb = jax.ops.segment_sum(RR, segment, num_segments=N_GRAPHS, indices_are_sorted=True)
    f = jax.nn.selu(nb @ Wf1 + bf1)
    f = f @ Wf2 + bf2
    return f

if __name__ == "__main__":
    import jax
    _d = setup_inputs()
    print(jax.jit(kernel)(*tuple(_d.values())))

</pallas_src>

<mosaic_0001>
#map = affine_map<(d0, d1) -> (0, 0)>
module attributes {stable_mosaic.version = 14 : i64} {
  func.func @body(%arg0: i32, %arg1: i32, %arg2: memref<50048x16xf32, #tpu.memory_space<hbm>>, %arg3: memref<6250x128xi32, #tpu.memory_space<hbm>>, %arg4: memref<800000x16xf32, #tpu.memory_space<hbm>>, %arg5: memref<196x128xi32, #tpu.memory_space<vmem>>, %arg6: memref<128x16xf32, #tpu.memory_space<vmem>>, %arg7: memref<!tpu.dma_semaphore, #tpu.memory_space<semaphore_mem>>) attributes {dimension_semantics = [#tpu.dimension_semantics<core_parallel>, #tpu.dimension_semantics<subcore_parallel>], iteration_bounds = array<i64: 2, 16>, scalar_prefetch = 0 : i64, scratch_operands = 3 : i64, tpu.core_type = #tpu.core_type<sc_vector_subcore>, window_params = [{transform_indices = #map}, {transform_indices = #map}, {transform_indices = #map}]} {
    %mul3A = arith.constant 2 : i32
    %mul3A_0 = arith.muli %arg1, %mul3A : i32
    %add3A = arith.addi %mul3A_0, %arg0 : i32
    %mul3A_1 = arith.constant 6250 : i32
    %mul3A_2 = arith.muli %add3A, %mul3A_1 : i32
    %jit3A = arith.constant 32 : i32
    %div3A = arith.divsi %mul3A_2, %jit3A : i32
    %sign3A = arith.constant 0 : i32
    %sign3A_3 = arith.cmpi sgt, %mul3A_2, %sign3A : i32
    %sign3A_4 = arith.extui %sign3A_3 : i1 to i32
    %sign3A_5 = arith.constant 0 : i32
    %sign3A_6 = arith.cmpi slt, %mul3A_2, %sign3A_5 : i32
    %sign3A_7 = arith.extui %sign3A_6 : i1 to i32
    %sign3A_8 = arith.subi %sign3A_4, %sign3A_7 : i32
    %sign3A_9 = arith.constant 0 : i32
    %sign3A_10 = arith.cmpi sgt, %jit3A, %sign3A_9 : i32
    %sign3A_11 = arith.extui %sign3A_10 : i1 to i32
    %sign3A_12 = arith.constant 0 : i32
    %sign3A_13 = arith.cmpi slt, %jit3A, %sign3A_12 : i32
    %sign3A_14 = arith.extui %sign3A_13 : i1 to i32
    %sign3A_15 = arith.subi %sign3A_11, %sign3A_14 : i32
    %ne3A = arith.cmpi ne, %sign3A_8, %sign3A_15 : i32
    %rem3A = arith.remsi %mul3A_2, %jit3A : i32
    %ne3A_16 = arith.constant 0 : i32
    %ne3A_17 = arith.cmpi ne, %rem3A, %ne3A_16 : i32
    %and3A = arith.andi %ne3A, %ne3A_17 : i1
    %sub3A = arith.constant 1 : i32
    %sub3A_18 = arith.subi %div3A, %sub3A : i32
    %select_n3A = arith.select %and3A, %sub3A_18, %div3A : i32
    %add3A_19 = arith.constant 1 : i32
    %add3A_20 = arith.addi %add3A, %add3A_19 : i32
    %mul3A_21 = arith.constant 6250 : i32
    %mul3A_22 = arith.muli %add3A_20, %mul3A_21 : i32
    %jit3A_23 = arith.constant 32 : i32
    %div3A_24 = arith.divsi %mul3A_22, %jit3A_23 : i32
    %sign3A_25 = arith.constant 0 : i32
    %sign3A_26 = arith.cmpi sgt, %mul3A_22, %sign3A_25 : i32
    %sign3A_27 = arith.extui %sign3A_26 : i1 to i32
    %sign3A_28 = arith.constant 0 : i32
    %sign3A_29 = arith.cmpi slt, %mul3A_22, %sign3A_28 : i32
    %sign3A_30 = arith.extui %sign3A_29 : i1 to i32
    %sign3A_31 = arith.subi %sign3A_27, %sign3A_30 : i32
    %sign3A_32 = arith.constant 0 : i32
    %sign3A_33 = arith.cmpi sgt, %jit3A_23, %sign3A_32 : i32
    %sign3A_34 = arith.extui %sign3A_33 : i1 to i32
    %sign3A_35 = arith.constant 0 : i32
    %sign3A_36 = arith.cmpi slt, %jit3A_23, %sign3A_35 : i32
    %sign3A_37 = arith.extui %sign3A_36 : i1 to i32
    %sign3A_38 = arith.subi %sign3A_34, %sign3A_37 : i32
    %ne3A_39 = arith.cmpi ne, %sign3A_31, %sign3A_38 : i32
    %rem3A_40 = arith.remsi %mul3A_22, %jit3A_23 : i32
    %ne3A_41 = arith.constant 0 : i32
    %ne3A_42 = arith.cmpi ne, %rem3A_40, %ne3A_41 : i32
    %and3A_43 = arith.andi %ne3A_39, %ne3A_42 : i1
    %sub3A_44 = arith.constant 1 : i32
    %sub3A_45 = arith.subi %div3A_24, %sub3A_44 : i32
    %select_n3A_46 = arith.select %and3A_43, %sub3A_45, %div3A_24 : i32
    %min3A = arith.constant 6054 : i32
    %min3A_47 = arith.minsi %select_n3A, %min3A : i32
    "tpu.region"() ({
      %run_scoped3A = tpu.sem_alloc : memref<!tpu.dma_semaphore, #tpu.memory_space<semaphore_mem>>
      %dma_start3A = arith.constant 0 : i32
      %dma_start3A_56 = tpu.memref_slice %arg3[%min3A_47, %dma_start3A] : memref<6250x128xi32, #tpu.memory_space<hbm>> -> memref<196x128xi32, #tpu.memory_space<hbm>>
      %dma_start3A_57 = arith.constant 0 : i32
      %dma_start3A_58 = tpu.memref_slice %arg3[%min3A_47, %dma_start3A_57] : memref<6250x128xi32, #tpu.memory_space<hbm>> -> memref<196x128xi32, #tpu.memory_space<hbm>>
      tpu.enqueue_dma source(%dma_start3A_58 : memref<196x128xi32, #tpu.memory_space<hbm>>) target(%arg5 : memref<196x128xi32, #tpu.memory_space<vmem>>) target_semaphore(%run_scoped3A : memref<!tpu.dma_semaphore, #tpu.memory_space<semaphore_mem>>)
      %dma_wait3A = arith.constant 0 : i32
      %dma_wait3A_59 = tpu.memref_slice %arg3[%min3A_47, %dma_wait3A] : memref<6250x128xi32, #tpu.memory_space<hbm>> -> memref<196x128xi32, #tpu.memory_space<hbm>>
      %dma_wait3A_60 = arith.constant 0 : i32
      %dma_wait3A_61 = tpu.memref_slice %arg3[%min3A_47, %dma_wait3A_60] : memref<6250x128xi32, #tpu.memory_space<hbm>> -> memref<196x128xi32, #tpu.memory_space<hbm>>
      tpu.wait_dma2 semaphore(%run_scoped3A : memref<!tpu.dma_semaphore, #tpu.memory_space<semaphore_mem>>) src(%dma_wait3A_61 : memref<196x128xi32, #tpu.memory_space<hbm>>) dst(%arg5 : memref<196x128xi32, #tpu.memory_space<vmem>>)
      tpu.yield
    }) : () -> ()
    %while3A = arith.constant 0 : i32
    %while3A_48 = arith.subi %select_n3A_46, %select_n3A : i32
    %while3A_49 = arith.addi %select_n3A, %while3A_48 : i32
    %while3A_50 = arith.constant 1 : i32
    %while3A_51 = arith.divsi %while3A_48, %while3A_50 : i32
    %while3A_52 = arith.muli %while3A_51, %while3A_50 : i32
    %while3A_53 = arith.addi %select_n3A, %while3A_52 : i32
    %while3A_54 = arith.constant 1 : i32
    scf.for %while3A_56 = %select_n3A to %while3A_53 step %while3A_54  : i32 {
      %sub3A_57 = arith.subi %while3A_56, %min3A_47 : i32
      %dma_start3A = arith.constant 0 : i32
      %dma_start3A_58 = tpu.memref_slice %arg5[%sub3A_57, %dma_start3A] : memref<196x128xi32, #tpu.memory_space<vmem>> -> memref<1x128xi32, #tpu.memory_space<vmem>>
      %dma_start3A_59 = tpu.memref_squeeze %dma_start3A_58 : memref<1x128xi32, #tpu.memory_space<vmem>> -> memref<128xi32, #tpu.memory_space<vmem>>
      %dma_start3A_60 = arith.constant 0 : i32
      %dma_start3A_61 = arith.constant 0 : i32
      %dma_start3A_62 = tpu.memref_slice %arg2[%dma_start3A_60, %dma_start3A_61] : memref<50048x16xf32, #tpu.memory_space<hbm>> -> memref<50048x16xf32, #tpu.memory_space<hbm>>
      tpu.enqueue_indirect_dma source(%dma_start3A_62 : memref<50048x16xf32, #tpu.memory_space<hbm>>) target(%arg6 : memref<128x16xf32, #tpu.memory_space<vmem>>) offsets(%dma_start3A_59 : memref<128xi32, #tpu.memory_space<vmem>>) semaphore(%arg7 : memref<!tpu.dma_semaphore, #tpu.memory_space<semaphore_mem>>)
      %dma_wait3A = arith.constant 0 : i32
      %dma_wait3A_63 = tpu.memref_slice %arg5[%sub3A_57, %dma_wait3A] : memref<196x128xi32, #tpu.memory_space<vmem>> -> memref<1x128xi32, #tpu.memory_space<vmem>>
      %dma_wait3A_64 = tpu.memref_squeeze %dma_wait3A_63 : memref<1x128xi32, #tpu.memory_space<vmem>> -> memref<128xi32, #tpu.memory_space<vmem>>
      %dma_wait3A_65 = arith.constant 0 : i32
      %dma_wait3A_66 = arith.constant 0 : i32
      %dma_wait3A_67 = tpu.memref_slice %arg2[%dma_wait3A_65, %dma_wait3A_66] : memref<50048x16xf32, #tpu.memory_space<hbm>> -> memref<50048x16xf32, #tpu.memory_space<hbm>>
      tpu.wait_indirect_dma semaphore(%arg7 : memref<!tpu.dma_semaphore, #tpu.memory_space<semaphore_mem>>) src(%dma_wait3A_67 : memref<50048x16xf32, #tpu.memory_space<hbm>>) dst(%arg6 : memref<128x16xf32, #tpu.memory_space<vmem>>)
      %mul3A_68 = arith.constant 128 : i32
      %mul3A_69 = arith.muli %while3A_56, %mul3A_68 : i32
      "tpu.region"() ({
        %run_scoped3A = tpu.sem_alloc : memref<!tpu.dma_semaphore, #tpu.memory_space<semaphore_mem>>
        %dma_start3A_70 = arith.constant 0 : i32
        %dma_start3A_71 = tpu.memref_slice %arg4[%mul3A_69, %dma_start3A_70] : memref<800000x16xf32, #tpu.memory_space<hbm>> -> memref<128x16xf32, #tpu.memory_space<hbm>>
        %dma_start3A_72 = arith.constant 0 : i32
        %dma_start3A_73 = tpu.memref_slice %arg4[%mul3A_69, %dma_start3A_72] : memref<800000x16xf32, #tpu.memory_space<hbm>> -> memref<128x16xf32, #tpu.memory_space<hbm>>
        tpu.enqueue_dma source(%arg6 : memref<128x16xf32, #tpu.memory_space<vmem>>) target(%dma_start3A_73 : memref<128x16xf32, #tpu.memory_space<hbm>>) target_semaphore(%run_scoped3A : memref<!tpu.dma_semaphore, #tpu.memory_space<semaphore_mem>>)
        %dma_wait3A_74 = arith.constant 0 : i32
        %dma_wait3A_75 = tpu.memref_slice %arg4[%mul3A_69, %dma_wait3A_74] : memref<800000x16xf32, #tpu.memory_space<hbm>> -> memref<128x16xf32, #tpu.memory_space<hbm>>
        %dma_wait3A_76 = arith.constant 0 : i32
        %dma_wait3A_77 = tpu.memref_slice %arg4[%mul3A_69, %dma_wait3A_76] : memref<800000x16xf32, #tpu.memory_space<hbm>> -> memref<128x16xf32, #tpu.memory_space<hbm>>
        tpu.wait_dma2 semaphore(%run_scoped3A : memref<!tpu.dma_semaphore, #tpu.memory_space<semaphore_mem>>) src(%arg6 : memref<128x16xf32, #tpu.memory_space<vmem>>) dst(%dma_wait3A_77 : memref<128x16xf32, #tpu.memory_space<hbm>>)
        tpu.yield
      }) : () -> ()
    }
    %while3A_55 = arith.constant 1 : i32
    scf.for %while3A_56 = %while3A_53 to %while3A_49 step %while3A_55  : i32 {
      %sub3A_57 = arith.subi %while3A_56, %min3A_47 : i32
      %dma_start3A = arith.constant 0 : i32
      %dma_start3A_58 = tpu.memref_slice %arg5[%sub3A_57, %dma_start3A] : memref<196x128xi32, #tpu.memory_space<vmem>> -> memref<1x128xi32, #tpu.memory_space<vmem>>
      %dma_start3A_59 = tpu.memref_squeeze %dma_start3A_58 : memref<1x128xi32, #tpu.memory_space<vmem>> -> memref<128xi32, #tpu.memory_space<vmem>>
      %dma_start3A_60 = arith.constant 0 : i32
      %dma_start3A_61 = arith.constant 0 : i32
      %dma_start3A_62 = tpu.memref_slice %arg2[%dma_start3A_60, %dma_start3A_61] : memref<50048x16xf32, #tpu.memory_space<hbm>> -> memref<50048x16xf32, #tpu.memory_space<hbm>>
      tpu.enqueue_indirect_dma source(%dma_start3A_62 : memref<50048x16xf32, #tpu.memory_space<hbm>>) target(%arg6 : memref<128x16xf32, #tpu.memory_space<vmem>>) offsets(%dma_start3A_59 : memref<128xi32, #tpu.memory_space<vmem>>) semaphore(%arg7 : memref<!tpu.dma_semaphore, #tpu.memory_space<semaphore_mem>>)
      %dma_wait3A = arith.constant 0 : i32
      %dma_wait3A_63 = tpu.memref_slice %arg5[%sub3A_57, %dma_wait3A] : memref<196x128xi32, #tpu.memory_space<vmem>> -> memref<1x128xi32, #tpu.memory_space<vmem>>
      %dma_wait3A_64 = tpu.memref_squeeze %dma_wait3A_63 : memref<1x128xi32, #tpu.memory_space<vmem>> -> memref<128xi32, #tpu.memory_space<vmem>>
      %dma_wait3A_65 = arith.constant 0 : i32
      %dma_wait3A_66 = arith.constant 0 : i32
      %dma_wait3A_67 = tpu.memref_slice %arg2[%dma_wait3A_65, %dma_wait3A_66] : memref<50048x16xf32, #tpu.memory_space<hbm>> -> memref<50048x16xf32, #tpu.memory_space<hbm>>
      tpu.wait_indirect_dma semaphore(%arg7 : memref<!tpu.dma_semaphore, #tpu.memory_space<semaphore_mem>>) src(%dma_wait3A_67 : memref<50048x16xf32, #tpu.memory_space<hbm>>) dst(%arg6 : memref<128x16xf32, #tpu.memory_space<vmem>>)
      %mul3A_68 = arith.constant 128 : i32
      %mul3A_69 = arith.muli %while3A_56, %mul3A_68 : i32
      "tpu.region"() ({
        %run_scoped3A = tpu.sem_alloc : memref<!tpu.dma_semaphore, #tpu.memory_space<semaphore_mem>>
        %dma_start3A_70 = arith.constant 0 : i32
        %dma_start3A_71 = tpu.memref_slice %arg4[%mul3A_69, %dma_start3A_70] : memref<800000x16xf32, #tpu.memory_space<hbm>> -> memref<128x16xf32, #tpu.memory_space<hbm>>
        %dma_start3A_72 = arith.constant 0 : i32
        %dma_start3A_73 = tpu.memref_slice %arg4[%mul3A_69, %dma_start3A_72] : memref<800000x16xf32, #tpu.memory_space<hbm>> -> memref<128x16xf32, #tpu.memory_space<hbm>>
        tpu.enqueue_dma source(%arg6 : memref<128x16xf32, #tpu.memory_space<vmem>>) target(%dma_start3A_73 : memref<128x16xf32, #tpu.memory_space<hbm>>) target_semaphore(%run_scoped3A : memref<!tpu.dma_semaphore, #tpu.memory_space<semaphore_mem>>)
        %dma_wait3A_74 = arith.constant 0 : i32
        %dma_wait3A_75 = tpu.memref_slice %arg4[%mul3A_69, %dma_wait3A_74] : memref<800000x16xf32, #tpu.memory_space<hbm>> -> memref<128x16xf32, #tpu.memory_space<hbm>>
        %dma_wait3A_76 = arith.constant 0 : i32
        %dma_wait3A_77 = tpu.memref_slice %arg4[%mul3A_69, %dma_wait3A_76] : memref<800000x16xf32, #tpu.memory_space<hbm>> -> memref<128x16xf32, #tpu.memory_space<hbm>>
        tpu.wait_dma2 semaphore(%run_scoped3A : memref<!tpu.dma_semaphore, #tpu.memory_space<semaphore_mem>>) src(%arg6 : memref<128x16xf32, #tpu.memory_space<vmem>>) dst(%dma_wait3A_77 : memref<128x16xf32, #tpu.memory_space<hbm>>)
        tpu.yield
      }) : () -> ()
    }
    return
  }
}

#map = affine_map<(d0, d1) -> (0, 0)>
#map1 = affine_map<(d0, d1) -> (0, 0, 0)>
module attributes {stable_mosaic.version = 14 : i64} {
  func.func @body(%arg0: i32, %arg1: i32, %arg2: memref<800000x16xf32, #tpu.memory_space<hbm>>, %arg3: memref<6250x128xi32, #tpu.memory_space<hbm>>, %arg4: memref<50048x16xf32, #tpu.memory_space<hbm>>, %arg5: memref<2x50048x16xf32, #tpu.memory_space<hbm>>, %arg6: memref<196x128xi32, #tpu.memory_space<vmem>>, %arg7: memref<128x16xf32, #tpu.memory_space<vmem>>, %arg8: memref<50048x16xf32, #tpu.memory_space<vmem_shared>>) attributes {dimension_semantics = [#tpu.dimension_semantics<core_parallel>, #tpu.dimension_semantics<subcore_parallel>], iteration_bounds = array<i64: 2, 16>, scalar_prefetch = 0 : i64, scratch_operands = 3 : i64, tpu.core_type = #tpu.core_type<sc_vector_subcore>, window_params = [{transform_indices = #map}, {transform_indices = #map}, {transform_indices = #map}, {transform_indices = #map1}]} {
    %mul3A = arith.constant 2 : i32
    %mul3A_0 = arith.muli %arg1, %mul3A : i32
    %add3A = arith.addi %mul3A_0, %arg0 : i32
    %mul3A_1 = arith.constant 3128 : i32
    %mul3A_2 = arith.muli %arg1, %mul3A_1 : i32
    %mul3A_3 = arith.constant 6250 : i32
    %mul3A_4 = arith.muli %add3A, %mul3A_3 : i32
    %jit3A = arith.constant 32 : i32
    %div3A = arith.divsi %mul3A_4, %jit3A : i32
    %sign3A = arith.constant 0 : i32
    %sign3A_5 = arith.cmpi sgt, %mul3A_4, %sign3A : i32
    %sign3A_6 = arith.extui %sign3A_5 : i1 to i32
    %sign3A_7 = arith.constant 0 : i32
    %sign3A_8 = arith.cmpi slt, %mul3A_4, %sign3A_7 : i32
    %sign3A_9 = arith.extui %sign3A_8 : i1 to i32
    %sign3A_10 = arith.subi %sign3A_6, %sign3A_9 : i32
    %sign3A_11 = arith.constant 0 : i32
    %sign3A_12 = arith.cmpi sgt, %jit3A, %sign3A_11 : i32
    %sign3A_13 = arith.extui %sign3A_12 : i1 to i32
    %sign3A_14 = arith.constant 0 : i32
    %sign3A_15 = arith.cmpi slt, %jit3A, %sign3A_14 : i32
    %sign3A_16 = arith.extui %sign3A_15 : i1 to i32
    %sign3A_17 = arith.subi %sign3A_13, %sign3A_16 : i32
    %ne3A = arith.cmpi ne, %sign3A_10, %sign3A_17 : i32
    %rem3A = arith.remsi %mul3A_4, %jit3A : i32
    %ne3A_18 = arith.constant 0 : i32
    %ne3A_19 = arith.cmpi ne, %rem3A, %ne3A_18 : i32
    %and3A = arith.andi %ne3A, %ne3A_19 : i1
    %sub3A = arith.constant 1 : i32
    %sub3A_20 = arith.subi %div3A, %sub3A : i32
    %select_n3A = arith.select %and3A, %sub3A_20, %div3A : i32
    %add3A_21 = arith.constant 1 : i32
    %add3A_22 = arith.addi %add3A, %add3A_21 : i32
    %mul3A_23 = arith.constant 6250 : i32
    %mul3A_24 = arith.muli %add3A_22, %mul3A_23 : i32
    %jit3A_25 = arith.constant 32 : i32
    %div3A_26 = arith.divsi %mul3A_24, %jit3A_25 : i32
    %sign3A_27 = arith.constant 0 : i32
    %sign3A_28 = arith.cmpi sgt, %mul3A_24, %sign3A_27 : i32
    %sign3A_29 = arith.extui %sign3A_28 : i1 to i32
    %sign3A_30 = arith.constant 0 : i32
    %sign3A_31 = arith.cmpi slt, %mul3A_24, %sign3A_30 : i32
    %sign3A_32 = arith.extui %sign3A_31 : i1 to i32
    %sign3A_33 = arith.subi %sign3A_29, %sign3A_32 : i32
    %sign3A_34 = arith.constant 0 : i32
    %sign3A_35 = arith.cmpi sgt, %jit3A_25, %sign3A_34 : i32
    %sign3A_36 = arith.extui %sign3A_35 : i1 to i32
    %sign3A_37 = arith.constant 0 : i32
    %sign3A_38 = arith.cmpi slt, %jit3A_25, %sign3A_37 : i32
    %sign3A_39 = arith.extui %sign3A_38 : i1 to i32
    %sign3A_40 = arith.subi %sign3A_36, %sign3A_39 : i32
    %ne3A_41 = arith.cmpi ne, %sign3A_33, %sign3A_40 : i32
    %rem3A_42 = arith.remsi %mul3A_24, %jit3A_25 : i32
    %ne3A_43 = arith.constant 0 : i32
    %ne3A_44 = arith.cmpi ne, %rem3A_42, %ne3A_43 : i32
    %and3A_45 = arith.andi %ne3A_41, %ne3A_44 : i1
    %sub3A_46 = arith.constant 1 : i32
    %sub3A_47 = arith.subi %div3A_26, %sub3A_46 : i32
    %select_n3A_48 = arith.select %and3A_45, %sub3A_47, %div3A_26 : i32
    %min3A = arith.constant 6054 : i32
    %min3A_49 = arith.minsi %select_n3A, %min3A : i32
    "tpu.region"() ({
      %run_scoped3A = tpu.sem_alloc : memref<!tpu.dma_semaphore, #tpu.memory_space<semaphore_mem>>
      %dma_start3A = arith.constant 0 : i32
      %dma_start3A_59 = tpu.memref_slice %arg3[%min3A_49, %dma_start3A] : memref<6250x128xi32, #tpu.memory_space<hbm>> -> memref<196x128xi32, #tpu.memory_space<hbm>>
      %dma_start3A_60 = arith.constant 0 : i32
      %dma_start3A_61 = tpu.memref_slice %arg3[%min3A_49, %dma_start3A_60] : memref<6250x128xi32, #tpu.memory_space<hbm>> -> memref<196x128xi32, #tpu.memory_space<hbm>>
      tpu.enqueue_dma source(%dma_start3A_61 : memref<196x128xi32, #tpu.memory_space<hbm>>) target(%arg6 : memref<196x128xi32, #tpu.memory_space<vmem>>) target_semaphore(%run_scoped3A : memref<!tpu.dma_semaphore, #tpu.memory_space<semaphore_mem>>)
      %dma_wait3A = arith.constant 0 : i32
      %dma_wait3A_62 = tpu.memref_slice %arg3[%min3A_49, %dma_wait3A] : memref<6250x128xi32, #tpu.memory_space<hbm>> -> memref<196x128xi32, #tpu.memory_space<hbm>>
      %dma_wait3A_63 = arith.constant 0 : i32
      %dma_wait3A_64 = tpu.memref_slice %arg3[%min3A_49, %dma_wait3A_63] : memref<6250x128xi32, #tpu.memory_space<hbm>> -> memref<196x128xi32, #tpu.memory_space<hbm>>
      tpu.wait_dma2 semaphore(%run_scoped3A : memref<!tpu.dma_semaphore, #tpu.memory_space<semaphore_mem>>) src(%dma_wait3A_64 : memref<196x128xi32, #tpu.memory_space<hbm>>) dst(%arg6 : memref<196x128xi32, #tpu.memory_space<vmem>>)
      tpu.yield
    }) : () -> ()
    "tpu.region"() ({
      %run_scoped3A = tpu.sem_alloc : memref<!tpu.dma_semaphore, #tpu.memory_space<semaphore_mem>>
      %dma_start3A = arith.constant 0 : i32
      %dma_start3A_59 = tpu.memref_slice %arg8[%mul3A_2, %dma_start3A] : memref<50048x16xf32, #tpu.memory_space<vmem_shared>> -> memref<3128x16xf32, #tpu.memory_space<vmem_shared>>
      %dma_start3A_60 = arith.constant 0 : i32
      %dma_start3A_61 = tpu.memref_slice %arg4[%mul3A_2, %dma_start3A_60] : memref<50048x16xf32, #tpu.memory_space<hbm>> -> memref<3128x16xf32, #tpu.memory_space<hbm>>
      tpu.enqueue_dma source(%dma_start3A_61 : memref<3128x16xf32, #tpu.memory_space<hbm>>) target(%dma_start3A_59 : memref<3128x16xf32, #tpu.memory_space<vmem_shared>>) target_semaphore(%run_scoped3A : memref<!tpu.dma_semaphore, #tpu.memory_space<semaphore_mem>>)
      %dma_wait3A = arith.constant 0 : i32
      %dma_wait3A_62 = tpu.memref_slice %arg8[%mul3A_2, %dma_wait3A] : memref<50048x16xf32, #tpu.memory_space<vmem_shared>> -> memref<3128x16xf32, #tpu.memory_space<vmem_shared>>
      %dma_wait3A_63 = arith.constant 0 : i32
      %dma_wait3A_64 = tpu.memref_slice %arg4[%mul3A_2, %dma_wait3A_63] : memref<50048x16xf32, #tpu.memory_space<hbm>> -> memref<3128x16xf32, #tpu.memory_space<hbm>>
      tpu.wait_dma2 semaphore(%run_scoped3A : memref<!tpu.dma_semaphore, #tpu.memory_space<semaphore_mem>>) src(%dma_wait3A_64 : memref<3128x16xf32, #tpu.memory_space<hbm>>) dst(%dma_wait3A_62 : memref<3128x16xf32, #tpu.memory_space<vmem_shared>>)
      tpu.yield
    }) : () -> ()
    %barrier3A = arith.constant 0 : index
    tpu.barrier barrier_id(%barrier3A)
    %while3A = arith.constant 0 : i32
    %while3A_50 = arith.subi %select_n3A_48, %select_n3A : i32
    %while3A_51 = arith.addi %select_n3A, %while3A_50 : i32
    %while3A_52 = arith.constant 1 : i32
    %while3A_53 = arith.divsi %while3A_50, %while3A_52 : i32
    %while3A_54 = arith.muli %while3A_53, %while3A_52 : i32
    %while3A_55 = arith.addi %select_n3A, %while3A_54 : i32
    %while3A_56 = arith.constant 1 : i32
    scf.for %while3A_59 = %select_n3A to %while3A_55 step %while3A_56  : i32 {
      %mul3A_60 = arith.constant 128 : i32
      %mul3A_61 = arith.muli %while3A_59, %mul3A_60 : i32
      "tpu.region"() ({
        %run_scoped3A = tpu.sem_alloc : memref<!tpu.dma_semaphore, #tpu.memory_space<semaphore_mem>>
        %dma_start3A = arith.constant 0 : i32
        %dma_start3A_63 = tpu.memref_slice %arg2[%mul3A_61, %dma_start3A] : memref<800000x16xf32, #tpu.memory_space<hbm>> -> memref<128x16xf32, #tpu.memory_space<hbm>>
        %dma_start3A_64 = arith.constant 0 : i32
        %dma_start3A_65 = tpu.memref_slice %arg2[%mul3A_61, %dma_start3A_64] : memref<800000x16xf32, #tpu.memory_space<hbm>> -> memref<128x16xf32, #tpu.memory_space<hbm>>
        tpu.enqueue_dma source(%dma_start3A_65 : memref<128x16xf32, #tpu.memory_space<hbm>>) target(%arg7 : memref<128x16xf32, #tpu.memory_space<vmem>>) target_semaphore(%run_scoped3A : memref<!tpu.dma_semaphore, #tpu.memory_space<semaphore_mem>>)
        %dma_wait3A = arith.constant 0 : i32
        %dma_wait3A_66 = tpu.memref_slice %arg2[%mul3A_61, %dma_wait3A] : memref<800000x16xf32, #tpu.memory_space<hbm>> -> memref<128x16xf32, #tpu.memory_space<hbm>>
        %dma_wait3A_67 = arith.constant 0 : i32
        %dma_wait3A_68 = tpu.memref_slice %arg2[%mul3A_61, %dma_wait3A_67] : memref<800000x16xf32, #tpu.memory_space<hbm>> -> memref<128x16xf32, #tpu.memory_space<hbm>>
        tpu.wait_dma2 semaphore(%run_scoped3A : memref<!tpu.dma_semaphore, #tpu.memory_space<semaphore_mem>>) src(%dma_wait3A_68 : memref<128x16xf32, #tpu.memory_space<hbm>>) dst(%arg7 : memref<128x16xf32, #tpu.memory_space<vmem>>)
        tpu.yield
      }) : () -> ()
      %sub3A_62 = arith.subi %while3A_59, %min3A_49 : i32
      "tpu.region"() ({
        %run_scoped3A = tpu.sem_alloc : memref<!tpu.dma_semaphore, #tpu.memory_space<semaphore_mem>>
        %dma_start3A = arith.constant 0 : i32
        %dma_start3A_63 = tpu.memref_slice %arg6[%sub3A_62, %dma_start3A] : memref<196x128xi32, #tpu.memory_space<vmem>> -> memref<1x128xi32, #tpu.memory_space<vmem>>
        %dma_start3A_64 = tpu.memref_squeeze %dma_start3A_63 : memref<1x128xi32, #tpu.memory_space<vmem>> -> memref<128xi32, #tpu.memory_space<vmem>>
        %dma_start3A_65 = arith.constant 0 : i32
        %dma_start3A_66 = arith.constant 0 : i32
        %dma_start3A_67 = tpu.memref_slice %arg8[%dma_start3A_65, %dma_start3A_66] : memref<50048x16xf32, #tpu.memory_space<vmem_shared>> -> memref<50048x16xf32, #tpu.memory_space<vmem_shared>>
        tpu.enqueue_indirect_dma source(%arg7 : memref<128x16xf32, #tpu.memory_space<vmem>>) target(%dma_start3A_67 : memref<50048x16xf32, #tpu.memory_space<vmem_shared>>) offsets(%dma_start3A_64 : memref<128xi32, #tpu.memory_space<vmem>>) semaphore(%run_scoped3A : memref<!tpu.dma_semaphore, #tpu.memory_space<semaphore_mem>>) {add = true}
        %dma_wait3A = arith.constant 0 : i32
        %dma_wait3A_68 = tpu.memref_slice %arg6[%sub3A_62, %dma_wait3A] : memref<196x128xi32, #tpu.memory_space<vmem>> -> memref<1x128xi32, #tpu.memory_space<vmem>>
        %dma_wait3A_69 = tpu.memref_squeeze %dma_wait3A_68 : memref<1x128xi32, #tpu.memory_space<vmem>> -> memref<128xi32, #tpu.memory_space<vmem>>
        %dma_wait3A_70 = arith.constant 0 : i32
        %dma_wait3A_71 = arith.constant 0 : i32
        %dma_wait3A_72 = tpu.memref_slice %arg8[%dma_wait3A_70, %dma_wait3A_71] : memref<50048x16xf32, #tpu.memory_space<vmem_shared>> -> memref<50048x16xf32, #tpu.memory_space<vmem_shared>>
        tpu.wait_indirect_dma semaphore(%run_scoped3A : memref<!tpu.dma_semaphore, #tpu.memory_space<semaphore_mem>>) src(%arg7 : memref<128x16xf32, #tpu.memory_space<vmem>>) dst(%dma_wait3A_72 : memref<50048x16xf32, #tpu.memory_space<vmem_shared>>)
        tpu.yield
      }) : () -> ()
    }
    %while3A_57 = arith.constant 1 : i32
    scf.for %while3A_59 = %while3A_55 to %while3A_51 step %while3A_57  : i32 {
      %mul3A_60 = arith.constant 128 : i32
      %mul3A_61 = arith.muli %while3A_59, %mul3A_60 : i32
      "tpu.region"() ({
        %run_scoped3A = tpu.sem_alloc : memref<!tpu.dma_semaphore, #tpu.memory_space<semaphore_mem>>
        %dma_start3A = arith.constant 0 : i32
        %dma_start3A_63 = tpu.memref_slice %arg2[%mul3A_61, %dma_start3A] : memref<800000x16xf32, #tpu.memory_space<hbm>> -> memref<128x16xf32, #tpu.memory_space<hbm>>
        %dma_start3A_64 = arith.constant 0 : i32
        %dma_start3A_65 = tpu.memref_slice %arg2[%mul3A_61, %dma_start3A_64] : memref<800000x16xf32, #tpu.memory_space<hbm>> -> memref<128x16xf32, #tpu.memory_space<hbm>>
        tpu.enqueue_dma source(%dma_start3A_65 : memref<128x16xf32, #tpu.memory_space<hbm>>) target(%arg7 : memref<128x16xf32, #tpu.memory_space<vmem>>) target_semaphore(%run_scoped3A : memref<!tpu.dma_semaphore, #tpu.memory_space<semaphore_mem>>)
        %dma_wait3A = arith.constant 0 : i32
        %dma_wait3A_66 = tpu.memref_slice %arg2[%mul3A_61, %dma_wait3A] : memref<800000x16xf32, #tpu.memory_space<hbm>> -> memref<128x16xf32, #tpu.memory_space<hbm>>
        %dma_wait3A_67 = arith.constant 0 : i32
        %dma_wait3A_68 = tpu.memref_slice %arg2[%mul3A_61, %dma_wait3A_67] : memref<800000x16xf32, #tpu.memory_space<hbm>> -> memref<128x16xf32, #tpu.memory_space<hbm>>
        tpu.wait_dma2 semaphore(%run_scoped3A : memref<!tpu.dma_semaphore, #tpu.memory_space<semaphore_mem>>) src(%dma_wait3A_68 : memref<128x16xf32, #tpu.memory_space<hbm>>) dst(%arg7 : memref<128x16xf32, #tpu.memory_space<vmem>>)
        tpu.yield
      }) : () -> ()
      %sub3A_62 = arith.subi %while3A_59, %min3A_49 : i32
      "tpu.region"() ({
        %run_scoped3A = tpu.sem_alloc : memref<!tpu.dma_semaphore, #tpu.memory_space<semaphore_mem>>
        %dma_start3A = arith.constant 0 : i32
        %dma_start3A_63 = tpu.memref_slice %arg6[%sub3A_62, %dma_start3A] : memref<196x128xi32, #tpu.memory_space<vmem>> -> memref<1x128xi32, #tpu.memory_space<vmem>>
        %dma_start3A_64 = tpu.memref_squeeze %dma_start3A_63 : memref<1x128xi32, #tpu.memory_space<vmem>> -> memref<128xi32, #tpu.memory_space<vmem>>
        %dma_start3A_65 = arith.constant 0 : i32
        %dma_start3A_66 = arith.constant 0 : i32
        %dma_start3A_67 = tpu.memref_slice %arg8[%dma_start3A_65, %dma_start3A_66] : memref<50048x16xf32, #tpu.memory_space<vmem_shared>> -> memref<50048x16xf32, #tpu.memory_space<vmem_shared>>
        tpu.enqueue_indirect_dma source(%arg7 : memref<128x16xf32, #tpu.memory_space<vmem>>) target(%dma_start3A_67 : memref<50048x16xf32, #tpu.memory_space<vmem_shared>>) offsets(%dma_start3A_64 : memref<128xi32, #tpu.memory_space<vmem>>) semaphore(%run_scoped3A : memref<!tpu.dma_semaphore, #tpu.memory_space<semaphore_mem>>) {add = true}
        %dma_wait3A = arith.constant 0 : i32
        %dma_wait3A_68 = tpu.memref_slice %arg6[%sub3A_62, %dma_wait3A] : memref<196x128xi32, #tpu.memory_space<vmem>> -> memref<1x128xi32, #tpu.memory_space<vmem>>
        %dma_wait3A_69 = tpu.memref_squeeze %dma_wait3A_68 : memref<1x128xi32, #tpu.memory_space<vmem>> -> memref<128xi32, #tpu.memory_space<vmem>>
        %dma_wait3A_70 = arith.constant 0 : i32
        %dma_wait3A_71 = arith.constant 0 : i32
        %dma_wait3A_72 = tpu.memref_slice %arg8[%dma_wait3A_70, %dma_wait3A_71] : memref<50048x16xf32, #tpu.memory_space<vmem_shared>> -> memref<50048x16xf32, #tpu.memory_space<vmem_shared>>
        tpu.wait_indirect_dma semaphore(%run_scoped3A : memref<!tpu.dma_semaphore, #tpu.memory_space<semaphore_mem>>) src(%arg7 : memref<128x16xf32, #tpu.memory_space<vmem>>) dst(%dma_wait3A_72 : memref<50048x16xf32, #tpu.memory_space<vmem_shared>>)
        tpu.yield
      }) : () -> ()
    }
    %barrier3A_58 = arith.constant 0 : index
    tpu.barrier barrier_id(%barrier3A_58)
    "tpu.region"() ({
      %run_scoped3A = tpu.sem_alloc : memref<!tpu.dma_semaphore, #tpu.memory_space<semaphore_mem>>
      %dma_start3A = arith.constant 0 : i32
      %dma_start3A_59 = arith.constant 0 : i32
      %dma_start3A_60 = tpu.memref_slice %arg5[%arg0, %dma_start3A, %dma_start3A_59] : memref<2x50048x16xf32, #tpu.memory_space<hbm>> -> memref<1x50048x16xf32, #tpu.memory_space<hbm>>
      %dma_start3A_61 = tpu.memref_squeeze %dma_start3A_60 : memref<1x50048x16xf32, #tpu.memory_space<hbm>> -> memref<50048x16xf32, #tpu.memory_space<hbm>>
      %dma_start3A_62 = arith.constant 0 : i32
      %dma_start3A_63 = tpu.memref_slice %dma_start3A_61[%mul3A_2, %dma_start3A_62] : memref<50048x16xf32, #tpu.memory_space<hbm>> -> memref<3128x16xf32, #tpu.memory_space<hbm>>
      %dma_start3A_64 = arith.constant 0 : i32
      %dma_start3A_65 = tpu.memref_slice %arg8[%mul3A_2, %dma_start3A_64] : memref<50048x16xf32, #tpu.memory_space<vmem_shared>> -> memref<3128x16xf32, #tpu.memory_space<vmem_shared>>
      tpu.enqueue_dma source(%dma_start3A_65 : memref<3128x16xf32, #tpu.memory_space<vmem_shared>>) target(%dma_start3A_63 : memref<3128x16xf32, #tpu.memory_space<hbm>>) target_semaphore(%run_scoped3A : memref<!tpu.dma_semaphore, #tpu.memory_space<semaphore_mem>>)
      %dma_wait3A = arith.constant 0 : i32
      %dma_wait3A_66 = arith.constant 0 : i32
      %dma_wait3A_67 = tpu.memref_slice %arg5[%arg0, %dma_wait3A, %dma_wait3A_66] : memref<2x50048x16xf32, #tpu.memory_space<hbm>> -> memref<1x50048x16xf32, #tpu.memory_space<hbm>>
      %dma_wait3A_68 = tpu.memref_squeeze %dma_wait3A_67 : memref<1x50048x16xf32, #tpu.memory_space<hbm>> -> memref<50048x16xf32, #tpu.memory_space<hbm>>
      %dma_wait3A_69 = arith.constant 0 : i32
      %dma_wait3A_70 = tpu.memref_slice %dma_wait3A_68[%mul3A_2, %dma_wait3A_69] : memref<50048x16xf32, #tpu.memory_space<hbm>> -> memref<3128x16xf32, #tpu.memory_space<hbm>>
      %dma_wait3A_71 = arith.constant 0 : i32
      %dma_wait3A_72 = tpu.memref_slice %arg8[%mul3A_2, %dma_wait3A_71] : memref<50048x16xf32, #tpu.memory_space<vmem_shared>> -> memref<3128x16xf32, #tpu.memory_space<vmem_shared>>
      tpu.wait_dma2 semaphore(%run_scoped3A : memref<!tpu.dma_semaphore, #tpu.memory_space<semaphore_mem>>) src(%dma_wait3A_72 : memref<3128x16xf32, #tpu.memory_space<vmem_shared>>) dst(%dma_wait3A_70 : memref<3128x16xf32, #tpu.memory_space<hbm>>)
      tpu.yield
    }) : () -> ()
    return
  }
}

#map = affine_map<(d0, d1) -> (0, 0)>
#map1 = affine_map<(d0, d1) -> (0, 0, 0)>
module attributes {stable_mosaic.version = 14 : i64} {
  func.func @body(%arg0: i32, %arg1: i32, %arg2: memref<800000x16xf32, #tpu.memory_space<hbm>>, %arg3: memref<6250x128xi32, #tpu.memory_space<hbm>>, %arg4: memref<50048x16xf32, #tpu.memory_space<hbm>>, %arg5: memref<2x50048x16xf32, #tpu.memory_space<hbm>>, %arg6: memref<196x128xi32, #tpu.memory_space<vmem>>, %arg7: memref<128x16xf32, #tpu.memory_space<vmem>>, %arg8: memref<50048x16xf32, #tpu.memory_space<vmem_shared>>) attributes {dimension_semantics = [#tpu.dimension_semantics<core_parallel>, #tpu.dimension_semantics<subcore_parallel>], iteration_bounds = array<i64: 2, 16>, scalar_prefetch = 0 : i64, scratch_operands = 3 : i64, tpu.core_type = #tpu.core_type<sc_vector_subcore>, window_params = [{transform_indices = #map}, {transform_indices = #map}, {transform_indices = #map}, {transform_indices = #map1}]} {
    %mul3A = arith.constant 2 : i32
    %mul3A_0 = arith.muli %arg1, %mul3A : i32
    %add3A = arith.addi %mul3A_0, %arg0 : i32
    %mul3A_1 = arith.constant 3128 : i32
    %mul3A_2 = arith.muli %arg1, %mul3A_1 : i32
    %mul3A_3 = arith.constant 6250 : i32
    %mul3A_4 = arith.muli %add3A, %mul3A_3 : i32
    %jit3A = arith.constant 32 : i32
    %div3A = arith.divsi %mul3A_4, %jit3A : i32
    %sign3A = arith.constant 0 : i32
    %sign3A_5 = arith.cmpi sgt, %mul3A_4, %sign3A : i32
    %sign3A_6 = arith.extui %sign3A_5 : i1 to i32
    %sign3A_7 = arith.constant 0 : i32
    %sign3A_8 = arith.cmpi slt, %mul3A_4, %sign3A_7 : i32
    %sign3A_9 = arith.extui %sign3A_8 : i1 to i32
    %sign3A_10 = arith.subi %sign3A_6, %sign3A_9 : i32
    %sign3A_11 = arith.constant 0 : i32
    %sign3A_12 = arith.cmpi sgt, %jit3A, %sign3A_11 : i32
    %sign3A_13 = arith.extui %sign3A_12 : i1 to i32
    %sign3A_14 = arith.constant 0 : i32
    %sign3A_15 = arith.cmpi slt, %jit3A, %sign3A_14 : i32
    %sign3A_16 = arith.extui %sign3A_15 : i1 to i32
    %sign3A_17 = arith.subi %sign3A_13, %sign3A_16 : i32
    %ne3A = arith.cmpi ne, %sign3A_10, %sign3A_17 : i32
    %rem3A = arith.remsi %mul3A_4, %jit3A : i32
    %ne3A_18 = arith.constant 0 : i32
    %ne3A_19 = arith.cmpi ne, %rem3A, %ne3A_18 : i32
    %and3A = arith.andi %ne3A, %ne3A_19 : i1
    %sub3A = arith.constant 1 : i32
    %sub3A_20 = arith.subi %div3A, %sub3A : i32
    %select_n3A = arith.select %and3A, %sub3A_20, %div3A : i32
    %add3A_21 = arith.constant 1 : i32
    %add3A_22 = arith.addi %add3A, %add3A_21 : i32
    %mul3A_23 = arith.constant 6250 : i32
    %mul3A_24 = arith.muli %add3A_22, %mul3A_23 : i32
    %jit3A_25 = arith.constant 32 : i32
    %div3A_26 = arith.divsi %mul3A_24, %jit3A_25 : i32
    %sign3A_27 = arith.constant 0 : i32
    %sign3A_28 = arith.cmpi sgt, %mul3A_24, %sign3A_27 : i32
    %sign3A_29 = arith.extui %sign3A_28 : i1 to i32
    %sign3A_30 = arith.constant 0 : i32
    %sign3A_31 = arith.cmpi slt, %mul3A_24, %sign3A_30 : i32
    %sign3A_32 = arith.extui %sign3A_31 : i1 to i32
    %sign3A_33 = arith.subi %sign3A_29, %sign3A_32 : i32
    %sign3A_34 = arith.constant 0 : i32
    %sign3A_35 = arith.cmpi sgt, %jit3A_25, %sign3A_34 : i32
    %sign3A_36 = arith.extui %sign3A_35 : i1 to i32
    %sign3A_37 = arith.constant 0 : i32
    %sign3A_38 = arith.cmpi slt, %jit3A_25, %sign3A_37 : i32
    %sign3A_39 = arith.extui %sign3A_38 : i1 to i32
    %sign3A_40 = arith.subi %sign3A_36, %sign3A_39 : i32
    %ne3A_41 = arith.cmpi ne, %sign3A_33, %sign3A_40 : i32
    %rem3A_42 = arith.remsi %mul3A_24, %jit3A_25 : i32
    %ne3A_43 = arith.constant 0 : i32
    %ne3A_44 = arith.cmpi ne, %rem3A_42, %ne3A_43 : i32
    %and3A_45 = arith.andi %ne3A_41, %ne3A_44 : i1
    %sub3A_46 = arith.constant 1 : i32
    %sub3A_47 = arith.subi %div3A_26, %sub3A_46 : i32
    %select_n3A_48 = arith.select %and3A_45, %sub3A_47, %div3A_26 : i32
    %min3A = arith.constant 6054 : i32
    %min3A_49 = arith.minsi %select_n3A, %min3A : i32
    "tpu.region"() ({
      %run_scoped3A = tpu.sem_alloc : memref<!tpu.dma_semaphore, #tpu.memory_space<semaphore_mem>>
      %dma_start3A = arith.constant 0 : i32
      %dma_start3A_59 = tpu.memref_slice %arg3[%min3A_49, %dma_start3A] : memref<6250x128xi32, #tpu.memory_space<hbm>> -> memref<196x128xi32, #tpu.memory_space<hbm>>
      %dma_start3A_60 = arith.constant 0 : i32
      %dma_start3A_61 = tpu.memref_slice %arg3[%min3A_49, %dma_start3A_60] : memref<6250x128xi32, #tpu.memory_space<hbm>> -> memref<196x128xi32, #tpu.memory_space<hbm>>
      tpu.enqueue_dma source(%dma_start3A_61 : memref<196x128xi32, #tpu.memory_space<hbm>>) target(%arg6 : memref<196x128xi32, #tpu.memory_space<vmem>>) target_semaphore(%run_scoped3A : memref<!tpu.dma_semaphore, #tpu.memory_space<semaphore_mem>>)
      %dma_wait3A = arith.constant 0 : i32
      %dma_wait3A_62 = tpu.memref_slice %arg3[%min3A_49, %dma_wait3A] : memref<6250x128xi32, #tpu.memory_space<hbm>> -> memref<196x128xi32, #tpu.memory_space<hbm>>
      %dma_wait3A_63 = arith.constant 0 : i32
      %dma_wait3A_64 = tpu.memref_slice %arg3[%min3A_49, %dma_wait3A_63] : memref<6250x128xi32, #tpu.memory_space<hbm>> -> memref<196x128xi32, #tpu.memory_space<hbm>>
      tpu.wait_dma2 semaphore(%run_scoped3A : memref<!tpu.dma_semaphore, #tpu.memory_space<semaphore_mem>>) src(%dma_wait3A_64 : memref<196x128xi32, #tpu.memory_space<hbm>>) dst(%arg6 : memref<196x128xi32, #tpu.memory_space<vmem>>)
      tpu.yield
    }) : () -> ()
    "tpu.region"() ({
      %run_scoped3A = tpu.sem_alloc : memref<!tpu.dma_semaphore, #tpu.memory_space<semaphore_mem>>
      %dma_start3A = arith.constant 0 : i32
      %dma_start3A_59 = tpu.memref_slice %arg8[%mul3A_2, %dma_start3A] : memref<50048x16xf32, #tpu.memory_space<vmem_shared>> -> memref<3128x16xf32, #tpu.memory_space<vmem_shared>>
      %dma_start3A_60 = arith.constant 0 : i32
      %dma_start3A_61 = tpu.memref_slice %arg4[%mul3A_2, %dma_start3A_60] : memref<50048x16xf32, #tpu.memory_space<hbm>> -> memref<3128x16xf32, #tpu.memory_space<hbm>>
      tpu.enqueue_dma source(%dma_start3A_61 : memref<3128x16xf32, #tpu.memory_space<hbm>>) target(%dma_start3A_59 : memref<3128x16xf32, #tpu.memory_space<vmem_shared>>) target_semaphore(%run_scoped3A : memref<!tpu.dma_semaphore, #tpu.memory_space<semaphore_mem>>)
      %dma_wait3A = arith.constant 0 : i32
      %dma_wait3A_62 = tpu.memref_slice %arg8[%mul3A_2, %dma_wait3A] : memref<50048x16xf32, #tpu.memory_space<vmem_shared>> -> memref<3128x16xf32, #tpu.memory_space<vmem_shared>>
      %dma_wait3A_63 = arith.constant 0 : i32
      %dma_wait3A_64 = tpu.memref_slice %arg4[%mul3A_2, %dma_wait3A_63] : memref<50048x16xf32, #tpu.memory_space<hbm>> -> memref<3128x16xf32, #tpu.memory_space<hbm>>
      tpu.wait_dma2 semaphore(%run_scoped3A : memref<!tpu.dma_semaphore, #tpu.memory_space<semaphore_mem>>) src(%dma_wait3A_64 : memref<3128x16xf32, #tpu.memory_space<hbm>>) dst(%dma_wait3A_62 : memref<3128x16xf32, #tpu.memory_space<vmem_shared>>)
      tpu.yield
    }) : () -> ()
    %barrier3A = arith.constant 0 : index
    tpu.barrier barrier_id(%barrier3A)
    %while3A = arith.constant 0 : i32
    %while3A_50 = arith.subi %select_n3A_48, %select_n3A : i32
    %while3A_51 = arith.addi %select_n3A, %while3A_50 : i32
    %while3A_52 = arith.constant 1 : i32
    %while3A_53 = arith.divsi %while3A_50, %while3A_52 : i32
    %while3A_54 = arith.muli %while3A_53, %while3A_52 : i32
    %while3A_55 = arith.addi %select_n3A, %while3A_54 : i32
    %while3A_56 = arith.constant 1 : i32
    scf.for %while3A_59 = %select_n3A to %while3A_55 step %while3A_56  : i32 {
      %mul3A_60 = arith.constant 128 : i32
      %mul3A_61 = arith.muli %while3A_59, %mul3A_60 : i32
      "tpu.region"() ({
        %run_scoped3A = tpu.sem_alloc : memref<!tpu.dma_semaphore, #tpu.memory_space<semaphore_mem>>
        %dma_start3A = arith.constant 0 : i32
        %dma_start3A_63 = tpu.memref_slice %arg2[%mul3A_61, %dma_start3A] : memref<800000x16xf32, #tpu.memory_space<hbm>> -> memref<128x16xf32, #tpu.memory_space<hbm>>
        %dma_start3A_64 = arith.constant 0 : i32
        %dma_start3A_65 = tpu.memref_slice %arg2[%mul3A_61, %dma_start3A_64] : memref<800000x16xf32, #tpu.memory_space<hbm>> -> memref<128x16xf32, #tpu.memory_space<hbm>>
        tpu.enqueue_dma source(%dma_start3A_65 : memref<128x16xf32, #tpu.memory_space<hbm>>) target(%arg7 : memref<128x16xf32, #tpu.memory_space<vmem>>) target_semaphore(%run_scoped3A : memref<!tpu.dma_semaphore, #tpu.memory_space<semaphore_mem>>)
        %dma_wait3A = arith.constant 0 : i32
        %dma_wait3A_66 = tpu.memref_slice %arg2[%mul3A_61, %dma_wait3A] : memref<800000x16xf32, #tpu.memory_space<hbm>> -> memref<128x16xf32, #tpu.memory_space<hbm>>
        %dma_wait3A_67 = arith.constant 0 : i32
        %dma_wait3A_68 = tpu.memref_slice %arg2[%mul3A_61, %dma_wait3A_67] : memref<800000x16xf32, #tpu.memory_space<hbm>> -> memref<128x16xf32, #tpu.memory_space<hbm>>
        tpu.wait_dma2 semaphore(%run_scoped3A : memref<!tpu.dma_semaphore, #tpu.memory_space<semaphore_mem>>) src(%dma_wait3A_68 : memref<128x16xf32, #tpu.memory_space<hbm>>) dst(%arg7 : memref<128x16xf32, #tpu.memory_space<vmem>>)
        tpu.yield
      }) : () -> ()
      %sub3A_62 = arith.subi %while3A_59, %min3A_49 : i32
      "tpu.region"() ({
        %run_scoped3A = tpu.sem_alloc : memref<!tpu.dma_semaphore, #tpu.memory_space<semaphore_mem>>
        %dma_start3A = arith.constant 0 : i32
        %dma_start3A_63 = tpu.memref_slice %arg6[%sub3A_62, %dma_start3A] : memref<196x128xi32, #tpu.memory_space<vmem>> -> memref<1x128xi32, #tpu.memory_space<vmem>>
        %dma_start3A_64 = tpu.memref_squeeze %dma_start3A_63 : memref<1x128xi32, #tpu.memory_space<vmem>> -> memref<128xi32, #tpu.memory_space<vmem>>
        %dma_start3A_65 = arith.constant 0 : i32
        %dma_start3A_66 = arith.constant 0 : i32
        %dma_start3A_67 = tpu.memref_slice %arg8[%dma_start3A_65, %dma_start3A_66] : memref<50048x16xf32, #tpu.memory_space<vmem_shared>> -> memref<50048x16xf32, #tpu.memory_space<vmem_shared>>
        tpu.enqueue_indirect_dma source(%arg7 : memref<128x16xf32, #tpu.memory_space<vmem>>) target(%dma_start3A_67 : memref<50048x16xf32, #tpu.memory_space<vmem_shared>>) offsets(%dma_start3A_64 : memref<128xi32, #tpu.memory_space<vmem>>) semaphore(%run_scoped3A : memref<!tpu.dma_semaphore, #tpu.memory_space<semaphore_mem>>) {add = true}
        %dma_wait3A = arith.constant 0 : i32
        %dma_wait3A_68 = tpu.memref_slice %arg6[%sub3A_62, %dma_wait3A] : memref<196x128xi32, #tpu.memory_space<vmem>> -> memref<1x128xi32, #tpu.memory_space<vmem>>
        %dma_wait3A_69 = tpu.memref_squeeze %dma_wait3A_68 : memref<1x128xi32, #tpu.memory_space<vmem>> -> memref<128xi32, #tpu.memory_space<vmem>>
        %dma_wait3A_70 = arith.constant 0 : i32
        %dma_wait3A_71 = arith.constant 0 : i32
        %dma_wait3A_72 = tpu.memref_slice %arg8[%dma_wait3A_70, %dma_wait3A_71] : memref<50048x16xf32, #tpu.memory_space<vmem_shared>> -> memref<50048x16xf32, #tpu.memory_space<vmem_shared>>
        tpu.wait_indirect_dma semaphore(%run_scoped3A : memref<!tpu.dma_semaphore, #tpu.memory_space<semaphore_mem>>) src(%arg7 : memref<128x16xf32, #tpu.memory_space<vmem>>) dst(%dma_wait3A_72 : memref<50048x16xf32, #tpu.memory_space<vmem_shared>>)
        tpu.yield
      }) : () -> ()
    }
    %while3A_57 = arith.constant 1 : i32
    scf.for %while3A_59 = %while3A_55 to %while3A_51 step %while3A_57  : i32 {
      %mul3A_60 = arith.constant 128 : i32
      %mul3A_61 = arith.muli %while3A_59, %mul3A_60 : i32
      "tpu.region"() ({
        %run_scoped3A = tpu.sem_alloc : memref<!tpu.dma_semaphore, #tpu.memory_space<semaphore_mem>>
        %dma_start3A = arith.constant 0 : i32
        %dma_start3A_63 = tpu.memref_slice %arg2[%mul3A_61, %dma_start3A] : memref<800000x16xf32, #tpu.memory_space<hbm>> -> memref<128x16xf32, #tpu.memory_space<hbm>>
        %dma_start3A_64 = arith.constant 0 : i32
        %dma_start3A_65 = tpu.memref_slice %arg2[%mul3A_61, %dma_start3A_64] : memref<800000x16xf32, #tpu.memory_space<hbm>> -> memref<128x16xf32, #tpu.memory_space<hbm>>
        tpu.enqueue_dma source(%dma_start3A_65 : memref<128x16xf32, #tpu.memory_space<hbm>>) target(%arg7 : memref<128x16xf32, #tpu.memory_space<vmem>>) target_semaphore(%run_scoped3A : memref<!tpu.dma_semaphore, #tpu.memory_space<semaphore_mem>>)
        %dma_wait3A = arith.constant 0 : i32
        %dma_wait3A_66 = tpu.memref_slice %arg2[%mul3A_61, %dma_wait3A] : memref<800000x16xf32, #tpu.memory_space<hbm>> -> memref<128x16xf32, #tpu.memory_space<hbm>>
        %dma_wait3A_67 = arith.constant 0 : i32
        %dma_wait3A_68 = tpu.memref_slice %arg2[%mul3A_61, %dma_wait3A_67] : memref<800000x16xf32, #tpu.memory_space<hbm>> -> memref<128x16xf32, #tpu.memory_space<hbm>>
        tpu.wait_dma2 semaphore(%run_scoped3A : memref<!tpu.dma_semaphore, #tpu.memory_space<semaphore_mem>>) src(%dma_wait3A_68 : memref<128x16xf32, #tpu.memory_space<hbm>>) dst(%arg7 : memref<128x16xf32, #tpu.memory_space<vmem>>)
        tpu.yield
      }) : () -> ()
      %sub3A_62 = arith.subi %while3A_59, %min3A_49 : i32
      "tpu.region"() ({
        %run_scoped3A = tpu.sem_alloc : memref<!tpu.dma_semaphore, #tpu.memory_space<semaphore_mem>>
        %dma_start3A = arith.constant 0 : i32
        %dma_start3A_63 = tpu.memref_slice %arg6[%sub3A_62, %dma_start3A] : memref<196x128xi32, #tpu.memory_space<vmem>> -> memref<1x128xi32, #tpu.memory_space<vmem>>
        %dma_start3A_64 = tpu.memref_squeeze %dma_start3A_63 : memref<1x128xi32, #tpu.memory_space<vmem>> -> memref<128xi32, #tpu.memory_space<vmem>>
        %dma_start3A_65 = arith.constant 0 : i32
        %dma_start3A_66 = arith.constant 0 : i32
        %dma_start3A_67 = tpu.memref_slice %arg8[%dma_start3A_65, %dma_start3A_66] : memref<50048x16xf32, #tpu.memory_space<vmem_shared>> -> memref<50048x16xf32, #tpu.memory_space<vmem_shared>>
        tpu.enqueue_indirect_dma source(%arg7 : memref<128x16xf32, #tpu.memory_space<vmem>>) target(%dma_start3A_67 : memref<50048x16xf32, #tpu.memory_space<vmem_shared>>) offsets(%dma_start3A_64 : memref<128xi32, #tpu.memory_space<vmem>>) semaphore(%run_scoped3A : memref<!tpu.dma_semaphore, #tpu.memory_space<semaphore_mem>>) {add = true}
        %dma_wait3A = arith.constant 0 : i32
        %dma_wait3A_68 = tpu.memref_slice %arg6[%sub3A_62, %dma_wait3A] : memref<196x128xi32, #tpu.memory_space<vmem>> -> memref<1x128xi32, #tpu.memory_space<vmem>>
        %dma_wait3A_69 = tpu.memref_squeeze %dma_wait3A_68 : memref<1x128xi32, #tpu.memory_space<vmem>> -> memref<128xi32, #tpu.memory_space<vmem>>
        %dma_wait3A_70 = arith.constant 0 : i32
        %dma_wait3A_71 = arith.constant 0 : i32
        %dma_wait3A_72 = tpu.memref_slice %arg8[%dma_wait3A_70, %dma_wait3A_71] : memref<50048x16xf32, #tpu.memory_space<vmem_shared>> -> memref<50048x16xf32, #tpu.memory_space<vmem_shared>>
        tpu.wait_indirect_dma semaphore(%run_scoped3A : memref<!tpu.dma_semaphore, #tpu.memory_space<semaphore_mem>>) src(%arg7 : memref<128x16xf32, #tpu.memory_space<vmem>>) dst(%dma_wait3A_72 : memref<50048x16xf32, #tpu.memory_space<vmem_shared>>)
        tpu.yield
      }) : () -> ()
    }
    %barrier3A_58 = arith.constant 0 : index
    tpu.barrier barrier_id(%barrier3A_58)
    "tpu.region"() ({
      %run_scoped3A = tpu.sem_alloc : memref<!tpu.dma_semaphore, #tpu.memory_space<semaphore_mem>>
      %dma_start3A = arith.constant 0 : i32
      %dma_start3A_59 = arith.constant 0 : i32
      %dma_start3A_60 = tpu.memref_slice %arg5[%arg0, %dma_start3A, %dma_start3A_59] : memref<2x50048x16xf32, #tpu.memory_space<hbm>> -> memref<1x50048x16xf32, #tpu.memory_space<hbm>>
      %dma_start3A_61 = tpu.memref_squeeze %dma_start3A_60 : memref<1x50048x16xf32, #tpu.memory_space<hbm>> -> memref<50048x16xf32, #tpu.memory_space<hbm>>
      %dma_start3A_62 = arith.constant 0 : i32
      %dma_start3A_63 = tpu.memref_slice %dma_start3A_61[%mul3A_2, %dma_start3A_62] : memref<50048x16xf32, #tpu.memory_space<hbm>> -> memref<3128x16xf32, #tpu.memory_space<hbm>>
      %dma_start3A_64 = arith.constant 0 : i32
      %dma_start3A_65 = tpu.memref_slice %arg8[%mul3A_2, %dma_start3A_64] : memref<50048x16xf32, #tpu.memory_space<vmem_shared>> -> memref<3128x16xf32, #tpu.memory_space<vmem_shared>>
      tpu.enqueue_dma source(%dma_start3A_65 : memref<3128x16xf32, #tpu.memory_space<vmem_shared>>) target(%dma_start3A_63 : memref<3128x16xf32, #tpu.memory_space<hbm>>) target_semaphore(%run_scoped3A : memref<!tpu.dma_semaphore, #tpu.memory_space<semaphore_mem>>)
      %dma_wait3A = arith.constant 0 : i32
      %dma_wait3A_66 = arith.constant 0 : i32
      %dma_wait3A_67 = tpu.memref_slice %arg5[%arg0, %dma_wait3A, %dma_wait3A_66] : memref<2x50048x16xf32, #tpu.memory_space<hbm>> -> memref<1x50048x16xf32, #tpu.memory_space<hbm>>
      %dma_wait3A_68 = tpu.memref_squeeze %dma_wait3A_67 : memref<1x50048x16xf32, #tpu.memory_space<hbm>> -> memref<50048x16xf32, #tpu.memory_space<hbm>>
      %dma_wait3A_69 = arith.constant 0 : i32
      %dma_wait3A_70 = tpu.memref_slice %dma_wait3A_68[%mul3A_2, %dma_wait3A_69] : memref<50048x16xf32, #tpu.memory_space<hbm>> -> memref<3128x16xf32, #tpu.memory_space<hbm>>
      %dma_wait3A_71 = arith.constant 0 : i32
      %dma_wait3A_72 = tpu.memref_slice %arg8[%mul3A_2, %dma_wait3A_71] : memref<50048x16xf32, #tpu.memory_space<vmem_shared>> -> memref<3128x16xf32, #tpu.memory_space<vmem_shared>>
      tpu.wait_dma2 semaphore(%run_scoped3A : memref<!tpu.dma_semaphore, #tpu.memory_space<semaphore_mem>>) src(%dma_wait3A_72 : memref<3128x16xf32, #tpu.memory_space<vmem_shared>>) dst(%dma_wait3A_70 : memref<3128x16xf32, #tpu.memory_space<hbm>>)
      tpu.yield
    }) : () -> ()
    return
  }
}

#map = affine_map<(d0, d1) -> (0, 0)>
module attributes {stable_mosaic.version = 14 : i64} {
  func.func @body(%arg0: i32, %arg1: i32, %arg2: memref<50048x16xf32, #tpu.memory_space<hbm>>, %arg3: memref<6250x128xi32, #tpu.memory_space<hbm>>, %arg4: memref<800000x16xf32, #tpu.memory_space<hbm>>, %arg5: memref<196x128xi32, #tpu.memory_space<vmem>>, %arg6: memref<128x16xf32, #tpu.memory_space<vmem>>, %arg7: memref<!tpu.dma_semaphore, #tpu.memory_space<semaphore_mem>>) attributes {dimension_semantics = [#tpu.dimension_semantics<core_parallel>, #tpu.dimension_semantics<subcore_parallel>], iteration_bounds = array<i64: 2, 16>, scalar_prefetch = 0 : i64, scratch_operands = 3 : i64, tpu.core_type = #tpu.core_type<sc_vector_subcore>, window_params = [{transform_indices = #map}, {transform_indices = #map}, {transform_indices = #map}]} {
    %mul3A = arith.constant 2 : i32
    %mul3A_0 = arith.muli %arg1, %mul3A : i32
    %add3A = arith.addi %mul3A_0, %arg0 : i32
    %mul3A_1 = arith.constant 6250 : i32
    %mul3A_2 = arith.muli %add3A, %mul3A_1 : i32
    %jit3A = arith.constant 32 : i32
    %div3A = arith.divsi %mul3A_2, %jit3A : i32
    %sign3A = arith.constant 0 : i32
    %sign3A_3 = arith.cmpi sgt, %mul3A_2, %sign3A : i32
    %sign3A_4 = arith.extui %sign3A_3 : i1 to i32
    %sign3A_5 = arith.constant 0 : i32
    %sign3A_6 = arith.cmpi slt, %mul3A_2, %sign3A_5 : i32
    %sign3A_7 = arith.extui %sign3A_6 : i1 to i32
    %sign3A_8 = arith.subi %sign3A_4, %sign3A_7 : i32
    %sign3A_9 = arith.constant 0 : i32
    %sign3A_10 = arith.cmpi sgt, %jit3A, %sign3A_9 : i32
    %sign3A_11 = arith.extui %sign3A_10 : i1 to i32
    %sign3A_12 = arith.constant 0 : i32
    %sign3A_13 = arith.cmpi slt, %jit3A, %sign3A_12 : i32
    %sign3A_14 = arith.extui %sign3A_13 : i1 to i32
    %sign3A_15 = arith.subi %sign3A_11, %sign3A_14 : i32
    %ne3A = arith.cmpi ne, %sign3A_8, %sign3A_15 : i32
    %rem3A = arith.remsi %mul3A_2, %jit3A : i32
    %ne3A_16 = arith.constant 0 : i32
    %ne3A_17 = arith.cmpi ne, %rem3A, %ne3A_16 : i32
    %and3A = arith.andi %ne3A, %ne3A_17 : i1
    %sub3A = arith.constant 1 : i32
    %sub3A_18 = arith.subi %div3A, %sub3A : i32
    %select_n3A = arith.select %and3A, %sub3A_18, %div3A : i32
    %add3A_19 = arith.constant 1 : i32
    %add3A_20 = arith.addi %add3A, %add3A_19 : i32
    %mul3A_21 = arith.constant 6250 : i32
    %mul3A_22 = arith.muli %add3A_20, %mul3A_21 : i32
    %jit3A_23 = arith.constant 32 : i32
    %div3A_24 = arith.divsi %mul3A_22, %jit3A_23 : i32
    %sign3A_25 = arith.constant 0 : i32
    %sign3A_26 = arith.cmpi sgt, %mul3A_22, %sign3A_25 : i32
    %sign3A_27 = arith.extui %sign3A_26 : i1 to i32
    %sign3A_28 = arith.constant 0 : i32
    %sign3A_29 = arith.cmpi slt, %mul3A_22, %sign3A_28 : i32
    %sign3A_30 = arith.extui %sign3A_29 : i1 to i32
    %sign3A_31 = arith.subi %sign3A_27, %sign3A_30 : i32
    %sign3A_32 = arith.constant 0 : i32
    %sign3A_33 = arith.cmpi sgt, %jit3A_23, %sign3A_32 : i32
    %sign3A_34 = arith.extui %sign3A_33 : i1 to i32
    %sign3A_35 = arith.constant 0 : i32
    %sign3A_36 = arith.cmpi slt, %jit3A_23, %sign3A_35 : i32
    %sign3A_37 = arith.extui %sign3A_36 : i1 to i32
    %sign3A_38 = arith.subi %sign3A_34, %sign3A_37 : i32
    %ne3A_39 = arith.cmpi ne, %sign3A_31, %sign3A_38 : i32
    %rem3A_40 = arith.remsi %mul3A_22, %jit3A_23 : i32
    %ne3A_41 = arith.constant 0 : i32
    %ne3A_42 = arith.cmpi ne, %rem3A_40, %ne3A_41 : i32
    %and3A_43 = arith.andi %ne3A_39, %ne3A_42 : i1
    %sub3A_44 = arith.constant 1 : i32
    %sub3A_45 = arith.subi %div3A_24, %sub3A_44 : i32
    %select_n3A_46 = arith.select %and3A_43, %sub3A_45, %div3A_24 : i32
    %min3A = arith.constant 6054 : i32
    %min3A_47 = arith.minsi %select_n3A, %min3A : i32
    "tpu.region"() ({
      %run_scoped3A = tpu.sem_alloc : memref<!tpu.dma_semaphore, #tpu.memory_space<semaphore_mem>>
      %dma_start3A = arith.constant 0 : i32
      %dma_start3A_56 = tpu.memref_slice %arg3[%min3A_47, %dma_start3A] : memref<6250x128xi32, #tpu.memory_space<hbm>> -> memref<196x128xi32, #tpu.memory_space<hbm>>
      %dma_start3A_57 = arith.constant 0 : i32
      %dma_start3A_58 = tpu.memref_slice %arg3[%min3A_47, %dma_start3A_57] : memref<6250x128xi32, #tpu.memory_space<hbm>> -> memref<196x128xi32, #tpu.memory_space<hbm>>
      tpu.enqueue_dma source(%dma_start3A_58 : memref<196x128xi32, #tpu.memory_space<hbm>>) target(%arg5 : memref<196x128xi32, #tpu.memory_space<vmem>>) target_semaphore(%run_scoped3A : memref<!tpu.dma_semaphore, #tpu.memory_space<semaphore_mem>>)
      %dma_wait3A = arith.constant 0 : i32
      %dma_wait3A_59 = tpu.memref_slice %arg3[%min3A_47, %dma_wait3A] : memref<6250x128xi32, #tpu.memory_space<hbm>> -> memref<196x128xi32, #tpu.memory_space<hbm>>
      %dma_wait3A_60 = arith.constant 0 : i32
      %dma_wait3A_61 = tpu.memref_slice %arg3[%min3A_47, %dma_wait3A_60] : memref<6250x128xi32, #tpu.memory_space<hbm>> -> memref<196x128xi32, #tpu.memory_space<hbm>>
      tpu.wait_dma2 semaphore(%run_scoped3A : memref<!tpu.dma_semaphore, #tpu.memory_space<semaphore_mem>>) src(%dma_wait3A_61 : memref<196x128xi32, #tpu.memory_space<hbm>>) dst(%arg5 : memref<196x128xi32, #tpu.memory_space<vmem>>)
      tpu.yield
    }) : () -> ()
    %while3A = arith.constant 0 : i32
    %while3A_48 = arith.subi %select_n3A_46, %select_n3A : i32
    %while3A_49 = arith.addi %select_n3A, %while3A_48 : i32
    %while3A_50 = arith.constant 1 : i32
    %while3A_51 = arith.divsi %while3A_48, %while3A_50 : i32
    %while3A_52 = arith.muli %while3A_51, %while3A_50 : i32
    %while3A_53 = arith.addi %select_n3A, %while3A_52 : i32
    %while3A_54 = arith.constant 1 : i32
    scf.for %while3A_56 = %select_n3A to %while3A_53 step %while3A_54  : i32 {
      %sub3A_57 = arith.subi %while3A_56, %min3A_47 : i32
      %dma_start3A = arith.constant 0 : i32
      %dma_start3A_58 = tpu.memref_slice %arg5[%sub3A_57, %dma_start3A] : memref<196x128xi32, #tpu.memory_space<vmem>> -> memref<1x128xi32, #tpu.memory_space<vmem>>
      %dma_start3A_59 = tpu.memref_squeeze %dma_start3A_58 : memref<1x128xi32, #tpu.memory_space<vmem>> -> memref<128xi32, #tpu.memory_space<vmem>>
      %dma_start3A_60 = arith.constant 0 : i32
      %dma_start3A_61 = arith.constant 0 : i32
      %dma_start3A_62 = tpu.memref_slice %arg2[%dma_start3A_60, %dma_start3A_61] : memref<50048x16xf32, #tpu.memory_space<hbm>> -> memref<50048x16xf32, #tpu.memory_space<hbm>>
      tpu.enqueue_indirect_dma source(%dma_start3A_62 : memref<50048x16xf32, #tpu.memory_space<hbm>>) target(%arg6 : memref<128x16xf32, #tpu.memory_space<vmem>>) offsets(%dma_start3A_59 : memref<128xi32, #tpu.memory_space<vmem>>) semaphore(%arg7 : memref<!tpu.dma_semaphore, #tpu.memory_space<semaphore_mem>>)
      %dma_wait3A = arith.constant 0 : i32
      %dma_wait3A_63 = tpu.memref_slice %arg5[%sub3A_57, %dma_wait3A] : memref<196x128xi32, #tpu.memory_space<vmem>> -> memref<1x128xi32, #tpu.memory_space<vmem>>
      %dma_wait3A_64 = tpu.memref_squeeze %dma_wait3A_63 : memref<1x128xi32, #tpu.memory_space<vmem>> -> memref<128xi32, #tpu.memory_space<vmem>>
      %dma_wait3A_65 = arith.constant 0 : i32
      %dma_wait3A_66 = arith.constant 0 : i32
      %dma_wait3A_67 = tpu.memref_slice %arg2[%dma_wait3A_65, %dma_wait3A_66] : memref<50048x16xf32, #tpu.memory_space<hbm>> -> memref<50048x16xf32, #tpu.memory_space<hbm>>
      tpu.wait_indirect_dma semaphore(%arg7 : memref<!tpu.dma_semaphore, #tpu.memory_space<semaphore_mem>>) src(%dma_wait3A_67 : memref<50048x16xf32, #tpu.memory_space<hbm>>) dst(%arg6 : memref<128x16xf32, #tpu.memory_space<vmem>>)
      %mul3A_68 = arith.constant 128 : i32
      %mul3A_69 = arith.muli %while3A_56, %mul3A_68 : i32
      "tpu.region"() ({
        %run_scoped3A = tpu.sem_alloc : memref<!tpu.dma_semaphore, #tpu.memory_space<semaphore_mem>>
        %dma_start3A_70 = arith.constant 0 : i32
        %dma_start3A_71 = tpu.memref_slice %arg4[%mul3A_69, %dma_start3A_70] : memref<800000x16xf32, #tpu.memory_space<hbm>> -> memref<128x16xf32, #tpu.memory_space<hbm>>
        %dma_start3A_72 = arith.constant 0 : i32
        %dma_start3A_73 = tpu.memref_slice %arg4[%mul3A_69, %dma_start3A_72] : memref<800000x16xf32, #tpu.memory_space<hbm>> -> memref<128x16xf32, #tpu.memory_space<hbm>>
        tpu.enqueue_dma source(%arg6 : memref<128x16xf32, #tpu.memory_space<vmem>>) target(%dma_start3A_73 : memref<128x16xf32, #tpu.memory_space<hbm>>) target_semaphore(%run_scoped3A : memref<!tpu.dma_semaphore, #tpu.memory_space<semaphore_mem>>)
        %dma_wait3A_74 = arith.constant 0 : i32
        %dma_wait3A_75 = tpu.memref_slice %arg4[%mul3A_69, %dma_wait3A_74] : memref<800000x16xf32, #tpu.memory_space<hbm>> -> memref<128x16xf32, #tpu.memory_space<hbm>>
        %dma_wait3A_76 = arith.constant 0 : i32
        %dma_wait3A_77 = tpu.memref_slice %arg4[%mul3A_69, %dma_wait3A_76] : memref<800000x16xf32, #tpu.memory_space<hbm>> -> memref<128x16xf32, #tpu.memory_space<hbm>>
        tpu.wait_dma2 semaphore(%run_scoped3A : memref<!tpu.dma_semaphore, #tpu.memory_space<semaphore_mem>>) src(%arg6 : memref<128x16xf32, #tpu.memory_space<vmem>>) dst(%dma_wait3A_77 : memref<128x16xf32, #tpu.memory_space<hbm>>)
        tpu.yield
      }) : () -> ()
    }
    %while3A_55 = arith.constant 1 : i32
    scf.for %while3A_56 = %while3A_53 to %while3A_49 step %while3A_55  : i32 {
      %sub3A_57 = arith.subi %while3A_56, %min3A_47 : i32
      %dma_start3A = arith.constant 0 : i32
      %dma_start3A_58 = tpu.memref_slice %arg5[%sub3A_57, %dma_start3A] : memref<196x128xi32, #tpu.memory_space<vmem>> -> memref<1x128xi32, #tpu.memory_space<vmem>>
      %dma_start3A_59 = tpu.memref_squeeze %dma_start3A_58 : memref<1x128xi32, #tpu.memory_space<vmem>> -> memref<128xi32, #tpu.memory_space<vmem>>
      %dma_start3A_60 = arith.constant 0 : i32
      %dma_start3A_61 = arith.constant 0 : i32
      %dma_start3A_62 = tpu.memref_slice %arg2[%dma_start3A_60, %dma_start3A_61] : memref<50048x16xf32, #tpu.memory_space<hbm>> -> memref<50048x16xf32, #tpu.memory_space<hbm>>
      tpu.enqueue_indirect_dma source(%dma_start3A_62 : memref<50048x16xf32, #tpu.memory_space<hbm>>) target(%arg6 : memref<128x16xf32, #tpu.memory_space<vmem>>) offsets(%dma_start3A_59 : memref<128xi32, #tpu.memory_space<vmem>>) semaphore(%arg7 : memref<!tpu.dma_semaphore, #tpu.memory_space<semaphore_mem>>)
      %dma_wait3A = arith.constant 0 : i32
      %dma_wait3A_63 = tpu.memref_slice %arg5[%sub3A_57, %dma_wait3A] : memref<196x128xi32, #tpu.memory_space<vmem>> -> memref<1x128xi32, #tpu.memory_space<vmem>>
      %dma_wait3A_64 = tpu.memref_squeeze %dma_wait3A_63 : memref<1x128xi32, #tpu.memory_space<vmem>> -> memref<128xi32, #tpu.memory_space<vmem>>
      %dma_wait3A_65 = arith.constant 0 : i32
      %dma_wait3A_66 = arith.constant 0 : i32
      %dma_wait3A_67 = tpu.memref_slice %arg2[%dma_wait3A_65, %dma_wait3A_66] : memref<50048x16xf32, #tpu.memory_space<hbm>> -> memref<50048x16xf32, #tpu.memory_space<hbm>>
      tpu.wait_indirect_dma semaphore(%arg7 : memref<!tpu.dma_semaphore, #tpu.memory_space<semaphore_mem>>) src(%dma_wait3A_67 : memref<50048x16xf32, #tpu.memory_space<hbm>>) dst(%arg6 : memref<128x16xf32, #tpu.memory_space<vmem>>)
      %mul3A_68 = arith.constant 128 : i32
      %mul3A_69 = arith.muli %while3A_56, %mul3A_68 : i32
      "tpu.region"() ({
        %run_scoped3A = tpu.sem_alloc : memref<!tpu.dma_semaphore, #tpu.memory_space<semaphore_mem>>
        %dma_start3A_70 = arith.constant 0 : i32
        %dma_start3A_71 = tpu.memref_slice %arg4[%mul3A_69, %dma_start3A_70] : memref<800000x16xf32, #tpu.memory_space<hbm>> -> memref<128x16xf32, #tpu.memory_space<hbm>>
        %dma_start3A_72 = arith.constant 0 : i32
        %dma_start3A_73 = tpu.memref_slice %arg4[%mul3A_69, %dma_start3A_72] : memref<800000x16xf32, #tpu.memory_space<hbm>> -> memref<128x16xf32, #tpu.memory_space<hbm>>
        tpu.enqueue_dma source(%arg6 : memref<128x16xf32, #tpu.memory_space<vmem>>) target(%dma_start3A_73 : memref<128x16xf32, #tpu.memory_space<hbm>>) target_semaphore(%run_scoped3A : memref<!tpu.dma_semaphore, #tpu.memory_space<semaphore_mem>>)
        %dma_wait3A_74 = arith.constant 0 : i32
        %dma_wait3A_75 = tpu.memref_slice %arg4[%mul3A_69, %dma_wait3A_74] : memref<800000x16xf32, #tpu.memory_space<hbm>> -> memref<128x16xf32, #tpu.memory_space<hbm>>
        %dma_wait3A_76 = arith.constant 0 : i32
        %dma_wait3A_77 = tpu.memref_slice %arg4[%mul3A_69, %dma_wait3A_76] : memref<800000x16xf32, #tpu.memory_space<hbm>> -> memref<128x16xf32, #tpu.memory_space<hbm>>
        tpu.wait_dma2 semaphore(%run_scoped3A : memref<!tpu.dma_semaphore, #tpu.memory_space<semaphore_mem>>) src(%arg6 : memref<128x16xf32, #tpu.memory_space<vmem>>) dst(%dma_wait3A_77 : memref<128x16xf32, #tpu.memory_space<hbm>>)
        tpu.yield
      }) : () -> ()
    }
    return
  }
}

#map = affine_map<(d0, d1) -> (0, 0)>
#map1 = affine_map<(d0, d1) -> (0, 0, 0)>
module attributes {stable_mosaic.version = 14 : i64} {
  func.func @body(%arg0: i32, %arg1: i32, %arg2: memref<50048x128xf32, #tpu.memory_space<hbm>>, %arg3: memref<391x128xi32, #tpu.memory_space<hbm>>, %arg4: memref<1040x128xf32, #tpu.memory_space<hbm>>, %arg5: memref<2x1040x128xf32, #tpu.memory_space<hbm>>, %arg6: memref<13x128xi32, #tpu.memory_space<vmem>>, %arg7: memref<128x128xf32, #tpu.memory_space<vmem>>, %arg8: memref<1040x128xf32, #tpu.memory_space<vmem_shared>>) attributes {dimension_semantics = [#tpu.dimension_semantics<core_parallel>, #tpu.dimension_semantics<subcore_parallel>], iteration_bounds = array<i64: 2, 16>, scalar_prefetch = 0 : i64, scratch_operands = 3 : i64, tpu.core_type = #tpu.core_type<sc_vector_subcore>, window_params = [{transform_indices = #map}, {transform_indices = #map}, {transform_indices = #map}, {transform_indices = #map1}]} {
    %mul3A = arith.constant 2 : i32
    %mul3A_0 = arith.muli %arg1, %mul3A : i32
    %add3A = arith.addi %mul3A_0, %arg0 : i32
    %mul3A_1 = arith.constant 65 : i32
    %mul3A_2 = arith.muli %arg1, %mul3A_1 : i32
    %mul3A_3 = arith.constant 391 : i32
    %mul3A_4 = arith.muli %add3A, %mul3A_3 : i32
    %jit3A = arith.constant 32 : i32
    %div3A = arith.divsi %mul3A_4, %jit3A : i32
    %sign3A = arith.constant 0 : i32
    %sign3A_5 = arith.cmpi sgt, %mul3A_4, %sign3A : i32
    %sign3A_6 = arith.extui %sign3A_5 : i1 to i32
    %sign3A_7 = arith.constant 0 : i32
    %sign3A_8 = arith.cmpi slt, %mul3A_4, %sign3A_7 : i32
    %sign3A_9 = arith.extui %sign3A_8 : i1 to i32
    %sign3A_10 = arith.subi %sign3A_6, %sign3A_9 : i32
    %sign3A_11 = arith.constant 0 : i32
    %sign3A_12 = arith.cmpi sgt, %jit3A, %sign3A_11 : i32
    %sign3A_13 = arith.extui %sign3A_12 : i1 to i32
    %sign3A_14 = arith.constant 0 : i32
    %sign3A_15 = arith.cmpi slt, %jit3A, %sign3A_14 : i32
    %sign3A_16 = arith.extui %sign3A_15 : i1 to i32
    %sign3A_17 = arith.subi %sign3A_13, %sign3A_16 : i32
    %ne3A = arith.cmpi ne, %sign3A_10, %sign3A_17 : i32
    %rem3A = arith.remsi %mul3A_4, %jit3A : i32
    %ne3A_18 = arith.constant 0 : i32
    %ne3A_19 = arith.cmpi ne, %rem3A, %ne3A_18 : i32
    %and3A = arith.andi %ne3A, %ne3A_19 : i1
    %sub3A = arith.constant 1 : i32
    %sub3A_20 = arith.subi %div3A, %sub3A : i32
    %select_n3A = arith.select %and3A, %sub3A_20, %div3A : i32
    %add3A_21 = arith.constant 1 : i32
    %add3A_22 = arith.addi %add3A, %add3A_21 : i32
    %mul3A_23 = arith.constant 391 : i32
    %mul3A_24 = arith.muli %add3A_22, %mul3A_23 : i32
    %jit3A_25 = arith.constant 32 : i32
    %div3A_26 = arith.divsi %mul3A_24, %jit3A_25 : i32
    %sign3A_27 = arith.constant 0 : i32
    %sign3A_28 = arith.cmpi sgt, %mul3A_24, %sign3A_27 : i32
    %sign3A_29 = arith.extui %sign3A_28 : i1 to i32
    %sign3A_30 = arith.constant 0 : i32
    %sign3A_31 = arith.cmpi slt, %mul3A_24, %sign3A_30 : i32
    %sign3A_32 = arith.extui %sign3A_31 : i1 to i32
    %sign3A_33 = arith.subi %sign3A_29, %sign3A_32 : i32
    %sign3A_34 = arith.constant 0 : i32
    %sign3A_35 = arith.cmpi sgt, %jit3A_25, %sign3A_34 : i32
    %sign3A_36 = arith.extui %sign3A_35 : i1 to i32
    %sign3A_37 = arith.constant 0 : i32
    %sign3A_38 = arith.cmpi slt, %jit3A_25, %sign3A_37 : i32
    %sign3A_39 = arith.extui %sign3A_38 : i1 to i32
    %sign3A_40 = arith.subi %sign3A_36, %sign3A_39 : i32
    %ne3A_41 = arith.cmpi ne, %sign3A_33, %sign3A_40 : i32
    %rem3A_42 = arith.remsi %mul3A_24, %jit3A_25 : i32
    %ne3A_43 = arith.constant 0 : i32
    %ne3A_44 = arith.cmpi ne, %rem3A_42, %ne3A_43 : i32
    %and3A_45 = arith.andi %ne3A_41, %ne3A_44 : i1
    %sub3A_46 = arith.constant 1 : i32
    %sub3A_47 = arith.subi %div3A_26, %sub3A_46 : i32
    %select_n3A_48 = arith.select %and3A_45, %sub3A_47, %div3A_26 : i32
    %min3A = arith.constant 378 : i32
    %min3A_49 = arith.minsi %select_n3A, %min3A : i32
    "tpu.region"() ({
      %run_scoped3A = tpu.sem_alloc : memref<!tpu.dma_semaphore, #tpu.memory_space<semaphore_mem>>
      %dma_start3A = arith.constant 0 : i32
      %dma_start3A_59 = tpu.memref_slice %arg3[%min3A_49, %dma_start3A] : memref<391x128xi32, #tpu.memory_space<hbm>> -> memref<13x128xi32, #tpu.memory_space<hbm>>
      %dma_start3A_60 = arith.constant 0 : i32
      %dma_start3A_61 = tpu.memref_slice %arg3[%min3A_49, %dma_start3A_60] : memref<391x128xi32, #tpu.memory_space<hbm>> -> memref<13x128xi32, #tpu.memory_space<hbm>>
      tpu.enqueue_dma source(%dma_start3A_61 : memref<13x128xi32, #tpu.memory_space<hbm>>) target(%arg6 : memref<13x128xi32, #tpu.memory_space<vmem>>) target_semaphore(%run_scoped3A : memref<!tpu.dma_semaphore, #tpu.memory_space<semaphore_mem>>)
      %dma_wait3A = arith.constant 0 : i32
      %dma_wait3A_62 = tpu.memref_slice %arg3[%min3A_49, %dma_wait3A] : memref<391x128xi32, #tpu.memory_space<hbm>> -> memref<13x128xi32, #tpu.memory_space<hbm>>
      %dma_wait3A_63 = arith.constant 0 : i32
      %dma_wait3A_64 = tpu.memref_slice %arg3[%min3A_49, %dma_wait3A_63] : memref<391x128xi32, #tpu.memory_space<hbm>> -> memref<13x128xi32, #tpu.memory_space<hbm>>
      tpu.wait_dma2 semaphore(%run_scoped3A : memref<!tpu.dma_semaphore, #tpu.memory_space<semaphore_mem>>) src(%dma_wait3A_64 : memref<13x128xi32, #tpu.memory_space<hbm>>) dst(%arg6 : memref<13x128xi32, #tpu.memory_space<vmem>>)
      tpu.yield
    }) : () -> ()
    "tpu.region"() ({
      %run_scoped3A = tpu.sem_alloc : memref<!tpu.dma_semaphore, #tpu.memory_space<semaphore_mem>>
      %dma_start3A = arith.constant 0 : i32
      %dma_start3A_59 = tpu.memref_slice %arg8[%mul3A_2, %dma_start3A] : memref<1040x128xf32, #tpu.memory_space<vmem_shared>> -> memref<65x128xf32, #tpu.memory_space<vmem_shared>>
      %dma_start3A_60 = arith.constant 0 : i32
      %dma_start3A_61 = tpu.memref_slice %arg4[%mul3A_2, %dma_start3A_60] : memref<1040x128xf32, #tpu.memory_space<hbm>> -> memref<65x128xf32, #tpu.memory_space<hbm>>
      tpu.enqueue_dma source(%dma_start3A_61 : memref<65x128xf32, #tpu.memory_space<hbm>>) target(%dma_start3A_59 : memref<65x128xf32, #tpu.memory_space<vmem_shared>>) target_semaphore(%run_scoped3A : memref<!tpu.dma_semaphore, #tpu.memory_space<semaphore_mem>>)
      %dma_wait3A = arith.constant 0 : i32
      %dma_wait3A_62 = tpu.memref_slice %arg8[%mul3A_2, %dma_wait3A] : memref<1040x128xf32, #tpu.memory_space<vmem_shared>> -> memref<65x128xf32, #tpu.memory_space<vmem_shared>>
      %dma_wait3A_63 = arith.constant 0 : i32
      %dma_wait3A_64 = tpu.memref_slice %arg4[%mul3A_2, %dma_wait3A_63] : memref<1040x128xf32, #tpu.memory_space<hbm>> -> memref<65x128xf32, #tpu.memory_space<hbm>>
      tpu.wait_dma2 semaphore(%run_scoped3A : memref<!tpu.dma_semaphore, #tpu.memory_space<semaphore_mem>>) src(%dma_wait3A_64 : memref<65x128xf32, #tpu.memory_space<hbm>>) dst(%dma_wait3A_62 : memref<65x128xf32, #tpu.memory_space<vmem_shared>>)
      tpu.yield
    }) : () -> ()
    %barrier3A = arith.constant 0 : index
    tpu.barrier barrier_id(%barrier3A)
    %while3A = arith.constant 0 : i32
    %while3A_50 = arith.subi %select_n3A_48, %select_n3A : i32
    %while3A_51 = arith.addi %select_n3A, %while3A_50 : i32
    %while3A_52 = arith.constant 1 : i32
    %while3A_53 = arith.divsi %while3A_50, %while3A_52 : i32
    %while3A_54 = arith.muli %while3A_53, %while3A_52 : i32
    %while3A_55 = arith.addi %select_n3A, %while3A_54 : i32
    %while3A_56 = arith.constant 1 : i32
    scf.for %while3A_59 = %select_n3A to %while3A_55 step %while3A_56  : i32 {
      %mul3A_60 = arith.constant 128 : i32
      %mul3A_61 = arith.muli %while3A_59, %mul3A_60 : i32
      "tpu.region"() ({
        %run_scoped3A = tpu.sem_alloc : memref<!tpu.dma_semaphore, #tpu.memory_space<semaphore_mem>>
        %dma_start3A = arith.constant 0 : i32
        %dma_start3A_63 = tpu.memref_slice %arg2[%mul3A_61, %dma_start3A] : memref<50048x128xf32, #tpu.memory_space<hbm>> -> memref<128x128xf32, #tpu.memory_space<hbm>>
        %dma_start3A_64 = arith.constant 0 : i32
        %dma_start3A_65 = tpu.memref_slice %arg2[%mul3A_61, %dma_start3A_64] : memref<50048x128xf32, #tpu.memory_space<hbm>> -> memref<128x128xf32, #tpu.memory_space<hbm>>
        tpu.enqueue_dma source(%dma_start3A_65 : memref<128x128xf32, #tpu.memory_space<hbm>>) target(%arg7 : memref<128x128xf32, #tpu.memory_space<vmem>>) target_semaphore(%run_scoped3A : memref<!tpu.dma_semaphore, #tpu.memory_space<semaphore_mem>>)
        %dma_wait3A = arith.constant 0 : i32
        %dma_wait3A_66 = tpu.memref_slice %arg2[%mul3A_61, %dma_wait3A] : memref<50048x128xf32, #tpu.memory_space<hbm>> -> memref<128x128xf32, #tpu.memory_space<hbm>>
        %dma_wait3A_67 = arith.constant 0 : i32
        %dma_wait3A_68 = tpu.memref_slice %arg2[%mul3A_61, %dma_wait3A_67] : memref<50048x128xf32, #tpu.memory_space<hbm>> -> memref<128x128xf32, #tpu.memory_space<hbm>>
        tpu.wait_dma2 semaphore(%run_scoped3A : memref<!tpu.dma_semaphore, #tpu.memory_space<semaphore_mem>>) src(%dma_wait3A_68 : memref<128x128xf32, #tpu.memory_space<hbm>>) dst(%arg7 : memref<128x128xf32, #tpu.memory_space<vmem>>)
        tpu.yield
      }) : () -> ()
      %sub3A_62 = arith.subi %while3A_59, %min3A_49 : i32
      "tpu.region"() ({
        %run_scoped3A = tpu.sem_alloc : memref<!tpu.dma_semaphore, #tpu.memory_space<semaphore_mem>>
        %dma_start3A = arith.constant 0 : i32
        %dma_start3A_63 = tpu.memref_slice %arg6[%sub3A_62, %dma_start3A] : memref<13x128xi32, #tpu.memory_space<vmem>> -> memref<1x128xi32, #tpu.memory_space<vmem>>
        %dma_start3A_64 = tpu.memref_squeeze %dma_start3A_63 : memref<1x128xi32, #tpu.memory_space<vmem>> -> memref<128xi32, #tpu.memory_space<vmem>>
        %dma_start3A_65 = arith.constant 0 : i32
        %dma_start3A_66 = arith.constant 0 : i32
        %dma_start3A_67 = tpu.memref_slice %arg8[%dma_start3A_65, %dma_start3A_66] : memref<1040x128xf32, #tpu.memory_space<vmem_shared>> -> memref<1040x128xf32, #tpu.memory_space<vmem_shared>>
        tpu.enqueue_indirect_dma source(%arg7 : memref<128x128xf32, #tpu.memory_space<vmem>>) target(%dma_start3A_67 : memref<1040x128xf32, #tpu.memory_space<vmem_shared>>) offsets(%dma_start3A_64 : memref<128xi32, #tpu.memory_space<vmem>>) semaphore(%run_scoped3A : memref<!tpu.dma_semaphore, #tpu.memory_space<semaphore_mem>>) {add = true}
        %dma_wait3A = arith.constant 0 : i32
        %dma_wait3A_68 = tpu.memref_slice %arg6[%sub3A_62, %dma_wait3A] : memref<13x128xi32, #tpu.memory_space<vmem>> -> memref<1x128xi32, #tpu.memory_space<vmem>>
        %dma_wait3A_69 = tpu.memref_squeeze %dma_wait3A_68 : memref<1x128xi32, #tpu.memory_space<vmem>> -> memref<128xi32, #tpu.memory_space<vmem>>
        %dma_wait3A_70 = arith.constant 0 : i32
        %dma_wait3A_71 = arith.constant 0 : i32
        %dma_wait3A_72 = tpu.memref_slice %arg8[%dma_wait3A_70, %dma_wait3A_71] : memref<1040x128xf32, #tpu.memory_space<vmem_shared>> -> memref<1040x128xf32, #tpu.memory_space<vmem_shared>>
        tpu.wait_indirect_dma semaphore(%run_scoped3A : memref<!tpu.dma_semaphore, #tpu.memory_space<semaphore_mem>>) src(%arg7 : memref<128x128xf32, #tpu.memory_space<vmem>>) dst(%dma_wait3A_72 : memref<1040x128xf32, #tpu.memory_space<vmem_shared>>)
        tpu.yield
      }) : () -> ()
    }
    %while3A_57 = arith.constant 1 : i32
    scf.for %while3A_59 = %while3A_55 to %while3A_51 step %while3A_57  : i32 {
      %mul3A_60 = arith.constant 128 : i32
      %mul3A_61 = arith.muli %while3A_59, %mul3A_60 : i32
      "tpu.region"() ({
        %run_scoped3A = tpu.sem_alloc : memref<!tpu.dma_semaphore, #tpu.memory_space<semaphore_mem>>
        %dma_start3A = arith.constant 0 : i32
        %dma_start3A_63 = tpu.memref_slice %arg2[%mul3A_61, %dma_start3A] : memref<50048x128xf32, #tpu.memory_space<hbm>> -> memref<128x128xf32, #tpu.memory_space<hbm>>
        %dma_start3A_64 = arith.constant 0 : i32
        %dma_start3A_65 = tpu.memref_slice %arg2[%mul3A_61, %dma_start3A_64] : memref<50048x128xf32, #tpu.memory_space<hbm>> -> memref<128x128xf32, #tpu.memory_space<hbm>>
        tpu.enqueue_dma source(%dma_start3A_65 : memref<128x128xf32, #tpu.memory_space<hbm>>) target(%arg7 : memref<128x128xf32, #tpu.memory_space<vmem>>) target_semaphore(%run_scoped3A : memref<!tpu.dma_semaphore, #tpu.memory_space<semaphore_mem>>)
        %dma_wait3A = arith.constant 0 : i32
        %dma_wait3A_66 = tpu.memref_slice %arg2[%mul3A_61, %dma_wait3A] : memref<50048x128xf32, #tpu.memory_space<hbm>> -> memref<128x128xf32, #tpu.memory_space<hbm>>
        %dma_wait3A_67 = arith.constant 0 : i32
        %dma_wait3A_68 = tpu.memref_slice %arg2[%mul3A_61, %dma_wait3A_67] : memref<50048x128xf32, #tpu.memory_space<hbm>> -> memref<128x128xf32, #tpu.memory_space<hbm>>
        tpu.wait_dma2 semaphore(%run_scoped3A : memref<!tpu.dma_semaphore, #tpu.memory_space<semaphore_mem>>) src(%dma_wait3A_68 : memref<128x128xf32, #tpu.memory_space<hbm>>) dst(%arg7 : memref<128x128xf32, #tpu.memory_space<vmem>>)
        tpu.yield
      }) : () -> ()
      %sub3A_62 = arith.subi %while3A_59, %min3A_49 : i32
      "tpu.region"() ({
        %run_scoped3A = tpu.sem_alloc : memref<!tpu.dma_semaphore, #tpu.memory_space<semaphore_mem>>
        %dma_start3A = arith.constant 0 : i32
        %dma_start3A_63 = tpu.memref_slice %arg6[%sub3A_62, %dma_start3A] : memref<13x128xi32, #tpu.memory_space<vmem>> -> memref<1x128xi32, #tpu.memory_space<vmem>>
        %dma_start3A_64 = tpu.memref_squeeze %dma_start3A_63 : memref<1x128xi32, #tpu.memory_space<vmem>> -> memref<128xi32, #tpu.memory_space<vmem>>
        %dma_start3A_65 = arith.constant 0 : i32
        %dma_start3A_66 = arith.constant 0 : i32
        %dma_start3A_67 = tpu.memref_slice %arg8[%dma_start3A_65, %dma_start3A_66] : memref<1040x128xf32, #tpu.memory_space<vmem_shared>> -> memref<1040x128xf32, #tpu.memory_space<vmem_shared>>
        tpu.enqueue_indirect_dma source(%arg7 : memref<128x128xf32, #tpu.memory_space<vmem>>) target(%dma_start3A_67 : memref<1040x128xf32, #tpu.memory_space<vmem_shared>>) offsets(%dma_start3A_64 : memref<128xi32, #tpu.memory_space<vmem>>) semaphore(%run_scoped3A : memref<!tpu.dma_semaphore, #tpu.memory_space<semaphore_mem>>) {add = true}
        %dma_wait3A = arith.constant 0 : i32
        %dma_wait3A_68 = tpu.memref_slice %arg6[%sub3A_62, %dma_wait3A] : memref<13x128xi32, #tpu.memory_space<vmem>> -> memref<1x128xi32, #tpu.memory_space<vmem>>
        %dma_wait3A_69 = tpu.memref_squeeze %dma_wait3A_68 : memref<1x128xi32, #tpu.memory_space<vmem>> -> memref<128xi32, #tpu.memory_space<vmem>>
        %dma_wait3A_70 = arith.constant 0 : i32
        %dma_wait3A_71 = arith.constant 0 : i32
        %dma_wait3A_72 = tpu.memref_slice %arg8[%dma_wait3A_70, %dma_wait3A_71] : memref<1040x128xf32, #tpu.memory_space<vmem_shared>> -> memref<1040x128xf32, #tpu.memory_space<vmem_shared>>
        tpu.wait_indirect_dma semaphore(%run_scoped3A : memref<!tpu.dma_semaphore, #tpu.memory_space<semaphore_mem>>) src(%arg7 : memref<128x128xf32, #tpu.memory_space<vmem>>) dst(%dma_wait3A_72 : memref<1040x128xf32, #tpu.memory_space<vmem_shared>>)
        tpu.yield
      }) : () -> ()
    }
    %barrier3A_58 = arith.constant 0 : index
    tpu.barrier barrier_id(%barrier3A_58)
    "tpu.region"() ({
      %run_scoped3A = tpu.sem_alloc : memref<!tpu.dma_semaphore, #tpu.memory_space<semaphore_mem>>
      %dma_start3A = arith.constant 0 : i32
      %dma_start3A_59 = arith.constant 0 : i32
      %dma_start3A_60 = tpu.memref_slice %arg5[%arg0, %dma_start3A, %dma_start3A_59] : memref<2x1040x128xf32, #tpu.memory_space<hbm>> -> memref<1x1040x128xf32, #tpu.memory_space<hbm>>
      %dma_start3A_61 = tpu.memref_squeeze %dma_start3A_60 : memref<1x1040x128xf32, #tpu.memory_space<hbm>> -> memref<1040x128xf32, #tpu.memory_space<hbm>>
      %dma_start3A_62 = arith.constant 0 : i32
      %dma_start3A_63 = tpu.memref_slice %dma_start3A_61[%mul3A_2, %dma_start3A_62] : memref<1040x128xf32, #tpu.memory_space<hbm>> -> memref<65x128xf32, #tpu.memory_space<hbm>>
      %dma_start3A_64 = arith.constant 0 : i32
      %dma_start3A_65 = tpu.memref_slice %arg8[%mul3A_2, %dma_start3A_64] : memref<1040x128xf32, #tpu.memory_space<vmem_shared>> -> memref<65x128xf32, #tpu.memory_space<vmem_shared>>
      tpu.enqueue_dma source(%dma_start3A_65 : memref<65x128xf32, #tpu.memory_space<vmem_shared>>) target(%dma_start3A_63 : memref<65x128xf32, #tpu.memory_space<hbm>>) target_semaphore(%run_scoped3A : memref<!tpu.dma_semaphore, #tpu.memory_space<semaphore_mem>>)
      %dma_wait3A = arith.constant 0 : i32
      %dma_wait3A_66 = arith.constant 0 : i32
      %dma_wait3A_67 = tpu.memref_slice %arg5[%arg0, %dma_wait3A, %dma_wait3A_66] : memref<2x1040x128xf32, #tpu.memory_space<hbm>> -> memref<1x1040x128xf32, #tpu.memory_space<hbm>>
      %dma_wait3A_68 = tpu.memref_squeeze %dma_wait3A_67 : memref<1x1040x128xf32, #tpu.memory_space<hbm>> -> memref<1040x128xf32, #tpu.memory_space<hbm>>
      %dma_wait3A_69 = arith.constant 0 : i32
      %dma_wait3A_70 = tpu.memref_slice %dma_wait3A_68[%mul3A_2, %dma_wait3A_69] : memref<1040x128xf32, #tpu.memory_space<hbm>> -> memref<65x128xf32, #tpu.memory_space<hbm>>
      %dma_wait3A_71 = arith.constant 0 : i32
      %dma_wait3A_72 = tpu.memref_slice %arg8[%mul3A_2, %dma_wait3A_71] : memref<1040x128xf32, #tpu.memory_space<vmem_shared>> -> memref<65x128xf32, #tpu.memory_space<vmem_shared>>
      tpu.wait_dma2 semaphore(%run_scoped3A : memref<!tpu.dma_semaphore, #tpu.memory_space<semaphore_mem>>) src(%dma_wait3A_72 : memref<65x128xf32, #tpu.memory_space<vmem_shared>>) dst(%dma_wait3A_70 : memref<65x128xf32, #tpu.memory_space<hbm>>)
      tpu.yield
    }) : () -> ()
    return
  }
}

module attributes {stable_mosaic.version = 14 : i64} {
  func.func @body(%arg0: i32, %arg1: memref<4000x1xf32, #tpu.memory_space<vmem>>, %arg2: memref<4000x16xf32, #tpu.memory_space<vmem>>, %arg3: memref<1x64xf32, #tpu.memory_space<vmem>>, %arg4: memref<1x64xf32, #tpu.memory_space<vmem>>, %arg5: memref<64x256xf32, #tpu.memory_space<vmem>>, %arg6: memref<1x256xf32, #tpu.memory_space<vmem>>, %arg7: memref<1x64xf32, #tpu.memory_space<vmem>>, %arg8: memref<1x64xf32, #tpu.memory_space<vmem>>, %arg9: memref<64x16xf32, #tpu.memory_space<vmem>>, %arg10: memref<1x16xf32, #tpu.memory_space<vmem>>, %arg11: memref<4000x16xf32, #tpu.memory_space<vmem>>) attributes {dimension_semantics = [#tpu.dimension_semantics<arbitrary>], iteration_bounds = array<i64: 200>, scalar_prefetch = 0 : i64, scratch_operands = 0 : i64, tpu.core_type = #tpu.core_type<tc>, window_params = [{transform_indices = @transform_0, window_bounds = array<i64: 4000, 1>}, {transform_indices = @transform_1, window_bounds = array<i64: 4000, 16>}, {pipeline_mode = #tpu.pipeline_mode<synchronous>, transform_indices = @transform_2, window_bounds = array<i64: 1, 64>}, {pipeline_mode = #tpu.pipeline_mode<synchronous>, transform_indices = @transform_3, window_bounds = array<i64: 1, 64>}, {pipeline_mode = #tpu.pipeline_mode<synchronous>, transform_indices = @transform_4, window_bounds = array<i64: 64, 256>}, {pipeline_mode = #tpu.pipeline_mode<synchronous>, transform_indices = @transform_5, window_bounds = array<i64: 1, 256>}, {pipeline_mode = #tpu.pipeline_mode<synchronous>, transform_indices = @transform_6, window_bounds = array<i64: 1, 64>}, {pipeline_mode = #tpu.pipeline_mode<synchronous>, transform_indices = @transform_7, window_bounds = array<i64: 1, 64>}, {pipeline_mode = #tpu.pipeline_mode<synchronous>, transform_indices = @transform_8, window_bounds = array<i64: 64, 16>}, {pipeline_mode = #tpu.pipeline_mode<synchronous>, transform_indices = @transform_9, window_bounds = array<i64: 1, 16>}, {transform_indices = @transform_10, window_bounds = array<i64: 4000, 16>}]} {
    %get3A = arith.constant 0 : index
    %get3A_0 = arith.constant 0 : index
    %get3A_1 = vector.load %arg1[%get3A, %get3A_0] : memref<4000x1xf32, #tpu.memory_space<vmem>>, vector<4000x1xf32>
    %get3A_2 = arith.constant 0 : index
    %get3A_3 = arith.constant 0 : index
    %get3A_4 = vector.load %arg3[%get3A_2, %get3A_3] : memref<1x64xf32, #tpu.memory_space<vmem>>, vector<1x64xf32>
    %mul3A = vector.broadcast %get3A_1 : vector<4000x1xf32> to vector<4000x64xf32>
    %mul3A_5 = vector.broadcast %get3A_4 : vector<1x64xf32> to vector<4000x64xf32>
    %mul3A_6 = arith.mulf %mul3A, %mul3A_5 : vector<4000x64xf32>
    %get3A_7 = arith.constant 0 : index
    %get3A_8 = arith.constant 0 : index
    %get3A_9 = vector.load %arg4[%get3A_7, %get3A_8] : memref<1x64xf32, #tpu.memory_space<vmem>>, vector<1x64xf32>
    %add3A = vector.broadcast %get3A_9 : vector<1x64xf32> to vector<4000x64xf32>
    %add3A_10 = arith.addf %mul3A_6, %add3A : vector<4000x64xf32>
    %gt3A = arith.constant 0.000000e+00 : f32
    %gt3A_11 = vector.broadcast %gt3A : f32 to vector<4000x64xf32>
    %gt3A_12 = arith.cmpf ogt, %add3A_10, %gt3A_11 : vector<4000x64xf32>
    %min3A = arith.constant 0.000000e+00 : f32
    %min3A_13 = vector.broadcast %min3A : f32 to vector<4000x64xf32>
    %min3A_14 = arith.minimumf %add3A_10, %min3A_13 : vector<4000x64xf32>
    %exp3A = math.exp %min3A_14 : vector<4000x64xf32>
    %sub3A = arith.constant 1.000000e+00 : f32
    %sub3A_15 = vector.broadcast %sub3A : f32 to vector<4000x64xf32>
    %sub3A_16 = arith.subf %exp3A, %sub3A_15 : vector<4000x64xf32>
    %mul3A_17 = arith.constant 1.67326319 : f32
    %mul3A_18 = vector.broadcast %mul3A_17 : f32 to vector<4000x64xf32>
    %mul3A_19 = arith.mulf %mul3A_18, %sub3A_16 : vector<4000x64xf32>
    %select_n3A = arith.select %gt3A_12, %add3A_10, %mul3A_19 : vector<4000x64xi1>, vector<4000x64xf32>
    %mul3A_20 = arith.constant 1.05070102 : f32
    %mul3A_21 = vector.broadcast %mul3A_20 : f32 to vector<4000x64xf32>
    %mul3A_22 = arith.mulf %mul3A_21, %select_n3A : vector<4000x64xf32>
    %get3A_23 = arith.constant 0 : index
    %get3A_24 = arith.constant 0 : index
    %get3A_25 = vector.load %arg7[%get3A_23, %get3A_24] : memref<1x64xf32, #tpu.memory_space<vmem>>, vector<1x64xf32>
    %mul3A_26 = vector.broadcast %get3A_1 : vector<4000x1xf32> to vector<4000x64xf32>
    %mul3A_27 = vector.broadcast %get3A_25 : vector<1x64xf32> to vector<4000x64xf32>
    %mul3A_28 = arith.mulf %mul3A_26, %mul3A_27 : vector<4000x64xf32>
    %get3A_29 = arith.constant 0 : index
    %get3A_30 = arith.constant 0 : index
    %get3A_31 = vector.load %arg8[%get3A_29, %get3A_30] : memref<1x64xf32, #tpu.memory_space<vmem>>, vector<1x64xf32>
    %add3A_32 = vector.broadcast %get3A_31 : vector<1x64xf32> to vector<4000x64xf32>
    %add3A_33 = arith.addf %mul3A_28, %add3A_32 : vector<4000x64xf32>
    %gt3A_34 = arith.constant 0.000000e+00 : f32
    %gt3A_35 = vector.broadcast %gt3A_34 : f32 to vector<4000x64xf32>
    %gt3A_36 = arith.cmpf ogt, %add3A_33, %gt3A_35 : vector<4000x64xf32>
    %min3A_37 = arith.constant 0.000000e+00 : f32
    %min3A_38 = vector.broadcast %min3A_37 : f32 to vector<4000x64xf32>
    %min3A_39 = arith.minimumf %add3A_33, %min3A_38 : vector<4000x64xf32>
    %exp3A_40 = math.exp %min3A_39 : vector<4000x64xf32>
    %sub3A_41 = arith.constant 1.000000e+00 : f32
    %sub3A_42 = vector.broadcast %sub3A_41 : f32 to vector<4000x64xf32>
    %sub3A_43 = arith.subf %exp3A_40, %sub3A_42 : vector<4000x64xf32>
    %mul3A_44 = arith.constant 1.67326319 : f32
    %mul3A_45 = vector.broadcast %mul3A_44 : f32 to vector<4000x64xf32>
    %mul3A_46 = arith.mulf %mul3A_45, %sub3A_43 : vector<4000x64xf32>
    %select_n3A_47 = arith.select %gt3A_36, %add3A_33, %mul3A_46 : vector<4000x64xi1>, vector<4000x64xf32>
    %mul3A_48 = arith.constant 1.05070102 : f32
    %mul3A_49 = vector.broadcast %mul3A_48 : f32 to vector<4000x64xf32>
    %mul3A_50 = arith.mulf %mul3A_49, %select_n3A_47 : vector<4000x64xf32>
    %get3A_51 = arith.constant 0 : index
    %get3A_52 = arith.constant 0 : index
    %get3A_53 = vector.load %arg5[%get3A_51, %get3A_52] : memref<64x256xf32, #tpu.memory_space<vmem>>, vector<64x256xf32>
    %convert_element_type3A = arith.truncf %mul3A_22 : vector<4000x64xf32> to vector<4000x64xbf16>
    %convert_element_type3A_54 = arith.truncf %get3A_53 : vector<64x256xf32> to vector<64x256xbf16>
    %dot_general3A = arith.constant dense<0.000000e+00> : vector<4000x256xf32>
    %dot_general3A_55 = tpu.matmul %convert_element_type3A, %convert_element_type3A_54, %dot_general3A {dimension_numbers = #tpu.dot_dimension_numbers<[1], [0], [0], [1], [0, 0, 1, 1], [], []>, transpose_lhs_hint = false} : vector<4000x64xbf16>, vector<64x256xbf16>, vector<4000x256xf32> -> vector<4000x256xf32>
    %get3A_56 = arith.constant 0 : index
    %get3A_57 = arith.constant 0 : index
    %get3A_58 = vector.load %arg6[%get3A_56, %get3A_57] : memref<1x256xf32, #tpu.memory_space<vmem>>, vector<1x256xf32>
    %add3A_59 = vector.broadcast %get3A_58 : vector<1x256xf32> to vector<4000x256xf32>
    %add3A_60 = arith.addf %dot_general3A_55, %add3A_59 : vector<4000x256xf32>
    %get3A_61 = arith.constant 0 : index
    %get3A_62 = arith.constant 0 : index
    %get3A_63 = vector.load %arg9[%get3A_61, %get3A_62] : memref<64x16xf32, #tpu.memory_space<vmem>>, vector<64x16xf32>
    %convert_element_type3A_64 = arith.truncf %mul3A_50 : vector<4000x64xf32> to vector<4000x64xbf16>
    %convert_element_type3A_65 = arith.truncf %get3A_63 : vector<64x16xf32> to vector<64x16xbf16>
    %dot_general3A_66 = arith.constant dense<0.000000e+00> : vector<4000x16xf32>
    %dot_general3A_67 = tpu.matmul %convert_element_type3A_64, %convert_element_type3A_65, %dot_general3A_66 {dimension_numbers = #tpu.dot_dimension_numbers<[1], [0], [0], [1], [0, 0, 1, 1], [], []>, transpose_lhs_hint = false} : vector<4000x64xbf16>, vector<64x16xbf16>, vector<4000x16xf32> -> vector<4000x16xf32>
    %get3A_68 = arith.constant 0 : index
    %get3A_69 = arith.constant 0 : index
    %get3A_70 = vector.load %arg10[%get3A_68, %get3A_69] : memref<1x16xf32, #tpu.memory_space<vmem>>, vector<1x16xf32>
    %add3A_71 = vector.broadcast %get3A_70 : vector<1x16xf32> to vector<4000x16xf32>
    %add3A_72 = arith.addf %dot_general3A_67, %add3A_71 : vector<4000x16xf32>
    %iota3A = tpu.iota {dimensions = array<i32: 0>} : vector<16x256xi32>
    %iota3A_73 = tpu.iota {dimensions = array<i32: 1>} : vector<16x256xi32>
    %jit3A = arith.constant 16 : i32
    %eq3A = arith.constant 0 : i32
    %eq3A_74 = arith.cmpi eq, %jit3A, %eq3A : i32
    %jit3A_75 = arith.constant 1 : i32
    %select_n3A_76 = arith.select %eq3A_74, %jit3A_75, %jit3A : i32
    %rem3A = vector.broadcast %select_n3A_76 : i32 to vector<16x256xi32>
    %rem3A_77 = arith.remsi %iota3A_73, %rem3A : vector<16x256xi32>
    %ne3A = arith.constant 0 : i32
    %ne3A_78 = vector.broadcast %ne3A : i32 to vector<16x256xi32>
    %ne3A_79 = arith.cmpi ne, %rem3A_77, %ne3A_78 : vector<16x256xi32>
    %lt3A = arith.constant 0 : i32
    %lt3A_80 = vector.broadcast %lt3A : i32 to vector<16x256xi32>
    %lt3A_81 = arith.cmpi slt, %rem3A_77, %lt3A_80 : vector<16x256xi32>
    %lt3A_82 = arith.constant 0 : i32
    %lt3A_83 = arith.cmpi slt, %select_n3A_76, %lt3A_82 : i32
    %ne3A_84 = vector.broadcast %lt3A_83 : i1 to vector<16x256xi1>
    %ne3A_85 = vector.broadcast %ne3A_84 : vector<16x256xi1> to vector<16x256xi1>
    %ne3A_86 = arith.xori %lt3A_81, %ne3A_85 : vector<16x256xi1>
    %and3A = arith.andi %ne3A_86, %ne3A_79 : vector<16x256xi1>
    %add3A_87 = vector.broadcast %select_n3A_76 : i32 to vector<16x256xi32>
    %add3A_88 = arith.addi %rem3A_77, %add3A_87 : vector<16x256xi32>
    %select_n3A_89 = arith.select %and3A, %add3A_88, %rem3A_77 : vector<16x256xi1>, vector<16x256xi32>
    %eq3A_90 = arith.cmpi eq, %select_n3A_89, %iota3A : vector<16x256xi32>
    %convert_element_type3A_91 = arith.extui %eq3A_90 : vector<16x256xi1> to vector<16x256xi32>
    %convert_element_type3A_92 = arith.sitofp %convert_element_type3A_91 : vector<16x256xi32> to vector<16x256xf32>
    %convert_element_type3A_93 = arith.truncf %convert_element_type3A_92 : vector<16x256xf32> to vector<16x256xbf16>
    %iota3A_94 = tpu.iota {dimensions = array<i32: 0>} : vector<256x16xi32>
    %iota3A_95 = tpu.iota {dimensions = array<i32: 1>} : vector<256x16xi32>
    %jit3A_96 = arith.constant 16 : i32
    %div3A = vector.broadcast %jit3A_96 : i32 to vector<256x16xi32>
    %div3A_97 = arith.divsi %iota3A_94, %div3A : vector<256x16xi32>
    %sign3A = arith.constant 0 : i32
    %sign3A_98 = vector.broadcast %sign3A : i32 to vector<256x16xi32>
    %sign3A_99 = arith.cmpi sgt, %iota3A_94, %sign3A_98 : vector<256x16xi32>
    %sign3A_100 = arith.extui %sign3A_99 : vector<256x16xi1> to vector<256x16xi32>
    %sign3A_101 = arith.constant 0 : i32
    %sign3A_102 = vector.broadcast %sign3A_101 : i32 to vector<256x16xi32>
    %sign3A_103 = arith.cmpi slt, %iota3A_94, %sign3A_102 : vector<256x16xi32>
    %sign3A_104 = arith.extui %sign3A_103 : vector<256x16xi1> to vector<256x16xi32>
    %sign3A_105 = arith.subi %sign3A_100, %sign3A_104 : vector<256x16xi32>
    %sign3A_106 = arith.constant 0 : i32
    %sign3A_107 = arith.cmpi sgt, %jit3A_96, %sign3A_106 : i32
    %sign3A_108 = arith.extui %sign3A_107 : i1 to i32
    %sign3A_109 = arith.constant 0 : i32
    %sign3A_110 = arith.cmpi slt, %jit3A_96, %sign3A_109 : i32
    %sign3A_111 = arith.extui %sign3A_110 : i1 to i32
    %sign3A_112 = arith.subi %sign3A_108, %sign3A_111 : i32
    %ne3A_113 = vector.broadcast %sign3A_112 : i32 to vector<256x16xi32>
    %ne3A_114 = arith.cmpi ne, %sign3A_105, %ne3A_113 : vector<256x16xi32>
    %rem3A_115 = vector.broadcast %jit3A_96 : i32 to vector<256x16xi32>
    %rem3A_116 = arith.remsi %iota3A_94, %rem3A_115 : vector<256x16xi32>
    %ne3A_117 = arith.constant 0 : i32
    %ne3A_118 = vector.broadcast %ne3A_117 : i32 to vector<256x16xi32>
    %ne3A_119 = arith.cmpi ne, %rem3A_116, %ne3A_118 : vector<256x16xi32>
    %and3A_120 = arith.andi %ne3A_114, %ne3A_119 : vector<256x16xi1>
    %sub3A_121 = arith.constant 1 : i32
    %sub3A_122 = vector.broadcast %sub3A_121 : i32 to vector<256x16xi32>
    %sub3A_123 = arith.subi %div3A_97, %sub3A_122 : vector<256x16xi32>
    %select_n3A_124 = arith.select %and3A_120, %sub3A_123, %div3A_97 : vector<256x16xi1>, vector<256x16xi32>
    %eq3A_125 = arith.cmpi eq, %select_n3A_124, %iota3A_95 : vector<256x16xi32>
    %convert_element_type3A_126 = arith.extui %eq3A_125 : vector<256x16xi1> to vector<256x16xi32>
    %convert_element_type3A_127 = arith.sitofp %convert_element_type3A_126 : vector<256x16xi32> to vector<256x16xf32>
    %convert_element_type3A_128 = arith.truncf %convert_element_type3A_127 : vector<256x16xf32> to vector<256x16xbf16>
    %get3A_129 = arith.constant 0 : index
    %get3A_130 = arith.constant 0 : index
    %get3A_131 = vector.load %arg2[%get3A_129, %get3A_130] : memref<4000x16xf32, #tpu.memory_space<vmem>>, vector<4000x16xf32>
    %convert_element_type3A_132 = arith.truncf %get3A_131 : vector<4000x16xf32> to vector<4000x16xbf16>
    %convert_element_type3A_133 = arith.extf %convert_element_type3A_132 : vector<4000x16xbf16> to vector<4000x16xf32>
    %sub3A_134 = arith.subf %get3A_131, %convert_element_type3A_133 : vector<4000x16xf32>
    %convert_element_type3A_135 = arith.truncf %sub3A_134 : vector<4000x16xf32> to vector<4000x16xbf16>
    %dot_general3A_136 = arith.constant dense<0.000000e+00> : vector<4000x256xf32>
    %dot_general3A_137 = tpu.matmul %convert_element_type3A_132, %convert_element_type3A_93, %dot_general3A_136 {dimension_numbers = #tpu.dot_dimension_numbers<[1], [0], [0], [1], [0, 0, 1, 1], [], []>, transpose_lhs_hint = false} : vector<4000x16xbf16>, vector<16x256xbf16>, vector<4000x256xf32> -> vector<4000x256xf32>
    %dot_general3A_138 = arith.constant dense<0.000000e+00> : vector<4000x256xf32>
    %dot_general3A_139 = tpu.matmul %convert_element_type3A_135, %convert_element_type3A_93, %dot_general3A_138 {dimension_numbers = #tpu.dot_dimension_numbers<[1], [0], [0], [1], [0, 0, 1, 1], [], []>, transpose_lhs_hint = false} : vector<4000x16xbf16>, vector<16x256xbf16>, vector<4000x256xf32> -> vector<4000x256xf32>
    %add3A_140 = arith.addf %dot_general3A_137, %dot_general3A_139 : vector<4000x256xf32>
    %mul3A_141 = arith.mulf %add3A_60, %add3A_140 : vector<4000x256xf32>
    %convert_element_type3A_142 = arith.truncf %mul3A_141 : vector<4000x256xf32> to vector<4000x256xbf16>
    %convert_element_type3A_143 = arith.extf %convert_element_type3A_142 : vector<4000x256xbf16> to vector<4000x256xf32>
    %sub3A_144 = arith.subf %mul3A_141, %convert_element_type3A_143 : vector<4000x256xf32>
    %convert_element_type3A_145 = arith.truncf %sub3A_144 : vector<4000x256xf32> to vector<4000x256xbf16>
    %dot_general3A_146 = arith.constant dense<0.000000e+00> : vector<4000x16xf32>
    %dot_general3A_147 = tpu.matmul %convert_element_type3A_142, %convert_element_type3A_128, %dot_general3A_146 {dimension_numbers = #tpu.dot_dimension_numbers<[1], [0], [0], [1], [0, 0, 1, 1], [], []>, transpose_lhs_hint = false} : vector<4000x256xbf16>, vector<256x16xbf16>, vector<4000x16xf32> -> vector<4000x16xf32>
    %dot_general3A_148 = arith.constant dense<0.000000e+00> : vector<4000x16xf32>
    %dot_general3A_149 = tpu.matmul %convert_element_type3A_145, %convert_element_type3A_128, %dot_general3A_148 {dimension_numbers = #tpu.dot_dimension_numbers<[1], [0], [0], [1], [0, 0, 1, 1], [], []>, transpose_lhs_hint = false} : vector<4000x256xbf16>, vector<256x16xbf16>, vector<4000x16xf32> -> vector<4000x16xf32>
    %add3A_150 = arith.addf %dot_general3A_147, %dot_general3A_149 : vector<4000x16xf32>
    %add3A_151 = arith.addf %add3A_150, %add3A_72 : vector<4000x16xf32>
    %swap3A = arith.constant 0 : index
    %swap3A_152 = arith.constant 0 : index
    %swap3A_153 = vector.load %arg11[%swap3A, %swap3A_152] : memref<4000x16xf32, #tpu.memory_space<vmem>>, vector<4000x16xf32>
    tpu.vector_store %arg11[%swap3A, %swap3A_152], %add3A_151 {strides = array<i32>} : memref<4000x16xf32, #tpu.memory_space<vmem>>, vector<4000x16xf32>,
    return
  }
  func.func @transform_0(%arg0: i32) -> (i32, i32) {
    %c0_i32 = arith.constant 0 : i32
    %c0_i32_0 = arith.constant 0 : i32
    return %arg0, %c0_i32 : i32, i32
  }
  func.func @transform_1(%arg0: i32) -> (i32, i32) {
    %c0_i32 = arith.constant 0 : i32
    %c0_i32_0 = arith.constant 0 : i32
    return %arg0, %c0_i32 : i32, i32
  }
  func.func @transform_2(%arg0: i32) -> (i32, i32) {
    %c0_i32 = arith.constant 0 : i32
    %c0_i32_0 = arith.constant 0 : i32
    %c0_i32_1 = arith.constant 0 : i32
    return %c0_i32, %c0_i32_0 : i32, i32
  }
  func.func @transform_3(%arg0: i32) -> (i32, i32) {
    %c0_i32 = arith.constant 0 : i32
    %c0_i32_0 = arith.constant 0 : i32
    %c0_i32_1 = arith.constant 0 : i32
    return %c0_i32, %c0_i32_0 : i32, i32
  }
  func.func @transform_4(%arg0: i32) -> (i32, i32) {
    %c0_i32 = arith.constant 0 : i32
    %c0_i32_0 = arith.constant 0 : i32
    %c0_i32_1 = arith.constant 0 : i32
    return %c0_i32, %c0_i32_0 : i32, i32
  }
  func.func @transform_5(%arg0: i32) -> (i32, i32) {
    %c0_i32 = arith.constant 0 : i32
    %c0_i32_0 = arith.constant 0 : i32
    %c0_i32_1 = arith.constant 0 : i32
    return %c0_i32, %c0_i32_0 : i32, i32
  }
  func.func @transform_6(%arg0: i32) -> (i32, i32) {
    %c0_i32 = arith.constant 0 : i32
    %c0_i32_0 = arith.constant 0 : i32
    %c0_i32_1 = arith.constant 0 : i32
    return %c0_i32, %c0_i32_0 : i32, i32
  }
  func.func @transform_7(%arg0: i32) -> (i32, i32) {
    %c0_i32 = arith.constant 0 : i32
    %c0_i32_0 = arith.constant 0 : i32
    %c0_i32_1 = arith.constant 0 : i32
    return %c0_i32, %c0_i32_0 : i32, i32
  }
  func.func @transform_8(%arg0: i32) -> (i32, i32) {
    %c0_i32 = arith.constant 0 : i32
    %c0_i32_0 = arith.constant 0 : i32
    %c0_i32_1 = arith.constant 0 : i32
    return %c0_i32, %c0_i32_0 : i32, i32
  }
  func.func @transform_9(%arg0: i32) -> (i32, i32) {
    %c0_i32 = arith.constant 0 : i32
    %c0_i32_0 = arith.constant 0 : i32
    %c0_i32_1 = arith.constant 0 : i32
    return %c0_i32, %c0_i32_0 : i32, i32
  }
  func.func @transform_10(%arg0: i32) -> (i32, i32) {
    %c0_i32 = arith.constant 0 : i32
    %c0_i32_0 = arith.constant 0 : i32
    return %arg0, %c0_i32 : i32, i32
  }
}

module attributes {stable_mosaic.version = 14 : i64} {
  func.func @body(%arg0: i32, %arg1: memref<3128x16xf32, #tpu.memory_space<vmem>>, %arg2: memref<3128x16xf32, #tpu.memory_space<vmem>>, %arg3: memref<3128x16xf32, #tpu.memory_space<vmem>>, %arg4: memref<16x16xf32, #tpu.memory_space<vmem>>, %arg5: memref<16x16xf32, #tpu.memory_space<vmem>>, %arg6: memref<16x16xf32, #tpu.memory_space<vmem>>, %arg7: memref<16x16xf32, #tpu.memory_space<vmem>>, %arg8: memref<16x16xf32, #tpu.memory_space<vmem>>, %arg9: memref<16x16xf32, #tpu.memory_space<vmem>>, %arg10: memref<1x16xf32, #tpu.memory_space<vmem>>, %arg11: memref<1x16xf32, #tpu.memory_space<vmem>>, %arg12: memref<1x16xf32, #tpu.memory_space<vmem>>, %arg13: memref<3128x16xf32, #tpu.memory_space<vmem>>) attributes {dimension_semantics = [#tpu.dimension_semantics<arbitrary>], iteration_bounds = array<i64: 16>, scalar_prefetch = 0 : i64, scratch_operands = 0 : i64, tpu.core_type = #tpu.core_type<tc>, window_params = [{transform_indices = @transform_0, window_bounds = array<i64: 3128, 16>}, {transform_indices = @transform_1, window_bounds = array<i64: 3128, 16>}, {transform_indices = @transform_2, window_bounds = array<i64: 3128, 16>}, {pipeline_mode = #tpu.pipeline_mode<synchronous>, transform_indices = @transform_3, window_bounds = array<i64: 16, 16>}, {pipeline_mode = #tpu.pipeline_mode<synchronous>, transform_indices = @transform_4, window_bounds = array<i64: 16, 16>}, {pipeline_mode = #tpu.pipeline_mode<synchronous>, transform_indices = @transform_5, window_bounds = array<i64: 16, 16>}, {pipeline_mode = #tpu.pipeline_mode<synchronous>, transform_indices = @transform_6, window_bounds = array<i64: 16, 16>}, {pipeline_mode = #tpu.pipeline_mode<synchronous>, transform_indices = @transform_7, window_bounds = array<i64: 16, 16>}, {pipeline_mode = #tpu.pipeline_mode<synchronous>, transform_indices = @transform_8, window_bounds = array<i64: 16, 16>}, {pipeline_mode = #tpu.pipeline_mode<synchronous>, transform_indices = @transform_9, window_bounds = array<i64: 1, 16>}, {pipeline_mode = #tpu.pipeline_mode<synchronous>, transform_indices = @transform_10, window_bounds = array<i64: 1, 16>}, {pipeline_mode = #tpu.pipeline_mode<synchronous>, transform_indices = @transform_11, window_bounds = array<i64: 1, 16>}, {transform_indices = @transform_12, window_bounds = array<i64: 3128, 16>}]} {
    %get3A = arith.constant 0 : index
    %get3A_0 = arith.constant 0 : index
    %get3A_1 = vector.load %arg1[%get3A, %get3A_0] : memref<3128x16xf32, #tpu.memory_space<vmem>>, vector<3128x16xf32>
    %get3A_2 = arith.constant 0 : index
    %get3A_3 = arith.constant 0 : index
    %get3A_4 = vector.load %arg2[%get3A_2, %get3A_3] : memref<3128x16xf32, #tpu.memory_space<vmem>>, vector<3128x16xf32>
    %get3A_5 = arith.constant 0 : index
    %get3A_6 = arith.constant 0 : index
    %get3A_7 = vector.load %arg3[%get3A_5, %get3A_6] : memref<3128x16xf32, #tpu.memory_space<vmem>>, vector<3128x16xf32>
    %add3A = arith.addf %get3A_4, %get3A_7 : vector<3128x16xf32>
    %get3A_8 = arith.constant 0 : index
    %get3A_9 = arith.constant 0 : index
    %get3A_10 = vector.load %arg4[%get3A_8, %get3A_9] : memref<16x16xf32, #tpu.memory_space<vmem>>, vector<16x16xf32>
    %convert_element_type3A = arith.truncf %add3A : vector<3128x16xf32> to vector<3128x16xbf16>
    %convert_element_type3A_11 = arith.truncf %get3A_10 : vector<16x16xf32> to vector<16x16xbf16>
    %dot_general3A = arith.constant dense<0.000000e+00> : vector<3128x16xf32>
    %dot_general3A_12 = tpu.matmul %convert_element_type3A, %convert_element_type3A_11, %dot_general3A {dimension_numbers = #tpu.dot_dimension_numbers<[1], [0], [0], [1], [0, 0, 1, 1], [], []>, transpose_lhs_hint = false} : vector<3128x16xbf16>, vector<16x16xbf16>, vector<3128x16xf32> -> vector<3128x16xf32>
    %get3A_13 = arith.constant 0 : index
    %get3A_14 = arith.constant 0 : index
    %get3A_15 = vector.load %arg10[%get3A_13, %get3A_14] : memref<1x16xf32, #tpu.memory_space<vmem>>, vector<1x16xf32>
    %add3A_16 = vector.broadcast %get3A_15 : vector<1x16xf32> to vector<3128x16xf32>
    %add3A_17 = arith.addf %dot_general3A_12, %add3A_16 : vector<3128x16xf32>
    %get3A_18 = arith.constant 0 : index
    %get3A_19 = arith.constant 0 : index
    %get3A_20 = vector.load %arg7[%get3A_18, %get3A_19] : memref<16x16xf32, #tpu.memory_space<vmem>>, vector<16x16xf32>
    %convert_element_type3A_21 = arith.truncf %get3A_1 : vector<3128x16xf32> to vector<3128x16xbf16>
    %convert_element_type3A_22 = arith.truncf %get3A_20 : vector<16x16xf32> to vector<16x16xbf16>
    %dot_general3A_23 = arith.constant dense<0.000000e+00> : vector<3128x16xf32>
    %dot_general3A_24 = tpu.matmul %convert_element_type3A_21, %convert_element_type3A_22, %dot_general3A_23 {dimension_numbers = #tpu.dot_dimension_numbers<[1], [0], [0], [1], [0, 0, 1, 1], [], []>, transpose_lhs_hint = false} : vector<3128x16xbf16>, vector<16x16xbf16>, vector<3128x16xf32> -> vector<3128x16xf32>
    %add3A_25 = arith.addf %add3A_17, %dot_general3A_24 : vector<3128x16xf32>
    %logistic3A = arith.negf %add3A_25 : vector<3128x16xf32>
    %logistic3A_26 = math.exp %logistic3A : vector<3128x16xf32>
    %logistic3A_27 = arith.constant 1.000000e+00 : f32
    %logistic3A_28 = vector.broadcast %logistic3A_27 : f32 to vector<3128x16xf32>
    %logistic3A_29 = arith.addf %logistic3A_28, %logistic3A_26 : vector<3128x16xf32>
    %logistic3A_30 = arith.divf %logistic3A_28, %logistic3A_29 : vector<3128x16xf32>
    %get3A_31 = arith.constant 0 : index
    %get3A_32 = arith.constant 0 : index
    %get3A_33 = vector.load %arg5[%get3A_31, %get3A_32] : memref<16x16xf32, #tpu.memory_space<vmem>>, vector<16x16xf32>
    %convert_element_type3A_34 = arith.truncf %add3A : vector<3128x16xf32> to vector<3128x16xbf16>
    %convert_element_type3A_35 = arith.truncf %get3A_33 : vector<16x16xf32> to vector<16x16xbf16>
    %dot_general3A_36 = arith.constant dense<0.000000e+00> : vector<3128x16xf32>
    %dot_general3A_37 = tpu.matmul %convert_element_type3A_34, %convert_element_type3A_35, %dot_general3A_36 {dimension_numbers = #tpu.dot_dimension_numbers<[1], [0], [0], [1], [0, 0, 1, 1], [], []>, transpose_lhs_hint = false} : vector<3128x16xbf16>, vector<16x16xbf16>, vector<3128x16xf32> -> vector<3128x16xf32>
    %get3A_38 = arith.constant 0 : index
    %get3A_39 = arith.constant 0 : index
    %get3A_40 = vector.load %arg11[%get3A_38, %get3A_39] : memref<1x16xf32, #tpu.memory_space<vmem>>, vector<1x16xf32>
    %add3A_41 = vector.broadcast %get3A_40 : vector<1x16xf32> to vector<3128x16xf32>
    %add3A_42 = arith.addf %dot_general3A_37, %add3A_41 : vector<3128x16xf32>
    %get3A_43 = arith.constant 0 : index
    %get3A_44 = arith.constant 0 : index
    %get3A_45 = vector.load %arg8[%get3A_43, %get3A_44] : memref<16x16xf32, #tpu.memory_space<vmem>>, vector<16x16xf32>
    %convert_element_type3A_46 = arith.truncf %get3A_1 : vector<3128x16xf32> to vector<3128x16xbf16>
    %convert_element_type3A_47 = arith.truncf %get3A_45 : vector<16x16xf32> to vector<16x16xbf16>
    %dot_general3A_48 = arith.constant dense<0.000000e+00> : vector<3128x16xf32>
    %dot_general3A_49 = tpu.matmul %convert_element_type3A_46, %convert_element_type3A_47, %dot_general3A_48 {dimension_numbers = #tpu.dot_dimension_numbers<[1], [0], [0], [1], [0, 0, 1, 1], [], []>, transpose_lhs_hint = false} : vector<3128x16xbf16>, vector<16x16xbf16>, vector<3128x16xf32> -> vector<3128x16xf32>
    %add3A_50 = arith.addf %add3A_42, %dot_general3A_49 : vector<3128x16xf32>
    %logistic3A_51 = arith.negf %add3A_50 : vector<3128x16xf32>
    %logistic3A_52 = math.exp %logistic3A_51 : vector<3128x16xf32>
    %logistic3A_53 = arith.constant 1.000000e+00 : f32
    %logistic3A_54 = vector.broadcast %logistic3A_53 : f32 to vector<3128x16xf32>
    %logistic3A_55 = arith.addf %logistic3A_54, %logistic3A_52 : vector<3128x16xf32>
    %logistic3A_56 = arith.divf %logistic3A_54, %logistic3A_55 : vector<3128x16xf32>
    %get3A_57 = arith.constant 0 : index
    %get3A_58 = arith.constant 0 : index
    %get3A_59 = vector.load %arg6[%get3A_57, %get3A_58] : memref<16x16xf32, #tpu.memory_space<vmem>>, vector<16x16xf32>
    %convert_element_type3A_60 = arith.truncf %add3A : vector<3128x16xf32> to vector<3128x16xbf16>
    %convert_element_type3A_61 = arith.truncf %get3A_59 : vector<16x16xf32> to vector<16x16xbf16>
    %dot_general3A_62 = arith.constant dense<0.000000e+00> : vector<3128x16xf32>
    %dot_general3A_63 = tpu.matmul %convert_element_type3A_60, %convert_element_type3A_61, %dot_general3A_62 {dimension_numbers = #tpu.dot_dimension_numbers<[1], [0], [0], [1], [0, 0, 1, 1], [], []>, transpose_lhs_hint = false} : vector<3128x16xbf16>, vector<16x16xbf16>, vector<3128x16xf32> -> vector<3128x16xf32>
    %get3A_64 = arith.constant 0 : index
    %get3A_65 = arith.constant 0 : index
    %get3A_66 = vector.load %arg12[%get3A_64, %get3A_65] : memref<1x16xf32, #tpu.memory_space<vmem>>, vector<1x16xf32>
    %add3A_67 = vector.broadcast %get3A_66 : vector<1x16xf32> to vector<3128x16xf32>
    %add3A_68 = arith.addf %dot_general3A_63, %add3A_67 : vector<3128x16xf32>
    %get3A_69 = arith.constant 0 : index
    %get3A_70 = arith.constant 0 : index
    %get3A_71 = vector.load %arg9[%get3A_69, %get3A_70] : memref<16x16xf32, #tpu.memory_space<vmem>>, vector<16x16xf32>
    %convert_element_type3A_72 = arith.truncf %get3A_1 : vector<3128x16xf32> to vector<3128x16xbf16>
    %convert_element_type3A_73 = arith.truncf %get3A_71 : vector<16x16xf32> to vector<16x16xbf16>
    %dot_general3A_74 = arith.constant dense<0.000000e+00> : vector<3128x16xf32>
    %dot_general3A_75 = tpu.matmul %convert_element_type3A_72, %convert_element_type3A_73, %dot_general3A_74 {dimension_numbers = #tpu.dot_dimension_numbers<[1], [0], [0], [1], [0, 0, 1, 1], [], []>, transpose_lhs_hint = false} : vector<3128x16xbf16>, vector<16x16xbf16>, vector<3128x16xf32> -> vector<3128x16xf32>
    %mul3A = arith.mulf %logistic3A_56, %dot_general3A_75 : vector<3128x16xf32>
    %add3A_76 = arith.addf %add3A_68, %mul3A : vector<3128x16xf32>
    %tanh3A = math.tanh %add3A_76 : vector<3128x16xf32>
    %mul3A_77 = arith.mulf %logistic3A_30, %get3A_1 : vector<3128x16xf32>
    %sub3A = arith.constant 1.000000e+00 : f32
    %sub3A_78 = vector.broadcast %sub3A : f32 to vector<3128x16xf32>
    %sub3A_79 = arith.subf %sub3A_78, %logistic3A_30 : vector<3128x16xf32>
    %mul3A_80 = arith.mulf %sub3A_79, %tanh3A : vector<3128x16xf32>
    %add3A_81 = arith.addf %mul3A_77, %mul3A_80 : vector<3128x16xf32>
    %swap3A = arith.constant 0 : index
    %swap3A_82 = arith.constant 0 : index
    %swap3A_83 = vector.load %arg13[%swap3A, %swap3A_82] : memref<3128x16xf32, #tpu.memory_space<vmem>>, vector<3128x16xf32>
    tpu.vector_store %arg13[%swap3A, %swap3A_82], %add3A_81 {strides = array<i32>} : memref<3128x16xf32, #tpu.memory_space<vmem>>, vector<3128x16xf32>,
    return
  }
  func.func @transform_0(%arg0: i32) -> (i32, i32) {
    %c0_i32 = arith.constant 0 : i32
    %c0_i32_0 = arith.constant 0 : i32
    return %arg0, %c0_i32 : i32, i32
  }
  func.func @transform_1(%arg0: i32) -> (i32, i32) {
    %c0_i32 = arith.constant 0 : i32
    %c0_i32_0 = arith.constant 0 : i32
    return %arg0, %c0_i32 : i32, i32
  }
  func.func @transform_2(%arg0: i32) -> (i32, i32) {
    %c0_i32 = arith.constant 0 : i32
    %c0_i32_0 = arith.constant 0 : i32
    return %arg0, %c0_i32 : i32, i32
  }
  func.func @transform_3(%arg0: i32) -> (i32, i32) {
    %c0_i32 = arith.constant 0 : i32
    %c0_i32_0 = arith.constant 0 : i32
    %c0_i32_1 = arith.constant 0 : i32
    return %c0_i32, %c0_i32_0 : i32, i32
  }
  func.func @transform_4(%arg0: i32) -> (i32, i32) {
    %c0_i32 = arith.constant 0 : i32
    %c0_i32_0 = arith.constant 0 : i32
    %c0_i32_1 = arith.constant 0 : i32
    return %c0_i32, %c0_i32_0 : i32, i32
  }
  func.func @transform_5(%arg0: i32) -> (i32, i32) {
    %c0_i32 = arith.constant 0 : i32
    %c0_i32_0 = arith.constant 0 : i32
    %c0_i32_1 = arith.constant 0 : i32
    return %c0_i32, %c0_i32_0 : i32, i32
  }
  func.func @transform_6(%arg0: i32) -> (i32, i32) {
    %c0_i32 = arith.constant 0 : i32
    %c0_i32_0 = arith.constant 0 : i32
    %c0_i32_1 = arith.constant 0 : i32
    return %c0_i32, %c0_i32_0 : i32, i32
  }
  func.func @transform_7(%arg0: i32) -> (i32, i32) {
    %c0_i32 = arith.constant 0 : i32
    %c0_i32_0 = arith.constant 0 : i32
    %c0_i32_1 = arith.constant 0 : i32
    return %c0_i32, %c0_i32_0 : i32, i32
  }
  func.func @transform_8(%arg0: i32) -> (i32, i32) {
    %c0_i32 = arith.constant 0 : i32
    %c0_i32_0 = arith.constant 0 : i32
    %c0_i32_1 = arith.constant 0 : i32
    return %c0_i32, %c0_i32_0 : i32, i32
  }
  func.func @transform_9(%arg0: i32) -> (i32, i32) {
    %c0_i32 = arith.constant 0 : i32
    %c0_i32_0 = arith.constant 0 : i32
    %c0_i32_1 = arith.constant 0 : i32
    return %c0_i32, %c0_i32_0 : i32, i32
  }
  func.func @transform_10(%arg0: i32) -> (i32, i32) {
    %c0_i32 = arith.constant 0 : i32
    %c0_i32_0 = arith.constant 0 : i32
    %c0_i32_1 = arith.constant 0 : i32
    return %c0_i32, %c0_i32_0 : i32, i32
  }
  func.func @transform_11(%arg0: i32) -> (i32, i32) {
    %c0_i32 = arith.constant 0 : i32
    %c0_i32_0 = arith.constant 0 : i32
    %c0_i32_1 = arith.constant 0 : i32
    return %c0_i32, %c0_i32_0 : i32, i32
  }
  func.func @transform_12(%arg0: i32) -> (i32, i32) {
    %c0_i32 = arith.constant 0 : i32
    %c0_i32_0 = arith.constant 0 : i32
    return %arg0, %c0_i32 : i32, i32
  }
}

module attributes {stable_mosaic.version = 14 : i64} {
  func.func @body(%arg0: i32, %arg1: memref<3128x16xf32, #tpu.memory_space<vmem>>, %arg2: memref<3128x2xf32, #tpu.memory_space<vmem>>, %arg3: memref<32x128xf32, #tpu.memory_space<vmem>>, %arg4: memref<1x128xf32, #tpu.memory_space<vmem>>, %arg5: memref<128x128xf32, #tpu.memory_space<vmem>>, %arg6: memref<1x128xf32, #tpu.memory_space<vmem>>, %arg7: memref<32x128xf32, #tpu.memory_space<vmem>>, %arg8: memref<1x128xf32, #tpu.memory_space<vmem>>, %arg9: memref<128x128xf32, #tpu.memory_space<vmem>>, %arg10: memref<1x128xf32, #tpu.memory_space<vmem>>, %arg11: memref<3128x128xf32, #tpu.memory_space<vmem>>) attributes {dimension_semantics = [#tpu.dimension_semantics<arbitrary>], iteration_bounds = array<i64: 16>, scalar_prefetch = 0 : i64, scratch_operands = 0 : i64, tpu.core_type = #tpu.core_type<tc>, window_params = [{transform_indices = @transform_0, window_bounds = array<i64: 3128, 16>}, {transform_indices = @transform_1, window_bounds = array<i64: 3128, 2>}, {pipeline_mode = #tpu.pipeline_mode<synchronous>, transform_indices = @transform_2, window_bounds = array<i64: 32, 128>}, {pipeline_mode = #tpu.pipeline_mode<synchronous>, transform_indices = @transform_3, window_bounds = array<i64: 1, 128>}, {pipeline_mode = #tpu.pipeline_mode<synchronous>, transform_indices = @transform_4, window_bounds = array<i64: 128, 128>}, {pipeline_mode = #tpu.pipeline_mode<synchronous>, transform_indices = @transform_5, window_bounds = array<i64: 1, 128>}, {pipeline_mode = #tpu.pipeline_mode<synchronous>, transform_indices = @transform_6, window_bounds = array<i64: 32, 128>}, {pipeline_mode = #tpu.pipeline_mode<synchronous>, transform_indices = @transform_7, window_bounds = array<i64: 1, 128>}, {pipeline_mode = #tpu.pipeline_mode<synchronous>, transform_indices = @transform_8, window_bounds = array<i64: 128, 128>}, {pipeline_mode = #tpu.pipeline_mode<synchronous>, transform_indices = @transform_9, window_bounds = array<i64: 1, 128>}, {transform_indices = @transform_10, window_bounds = array<i64: 3128, 128>}]} {
    %get3A = arith.constant 0 : index
    %get3A_0 = arith.constant 0 : index
    %get3A_1 = vector.load %arg1[%get3A, %get3A_0] : memref<3128x16xf32, #tpu.memory_space<vmem>>, vector<3128x16xf32>
    %get3A_2 = arith.constant 0 : index
    %get3A_3 = arith.constant 0 : index
    %get3A_4 = vector.load %arg2[%get3A_2, %get3A_3] : memref<3128x2xf32, #tpu.memory_space<vmem>>, vector<3128x2xf32>
    %broadcast_in_dim3A = arith.constant 0.000000e+00 : f32
    %broadcast_in_dim3A_5 = vector.broadcast %broadcast_in_dim3A : f32 to vector<3128x14xf32>
    %concatenate3A = tpu.concatenate %get3A_1, %get3A_4, %broadcast_in_dim3A_5 in 1 : vector<3128x16xf32>, vector<3128x2xf32>, vector<3128x14xf32> -> vector<3128x32xf32>
    %get3A_6 = arith.constant 0 : index
    %get3A_7 = arith.constant 0 : index
    %get3A_8 = vector.load %arg3[%get3A_6, %get3A_7] : memref<32x128xf32, #tpu.memory_space<vmem>>, vector<32x128xf32>
    %convert_element_type3A = arith.truncf %concatenate3A : vector<3128x32xf32> to vector<3128x32xbf16>
    %convert_element_type3A_9 = arith.truncf %get3A_8 : vector<32x128xf32> to vector<32x128xbf16>
    %dot_general3A = arith.constant dense<0.000000e+00> : vector<3128x128xf32>
    %dot_general3A_10 = tpu.matmul %convert_element_type3A, %convert_element_type3A_9, %dot_general3A {dimension_numbers = #tpu.dot_dimension_numbers<[1], [0], [0], [1], [0, 0, 1, 1], [], []>, transpose_lhs_hint = false} : vector<3128x32xbf16>, vector<32x128xbf16>, vector<3128x128xf32> -> vector<3128x128xf32>
    %get3A_11 = arith.constant 0 : index
    %get3A_12 = arith.constant 0 : index
    %get3A_13 = vector.load %arg4[%get3A_11, %get3A_12] : memref<1x128xf32, #tpu.memory_space<vmem>>, vector<1x128xf32>
    %add3A = vector.broadcast %get3A_13 : vector<1x128xf32> to vector<3128x128xf32>
    %add3A_14 = arith.addf %dot_general3A_10, %add3A : vector<3128x128xf32>
    %tanh3A = math.tanh %add3A_14 : vector<3128x128xf32>
    %get3A_15 = arith.constant 0 : index
    %get3A_16 = arith.constant 0 : index
    %get3A_17 = vector.load %arg5[%get3A_15, %get3A_16] : memref<128x128xf32, #tpu.memory_space<vmem>>, vector<128x128xf32>
    %convert_element_type3A_18 = arith.truncf %tanh3A : vector<3128x128xf32> to vector<3128x128xbf16>
    %convert_element_type3A_19 = arith.truncf %get3A_17 : vector<128x128xf32> to vector<128x128xbf16>
    %dot_general3A_20 = arith.constant dense<0.000000e+00> : vector<3128x128xf32>
    %dot_general3A_21 = tpu.matmul %convert_element_type3A_18, %convert_element_type3A_19, %dot_general3A_20 {dimension_numbers = #tpu.dot_dimension_numbers<[1], [0], [0], [1], [0, 0, 1, 1], [], []>, transpose_lhs_hint = false} : vector<3128x128xbf16>, vector<128x128xbf16>, vector<3128x128xf32> -> vector<3128x128xf32>
    %get3A_22 = arith.constant 0 : index
    %get3A_23 = arith.constant 0 : index
    %get3A_24 = vector.load %arg6[%get3A_22, %get3A_23] : memref<1x128xf32, #tpu.memory_space<vmem>>, vector<1x128xf32>
    %add3A_25 = vector.broadcast %get3A_24 : vector<1x128xf32> to vector<3128x128xf32>
    %add3A_26 = arith.addf %dot_general3A_21, %add3A_25 : vector<3128x128xf32>
    %logistic3A = arith.negf %add3A_26 : vector<3128x128xf32>
    %logistic3A_27 = math.exp %logistic3A : vector<3128x128xf32>
    %logistic3A_28 = arith.constant 1.000000e+00 : f32
    %logistic3A_29 = vector.broadcast %logistic3A_28 : f32 to vector<3128x128xf32>
    %logistic3A_30 = arith.addf %logistic3A_29, %logistic3A_27 : vector<3128x128xf32>
    %logistic3A_31 = arith.divf %logistic3A_29, %logistic3A_30 : vector<3128x128xf32>
    %get3A_32 = arith.constant 0 : index
    %get3A_33 = arith.constant 0 : index
    %get3A_34 = vector.load %arg7[%get3A_32, %get3A_33] : memref<32x128xf32, #tpu.memory_space<vmem>>, vector<32x128xf32>
    %convert_element_type3A_35 = arith.truncf %concatenate3A : vector<3128x32xf32> to vector<3128x32xbf16>
    %convert_element_type3A_36 = arith.truncf %get3A_34 : vector<32x128xf32> to vector<32x128xbf16>
    %dot_general3A_37 = arith.constant dense<0.000000e+00> : vector<3128x128xf32>
    %dot_general3A_38 = tpu.matmul %convert_element_type3A_35, %convert_element_type3A_36, %dot_general3A_37 {dimension_numbers = #tpu.dot_dimension_numbers<[1], [0], [0], [1], [0, 0, 1, 1], [], []>, transpose_lhs_hint = false} : vector<3128x32xbf16>, vector<32x128xbf16>, vector<3128x128xf32> -> vector<3128x128xf32>
    %get3A_39 = arith.constant 0 : index
    %get3A_40 = arith.constant 0 : index
    %get3A_41 = vector.load %arg8[%get3A_39, %get3A_40] : memref<1x128xf32, #tpu.memory_space<vmem>>, vector<1x128xf32>
    %add3A_42 = vector.broadcast %get3A_41 : vector<1x128xf32> to vector<3128x128xf32>
    %add3A_43 = arith.addf %dot_general3A_38, %add3A_42 : vector<3128x128xf32>
    %gt3A = arith.constant 0.000000e+00 : f32
    %gt3A_44 = vector.broadcast %gt3A : f32 to vector<3128x128xf32>
    %gt3A_45 = arith.cmpf ogt, %add3A_43, %gt3A_44 : vector<3128x128xf32>
    %min3A = arith.constant 0.000000e+00 : f32
    %min3A_46 = vector.broadcast %min3A : f32 to vector<3128x128xf32>
    %min3A_47 = arith.minimumf %add3A_43, %min3A_46 : vector<3128x128xf32>
    %exp3A = math.exp %min3A_47 : vector<3128x128xf32>
    %sub3A = arith.constant 1.000000e+00 : f32
    %sub3A_48 = vector.broadcast %sub3A : f32 to vector<3128x128xf32>
    %sub3A_49 = arith.subf %exp3A, %sub3A_48 : vector<3128x128xf32>
    %mul3A = arith.constant 1.67326319 : f32
    %mul3A_50 = vector.broadcast %mul3A : f32 to vector<3128x128xf32>
    %mul3A_51 = arith.mulf %mul3A_50, %sub3A_49 : vector<3128x128xf32>
    %select_n3A = arith.select %gt3A_45, %add3A_43, %mul3A_51 : vector<3128x128xi1>, vector<3128x128xf32>
    %mul3A_52 = arith.constant 1.05070102 : f32
    %mul3A_53 = vector.broadcast %mul3A_52 : f32 to vector<3128x128xf32>
    %mul3A_54 = arith.mulf %mul3A_53, %select_n3A : vector<3128x128xf32>
    %get3A_55 = arith.constant 0 : index
    %get3A_56 = arith.constant 0 : index
    %get3A_57 = vector.load %arg9[%get3A_55, %get3A_56] : memref<128x128xf32, #tpu.memory_space<vmem>>, vector<128x128xf32>
    %convert_element_type3A_58 = arith.truncf %mul3A_54 : vector<3128x128xf32> to vector<3128x128xbf16>
    %convert_element_type3A_59 = arith.truncf %get3A_57 : vector<128x128xf32> to vector<128x128xbf16>
    %dot_general3A_60 = arith.constant dense<0.000000e+00> : vector<3128x128xf32>
    %dot_general3A_61 = tpu.matmul %convert_element_type3A_58, %convert_element_type3A_59, %dot_general3A_60 {dimension_numbers = #tpu.dot_dimension_numbers<[1], [0], [0], [1], [0, 0, 1, 1], [], []>, transpose_lhs_hint = false} : vector<3128x128xbf16>, vector<128x128xbf16>, vector<3128x128xf32> -> vector<3128x128xf32>
    %get3A_62 = arith.constant 0 : index
    %get3A_63 = arith.constant 0 : index
    %get3A_64 = vector.load %arg10[%get3A_62, %get3A_63] : memref<1x128xf32, #tpu.memory_space<vmem>>, vector<1x128xf32>
    %add3A_65 = vector.broadcast %get3A_64 : vector<1x128xf32> to vector<3128x128xf32>
    %add3A_66 = arith.addf %dot_general3A_61, %add3A_65 : vector<3128x128xf32>
    %mul3A_67 = arith.mulf %logistic3A_31, %add3A_66 : vector<3128x128xf32>
    %swap3A = arith.constant 0 : index
    %swap3A_68 = arith.constant 0 : index
    %swap3A_69 = vector.load %arg11[%swap3A, %swap3A_68] : memref<3128x128xf32, #tpu.memory_space<vmem>>, vector<3128x128xf32>
    tpu.vector_store %arg11[%swap3A, %swap3A_68], %mul3A_67 {strides = array<i32>} : memref<3128x128xf32, #tpu.memory_space<vmem>>, vector<3128x128xf32>,
    return
  }
  func.func @transform_0(%arg0: i32) -> (i32, i32) {
    %c0_i32 = arith.constant 0 : i32
    %c0_i32_0 = arith.constant 0 : i32
    return %arg0, %c0_i32 : i32, i32
  }
  func.func @transform_1(%arg0: i32) -> (i32, i32) {
    %c0_i32 = arith.constant 0 : i32
    %c0_i32_0 = arith.constant 0 : i32
    return %arg0, %c0_i32 : i32, i32
  }
  func.func @transform_2(%arg0: i32) -> (i32, i32) {
    %c0_i32 = arith.constant 0 : i32
    %c0_i32_0 = arith.constant 0 : i32
    %c0_i32_1 = arith.constant 0 : i32
    return %c0_i32, %c0_i32_0 : i32, i32
  }
  func.func @transform_3(%arg0: i32) -> (i32, i32) {
    %c0_i32 = arith.constant 0 : i32
    %c0_i32_0 = arith.constant 0 : i32
    %c0_i32_1 = arith.constant 0 : i32
    return %c0_i32, %c0_i32_0 : i32, i32
  }
  func.func @transform_4(%arg0: i32) -> (i32, i32) {
    %c0_i32 = arith.constant 0 : i32
    %c0_i32_0 = arith.constant 0 : i32
    %c0_i32_1 = arith.constant 0 : i32
    return %c0_i32, %c0_i32_0 : i32, i32
  }
  func.func @transform_5(%arg0: i32) -> (i32, i32) {
    %c0_i32 = arith.constant 0 : i32
    %c0_i32_0 = arith.constant 0 : i32
    %c0_i32_1 = arith.constant 0 : i32
    return %c0_i32, %c0_i32_0 : i32, i32
  }
  func.func @transform_6(%arg0: i32) -> (i32, i32) {
    %c0_i32 = arith.constant 0 : i32
    %c0_i32_0 = arith.constant 0 : i32
    %c0_i32_1 = arith.constant 0 : i32
    return %c0_i32, %c0_i32_0 : i32, i32
  }
  func.func @transform_7(%arg0: i32) -> (i32, i32) {
    %c0_i32 = arith.constant 0 : i32
    %c0_i32_0 = arith.constant 0 : i32
    %c0_i32_1 = arith.constant 0 : i32
    return %c0_i32, %c0_i32_0 : i32, i32
  }
  func.func @transform_8(%arg0: i32) -> (i32, i32) {
    %c0_i32 = arith.constant 0 : i32
    %c0_i32_0 = arith.constant 0 : i32
    %c0_i32_1 = arith.constant 0 : i32
    return %c0_i32, %c0_i32_0 : i32, i32
  }
  func.func @transform_9(%arg0: i32) -> (i32, i32) {
    %c0_i32 = arith.constant 0 : i32
    %c0_i32_0 = arith.constant 0 : i32
    %c0_i32_1 = arith.constant 0 : i32
    return %c0_i32, %c0_i32_0 : i32, i32
  }
  func.func @transform_10(%arg0: i32) -> (i32, i32) {
    %c0_i32 = arith.constant 0 : i32
    %c0_i32_0 = arith.constant 0 : i32
    return %arg0, %c0_i32 : i32, i32
  }
}

module attributes {stable_mosaic.version = 14 : i64} {
  func.func @body(%arg0: i32, %arg1: memref<1024x128xf32, #tpu.memory_space<vmem>>, %arg2: memref<1024x128xf32, #tpu.memory_space<vmem>>, %arg3: memref<128x128xf32, #tpu.memory_space<vmem>>, %arg4: memref<1x128xf32, #tpu.memory_space<vmem>>, %arg5: memref<128x128xf32, #tpu.memory_space<vmem>>, %arg6: memref<1x1xf32, #tpu.memory_space<vmem>>, %arg7: memref<1024x128xf32, #tpu.memory_space<vmem>>) attributes {dimension_semantics = [#tpu.dimension_semantics<arbitrary>], iteration_bounds = array<i64: 1>, scalar_prefetch = 0 : i64, scratch_operands = 0 : i64, tpu.core_type = #tpu.core_type<tc>, window_params = [{pipeline_mode = #tpu.pipeline_mode<synchronous>, transform_indices = @transform_0, window_bounds = array<i64: 1024, 128>}, {pipeline_mode = #tpu.pipeline_mode<synchronous>, transform_indices = @transform_1, window_bounds = array<i64: 1024, 128>}, {pipeline_mode = #tpu.pipeline_mode<synchronous>, transform_indices = @transform_2, window_bounds = array<i64: 128, 128>}, {pipeline_mode = #tpu.pipeline_mode<synchronous>, transform_indices = @transform_3, window_bounds = array<i64: 1, 128>}, {pipeline_mode = #tpu.pipeline_mode<synchronous>, transform_indices = @transform_4, window_bounds = array<i64: 128, 128>}, {pipeline_mode = #tpu.pipeline_mode<synchronous>, transform_indices = @transform_5, window_bounds = array<i64: 1, 1>}, {pipeline_mode = #tpu.pipeline_mode<synchronous>, transform_indices = @transform_6, window_bounds = array<i64: 1024, 128>}]} {
    %get3A = arith.constant 0 : index
    %get3A_0 = arith.constant 0 : index
    %get3A_1 = vector.load %arg1[%get3A, %get3A_0] : memref<1024x128xf32, #tpu.memory_space<vmem>>, vector<1024x128xf32>
    %get3A_2 = arith.constant 0 : index
    %get3A_3 = arith.constant 0 : index
    %get3A_4 = vector.load %arg2[%get3A_2, %get3A_3] : memref<1024x128xf32, #tpu.memory_space<vmem>>, vector<1024x128xf32>
    %add3A = arith.addf %get3A_1, %get3A_4 : vector<1024x128xf32>
    %get3A_5 = arith.constant 0 : index
    %get3A_6 = arith.constant 0 : index
    %get3A_7 = vector.load %arg3[%get3A_5, %get3A_6] : memref<128x128xf32, #tpu.memory_space<vmem>>, vector<128x128xf32>
    %convert_element_type3A = arith.truncf %add3A : vector<1024x128xf32> to vector<1024x128xbf16>
    %convert_element_type3A_8 = arith.truncf %get3A_7 : vector<128x128xf32> to vector<128x128xbf16>
    %dot_general3A = arith.constant dense<0.000000e+00> : vector<1024x128xf32>
    %dot_general3A_9 = tpu.matmul %convert_element_type3A, %convert_element_type3A_8, %dot_general3A {dimension_numbers = #tpu.dot_dimension_numbers<[1], [0], [0], [1], [0, 0, 1, 1], [], []>, transpose_lhs_hint = false} : vector<1024x128xbf16>, vector<128x128xbf16>, vector<1024x128xf32> -> vector<1024x128xf32>
    %get3A_10 = arith.constant 0 : index
    %get3A_11 = arith.constant 0 : index
    %get3A_12 = vector.load %arg4[%get3A_10, %get3A_11] : memref<1x128xf32, #tpu.memory_space<vmem>>, vector<1x128xf32>
    %add3A_13 = vector.broadcast %get3A_12 : vector<1x128xf32> to vector<1024x128xf32>
    %add3A_14 = arith.addf %dot_general3A_9, %add3A_13 : vector<1024x128xf32>
    %gt3A = arith.constant 0.000000e+00 : f32
    %gt3A_15 = vector.broadcast %gt3A : f32 to vector<1024x128xf32>
    %gt3A_16 = arith.cmpf ogt, %add3A_14, %gt3A_15 : vector<1024x128xf32>
    %min3A = arith.constant 0.000000e+00 : f32
    %min3A_17 = vector.broadcast %min3A : f32 to vector<1024x128xf32>
    %min3A_18 = arith.minimumf %add3A_14, %min3A_17 : vector<1024x128xf32>
    %exp3A = math.exp %min3A_18 : vector<1024x128xf32>
    %sub3A = arith.constant 1.000000e+00 : f32
    %sub3A_19 = vector.broadcast %sub3A : f32 to vector<1024x128xf32>
    %sub3A_20 = arith.subf %exp3A, %sub3A_19 : vector<1024x128xf32>
    %mul3A = arith.constant 1.67326319 : f32
    %mul3A_21 = vector.broadcast %mul3A : f32 to vector<1024x128xf32>
    %mul3A_22 = arith.mulf %mul3A_21, %sub3A_20 : vector<1024x128xf32>
    %select_n3A = arith.select %gt3A_16, %add3A_14, %mul3A_22 : vector<1024x128xi1>, vector<1024x128xf32>
    %mul3A_23 = arith.constant 1.05070102 : f32
    %mul3A_24 = vector.broadcast %mul3A_23 : f32 to vector<1024x128xf32>
    %mul3A_25 = arith.mulf %mul3A_24, %select_n3A : vector<1024x128xf32>
    %get3A_26 = arith.constant 0 : index
    %get3A_27 = arith.constant 0 : index
    %get3A_28 = vector.load %arg5[%get3A_26, %get3A_27] : memref<128x128xf32, #tpu.memory_space<vmem>>, vector<128x128xf32>
    %convert_element_type3A_29 = arith.truncf %mul3A_25 : vector<1024x128xf32> to vector<1024x128xbf16>
    %convert_element_type3A_30 = arith.truncf %get3A_28 : vector<128x128xf32> to vector<128x128xbf16>
    %dot_general3A_31 = arith.constant dense<0.000000e+00> : vector<1024x128xf32>
    %dot_general3A_32 = tpu.matmul %convert_element_type3A_29, %convert_element_type3A_30, %dot_general3A_31 {dimension_numbers = #tpu.dot_dimension_numbers<[1], [0], [0], [1], [0, 0, 1, 1], [], []>, transpose_lhs_hint = false} : vector<1024x128xbf16>, vector<128x128xbf16>, vector<1024x128xf32> -> vector<1024x128xf32>
    %get3A_33 = arith.constant 0 : index
    %get3A_34 = arith.constant 0 : index
    %get3A_35 = vector.load %arg6[%get3A_33, %get3A_34] : memref<1x1xf32, #tpu.memory_space<vmem>>, vector<1x1xf32>
    %get3A_36 = vector.extract %get3A_35[0, 0] : f32 from vector<1x1xf32>
    %add3A_37 = vector.broadcast %get3A_36 : f32 to vector<1024x128xf32>
    %add3A_38 = arith.addf %dot_general3A_32, %add3A_37 : vector<1024x128xf32>
    %swap3A = arith.constant 0 : index
    %swap3A_39 = arith.constant 0 : index
    %swap3A_40 = vector.load %arg7[%swap3A, %swap3A_39] : memref<1024x128xf32, #tpu.memory_space<vmem>>, vector<1024x128xf32>
    tpu.vector_store %arg7[%swap3A, %swap3A_39], %add3A_38 {strides = array<i32>} : memref<1024x128xf32, #tpu.memory_space<vmem>>, vector<1024x128xf32>,
    return
  }
  func.func @transform_0(%arg0: i32) -> (i32, i32) {
    %c0_i32 = arith.constant 0 : i32
    %c0_i32_0 = arith.constant 0 : i32
    %c0_i32_1 = arith.constant 0 : i32
    return %c0_i32, %c0_i32_0 : i32, i32
  }
  func.func @transform_1(%arg0: i32) -> (i32, i32) {
    %c0_i32 = arith.constant 0 : i32
    %c0_i32_0 = arith.constant 0 : i32
    %c0_i32_1 = arith.constant 0 : i32
    return %c0_i32, %c0_i32_0 : i32, i32
  }
  func.func @transform_2(%arg0: i32) -> (i32, i32) {
    %c0_i32 = arith.constant 0 : i32
    %c0_i32_0 = arith.constant 0 : i32
    %c0_i32_1 = arith.constant 0 : i32
    return %c0_i32, %c0_i32_0 : i32, i32
  }
  func.func @transform_3(%arg0: i32) -> (i32, i32) {
    %c0_i32 = arith.constant 0 : i32
    %c0_i32_0 = arith.constant 0 : i32
    %c0_i32_1 = arith.constant 0 : i32
    return %c0_i32, %c0_i32_0 : i32, i32
  }
  func.func @transform_4(%arg0: i32) -> (i32, i32) {
    %c0_i32 = arith.constant 0 : i32
    %c0_i32_0 = arith.constant 0 : i32
    %c0_i32_1 = arith.constant 0 : i32
    return %c0_i32, %c0_i32_0 : i32, i32
  }
  func.func @transform_5(%arg0: i32) -> (i32, i32) {
    %c0_i32 = arith.constant 0 : i32
    %c0_i32_0 = arith.constant 0 : i32
    %c0_i32_1 = arith.constant 0 : i32
    return %c0_i32, %c0_i32_0 : i32, i32
  }
  func.func @transform_6(%arg0: i32) -> (i32, i32) {
    %c0_i32 = arith.constant 0 : i32
    %c0_i32_0 = arith.constant 0 : i32
    %c0_i32_1 = arith.constant 0 : i32
    return %c0_i32, %c0_i32_0 : i32, i32
  }
}

</mosaic_0001>

<sc_bundles>
// kernel: kernel.13.cloned.1.call-start
scs
__scs_entry_jumppad:
0x0: {  	(pc) =	sbr.rel $0x88, $3  }
0x1: {  	(tag) =	ssettag $0x0;
	lr =	simm.s32 $0x1  }
0x2: {  	[smem:$0x3F85] =	sst lr;
	_ =	strace $0xD0000000  }
0x3: {  	_ = 	snop  }
0x4: {  	_ = 	snop  }
0x5: {  	_ = 	snop  }
0x6: {  	_ = 	snop  }
0x7: {  	_ = 	snop  }
__scs_overlays_trampoline_lowered:
0x8: {  	[smem:$0x3F94] =	sst s0  }
0x9: {  	[smem:$0x3F95] =	sst s1  }
0xa: {  	[smem:$0x3F96] =	sst s2  }
0xb: {  	[smem:$0x3F97] =	sst s3  }
0xc: {  	[smem:$0x3F98] =	sst s4  }
0xd: {  	[smem:$0x3F99] =	sst s5  }
0xe: {  	[smem:$0x3F9A] =	sst s6  }
0xf: {  	[smem:$0x3F9B] =	sst s7  }
0x10: {  	[smem:$0x3F9C] =	sst s8  }
0x11: {  	[smem:$0x3F9D] =	sst s9;
	s0 =	simm.s32 @!p0 $0x0  }
0x12: {  	s1 =	sld [smem:$0x3F83];
	s0 =	simm.s32 @p0 $0x1  }
0x13: {  	[smem:$0x3F9E] =	sst s0;
	s0 =	simm.s32 @!p1 $0x0  }
0x14: {  	s2 =	sld [smem:$0x3F82];
	s0 =	simm.s32 @p1 $0x1  }
0x15: {  	[smem:$0x3F9F] =	sst s0;
	s0 =	simm.s32 @!p2 $0x0  }
0x16: {  	s3 =	sld [smem:$0x3FDB];
	s0 =	simm.s32 @p2 $0x1  }
0x17: {  	s4 =	simm.s32 $0x1BF5;
	[smem:$0x3FA1] =	sst s0  }
0x18: {  	s0 =	sld [smem:$0x3F84];
	_ =	swait.ge [sflag:s4], $0x0  }
0x19: {  	s7 =	sld [smem:$0x3F85]  }
0x1a: {  	s8 =	sadd.s32 $0xFFFFE003, lr  }
0x1b: {  	s9 =	sadd.s32 $0xFFFFFEF7, lr;
	s5 =	simm.s32 $0xFFFFFFFF;
	p2 =	slt.u32 s8, $0xFFFFF086  }
0x1c: {  	p1 =	slt.u32 s9, $0xF7A;
	s5 =	simm.s32 @!p2 $0x0  }
0x1d: {  	s5 =	simm.s32 @p1 $0x1;
	p0 =	seq.s32 s7, s2  }
0x1e: {  	s7 =	smul.u32 @!p0 $0xF7A, s2;
	p2 =	seq.s32 @!p0 s5, $0x0  }
0x1f: {  	s9 =	smul.u32 $0xF7A, s1;
	s8 =	simm.s32 @!p0 $0x1BF5;
	p2 =	por !p2, p0  }
0x20: {  	[sflag:s8] =	ssyncset.s32 @!p0 $0xFFFFF086;
	s6 =	sadd.s32 @!p0 s3, s7;
	s7 =	simm.s32 @!p0 $0x108  }
0x21: {  	s3 =	sadd.s32 s3, s9;
	s6 =	sadd.s32 @!p0 $0x88, s6;
	s7 =	simm.s32 @p2 $0x1082  }
0x22: {  	[simem:s7], [sflag:s8] =	dma.local @!p0 [hbm:s6], $0xF7A  }
0x23: {  	s9 =	sor.u32 $0xD0000000, s2;
	s6 =	simm.s32 $0x108;
	_ =	swait.ge @!p0 [sflag:s8], $0x0  }
0x24: {  	s3 =	sadd.s32 $0x88, s3;
	s6 =	simm.s32 @!p1 $0x1082;
	[sflag:s4] =	ssyncset.s32 $0xFFFFF086  }
0x25: {  	[simem:s6], [sflag:s4] =	dma.local [hbm:s3], $0xF7A  }
0x26: {  	[smem:$0x3F85] =	sst s1;
	(tag) =	ssettag s2;
	_ =	strace s9  }
0x27: {  	s1 =	sld [smem:$0x3F95]  }
0x28: {  	s2 =	sld [smem:$0x3F96]  }
0x29: {  	s4 =	sld [smem:$0x3F98]  }
0x2a: {  	p0 =	seq.s32 s5, $0x0;
	s5 =	sld [smem:$0x3F99]  }
0x2b: {  	s6 =	sld [smem:$0x3F9A]  }
0x2c: {  	s7 =	sld [smem:$0x3F9B]  }
0x2d: {  	s3 =	simm.s32 $0x108;
	s8 =	sld [smem:$0x3F9C]  }
0x2e: {  	s3 =	simm.s32 @!p0 $0x1082;
	s9 =	sld [smem:$0x3F9D]  }
0x2f: {  	lr =	sadd.s32 s0, s3;
	s0 =	sld [smem:$0x3F94]  }
0x30: {  	s3 =	sld [smem:$0x3F97]  }
0x31: {  	[smem:$0x3FA0] =	sst s10  }
0x32: {  	s10 =	sld [smem:$0x3F9E];
	_ =	sdelay $0x3  }
0x33: {  	p0 =	seq.s32 s10, $0x1;
	s10 =	sld [smem:$0x3FA0];
	_ =	sdelay $0x3  }
0x34: {  	[smem:$0x3FA0] =	sst s10  }
0x35: {  	s10 =	sld [smem:$0x3F9F];
	_ =	sdelay $0x3  }
0x36: {  	p1 =	seq.s32 s10, $0x1;
	s10 =	sld [smem:$0x3FA0];
	_ =	sdelay $0x3  }
0x37: {  	[smem:$0x3FA0] =	sst s10  }
0x38: {  	s10 =	sld [smem:$0x3FA1]  }
0x39: {  	_ = 	snop;
	(pc) =	sbr.ind lr, $3  }
0x3a: {  	_ = 	snop  }
0x3b: {  	_ = 	snop  }
0x3c: {  	p2 =	seq.s32 s10, $0x1;
	s10 =	sld [smem:$0x3FA0]  }
0x3d: {  	_ =	shalt  }
0x3e: {  	_ =	shalt  }
0x3f: {  	_ =	shalt  }
0x40: {  	_ =	shalt  }
0x41: {  	_ =	shalt  }
0x42: {  	_ =	shalt  }
0x43: {  	_ =	shalt  }
0x44: {  	_ =	shalt  }
0x45: {  	_ =	shalt  }
0x46: {  	_ =	shalt  }
0x47: {  	_ =	shalt  }
0x48: {  	_ =	shalt  }
0x49: {  	_ =	shalt  }
0x4a: {  	_ =	shalt  }
0x4b: {  	_ =	shalt  }
0x4c: {  	_ =	shalt  }
0x4d: {  	_ =	shalt  }
0x4e: {  	_ =	shalt  }
0x4f: {  	_ =	shalt  }
0x50: {  	_ =	shalt  }
0x51: {  	_ =	shalt  }
0x52: {  	_ =	shalt  }
0x53: {  	_ =	shalt  }
0x54: {  	_ =	shalt  }
0x55: {  	_ =	shalt  }
0x56: {  	_ =	shalt  }
0x57: {  	_ =	shalt  }
0x58: {  	_ =	shalt  }
0x59: {  	_ =	shalt  }
0x5a: {  	_ =	shalt  }
0x5b: {  	_ =	shalt  }
0x5c: {  	_ =	shalt  }
0x5d: {  	_ =	shalt  }
0x5e: {  	_ =	shalt  }
0x5f: {  	_ =	shalt  }
0x60: {  	_ =	shalt  }
0x61: {  	_ =	shalt  }
0x62: {  	_ =	shalt  }
0x63: {  	_ =	shalt  }
0x64: {  	_ =	shalt  }
0x65: {  	_ =	shalt  }
0x66: {  	_ =	shalt  }
0x67: {  	_ =	shalt  }
0x68: {  	_ =	shalt  }
0x69: {  	_ =	shalt  }
0x6a: {  	_ =	shalt  }
0x6b: {  	_ =	shalt  }
0x6c: {  	_ =	shalt  }
0x6d: {  	_ =	shalt  }
0x6e: {  	_ =	shalt  }
0x6f: {  	_ =	shalt  }
0x70: {  	_ =	shalt  }
0x71: {  	_ =	shalt  }
0x72: {  	_ =	shalt  }
0x73: {  	_ =	shalt  }
0x74: {  	_ =	shalt  }
0x75: {  	_ =	shalt  }
0x76: {  	_ =	shalt  }
0x77: {  	_ =	shalt  }
0x78: {  	_ =	shalt  }
0x79: {  	_ =	shalt  }
0x7a: {  	_ =	shalt  }
0x7b: {  	_ =	shalt  }
0x7c: {  	_ =	shalt  }
0x7d: {  	_ =	shalt  }
0x7e: {  	_ =	shalt  }
0x7f: {  	_ =	shalt  }
0x80: {  	_ =	shalt  }
0x81: {  	_ =	shalt  }
0x82: {  	_ =	shalt  }
0x83: {  	_ =	shalt  }
0x84: {  	_ =	shalt  }
0x85: {  	_ =	shalt  }
0x86: {  	_ =	shalt  }
0x87: {  	_ =	shalt  }
.Lfunc_end0:
.L_simem_size_0:
called_computation_lowered:
.L_overlay_start_0:
0x88: {  	s2 =	sld [smem:$0x3FD9]  }
0x89: {  	s3 =	sld [smem:$0x3FFE];
	_ =	sdelay $0x1  }
0x8a: {  	s1 =	srdreg.scid  }
0x8b: {  	s0 =	sand.u32 $0x1, s1  }
0x8c: {  	s17 =	sshll.u32 s0, $0xA;
	s2 =	sadd.s32 s3, s2  }
0x8d: {  	s2 =	sadd.s32 s2, s17  }
0x8e: {  	[smem:$0x3FAC] =	sst s2  }
0x8f: {  	_ = 	snop  }
0x90: {  	s2 =	sld [smem:$0x3FC7];
	(tm) =	ssettm $0x1  }
0x91: {  	s18 =	sld [smem:$0x3FFB];
	_ =	sdelay $0x3  }
0x92: {  	_ =	strace s18  }
0x93: {  	s3 =	sld [smem:$0x3FFC];
	_ =	sdelay $0x3  }
0x94: {  	_ =	strace s3  }
0x95: {  	s3 =	sld [smem:$0x3FFD];
	_ =	sdelay $0x3  }
0x96: {  	_ =	strace s3  }
0x97: {  	_ =	strace $0x8FFFFFFF  }
0x98: {  	s19 =	sld [smem:$0x3FDB];
	_ =	sdelay $0x1  }
0x99: {  	s4 =	simm.s32 $_scs_section_size  }
0x9a: {  	s5 =	simm.s32 $_size__tile_overlayer_lowered;
	s6 =	simm.s32 $_tile_overlayer_lowered  }
0x9b: {  	s22 =	simm.s32 $0x1BFF;
	s21 =	sshll.u32 s6, $0x1;
	s3 =	sadd.s32 s4, s19  }
0x9c: {  	s7 =	simm.s32 $0x0;
	s20 =	sshll.u32 s5, $0x1;
	s5 =	sadd.s32 s21, s3  }
0x9d: {  	[timem:s7], [sflag:s22] =	dma.local [hbm:s5], s20  }
0x9e: {  	_ =	swait.ge [sflag:s22], s20  }
0x9f: {  	s4 =	ssub.s32 $0x0, s20;
	[sflag:s22] =	ssyncset.done $0x0  }
0xa0: {  	[sflag:s22] =	ssyncadd.s32 s4;
	_ =	sdelay $0x1  }
0xa1: {  	s23 =	simm.s32 $0x1B8B  }
0xa2: {  	_ =	swait.ge [sflag:s23], $0x1  }
0xa3: {  	[sflag:s23] =	ssyncset.done $0x0  }
0xa4: {  	s25 =	simm.s32 $0x1B8E;
	s24 =	sld [smem:$0x3FFE];
	[sflag:s23] =	ssyncadd.s32 $0xFFFFFFFF  }
0xa5: {  	s26 =	simm.s32 $execute0_lowered;
	[smem:$0x3FD2] =	sst s25  }
0xa6: {  	s5 =	sshll.u32 s26, $0x1;
	_ =	strace $0x80000046;
	[dreg:$0x1] =	wrdreg $0xFFFFFFFF  }
0xa7: {  	s28 =	simm.s32 $_size_execute0_lowered;
	s3 =	sadd.s32 s3, s5;
	[dreg:$0x0] =	wrdreg $0x0  }
0xa8: {  	s5 =	sshll.u32 s28, $0x1;
	[dreg:$0x2] =	wrdreg s3  }
0xa9: {  	[dreg:$0x3] =	wrdreg s5  }
0xaa: {  	[dreg:$0x4] =	wrdreg $0xC0  }
0xab: {  	_ =	task [dreg:s7], $0x5FFFF  }
0xac: {  	[dreg:$0x1] =	wrdreg $0xFFFFFFFF  }
0xad: {  	[dreg:$0x0] =	wrdreg $0x60  }
0xae: {  	[dreg:$0x2] =	wrdreg s24  }
0xaf: {  	[dreg:$0x3] =	wrdreg s2  }
0xb0: {  	[dreg:$0x4] =	wrdreg $0x9  }
0xb1: {  	_ =	task.clear_ibuf [dreg:s7], $0x5FFFF;
	_ =	strace $0x90000046  }
0xb2: {  	s29 =	simm.s32 $0x9;
	_ =	strace $0x80000048  }
0xb3: {  	_ =	swait.ge [sflag:s29], $0x1  }
0xb4: {  	[sflag:s29] =	ssyncadd.s32 $0xFFFFFFFF  }
0xb5: {  	_ =	strace $0x90000048  }
0xb6: {  	_ =	sfence  }
0xb7: {  	s30 =	sld [smem:$0x0];
	_ =	sdelay $0x2  }
0xb8: {  	s31 =	sshll.u32 s1, $0xD;
	s1 =	sshrl.u32 s1, $0x2  }
0xb9: {  	s3 =	sand.u32 $0x4000, s31;
	s1 =	sadd.s32 s1, s30  }
0xba: {  	s0 =	sor.u32 s3, s0;
	s1 =	sshll.u32 s1, $0x11  }
0xbb: {  	s0 =	sor.u32 s1, s0  }
0xbc: {  	s0 =	sadd.s32 $0x8F2B, s0  }
0xbd: {  	[sflag:s0] =	ssyncadd.remote.s32 $0x1  }
0xbe: {  	_ =	sfence.sel $0xFFFF  }
0xbf: {  	[dreg:$0x0] =	wrdreg $0xFFFFFFFF;
	(pc) =	sbr.abs _section_cstart, $3  }
0xc0: {  	[dreg:$0x1] =	wrdreg $0xFFFFFFFF  }
0xc1: {  	_ =	task.clear_ibuf [dreg:s7], $0x2FFFF;
	_ =	strace $0x9FFFFFFF  }
0xc2: {  	(tm) =	ssettm $0x7FFFFFFF  }
0xc3: {  	_ =	shalt  }
tec
execute0_lowered:
.L_overlay_start_1:
0x0: {  	(tag) =	ssettag $0x1  }
0x1: {  	s1 =	srdreg.scid  }
0x2: {  	s0 =	stileid.u32;
	s4 =	rddreg [dreg:$0x0]  }
0x3: {  	s6 =	rddreg [dreg:$0x1];
	s5 =	sand.u32 $0x1, s1;
	s3 =	smul.u32 $0x30D4, s0  }
0x4: {  	s2 =	simm.s32 $0x0;
	s10 =	simm.s32 $0x80;
	s7 =	smul.u32 $0x186A, s5  }
0x5: {  	s11 =	simm.s32 $0x6200;
	s12 =	simm.s32 $0x1;
	s13 =	simm.s32 $0x0  }
0x6: {  	s1 =	rddreg [dreg:$0x2];
	s30 =	sshll.u32 s0, $0x1;
	s3 =	sadd.s32 s7, s3  }
0x7: {  	[smem:$0x7FF] =	sst s2;
	s7 =	sor.u32 s5, s30;
	s3 =	sshll.u32 s3, $0x3  }
0x8: {  	s5 =	ssub.s32 $0x2, s5;
	s7 =	smul.u32 $0x186A, s7;
	s8 =	sand.u32 $0x3FFF00, s3  }
.Ltmp0:
0x9: {  	s9 =	sshrl.u32 s5, $0x1;
	s3 =	sadd.s32 $0x18F600, s4;
	(pc) =	sbr.rel .LBB2_1-.Ltmp0, $4  }
0xa: {  	s8 =	sadd.s32 s8, s4;
	s4 =	sshrl.u32 s7, $0x5;
	s7 =	sadd.s32 $0x186A, s7  }
0xb: {  	_ =	strace $0x80000047;
	s9 =	ssub.s32 s5, s9;
	s5 =	sshrl.u32 s7, $0x5  }
0xc: {  	s31 =	sshll.u32 s4, $0x4;
	s7 =	smax.u32 s9, $0x1;
	s8 =	sadd.s32 $0x1A7E00, s8  }
0xd: {  	s9 =	simm.s32 $0x2;
	s6 =	sadd.s32 s6, s31;
	p0 =	sge.u32 s4, s5  }
.LBB2_4:
0xe: {  	[sflag:s9] =	ssyncadd.s32 $0xFFFFF800  }
.LBB2_5:
0xf: {  	s13 =	sadd.s32 $0x1, s13  }
0x10: {  	p1 =	sne.s32 s13, s7  }
.Ltmp1:
0x11: {  	_ = 	snop;
	(pc) =	sbr.rel @!p1 .LBB2_6-.Ltmp1, $1  }
0x12: {  	_ =	sdelay $0x3  }
.LBB2_1:
.Ltmp2:
0x13: {  	(pc) =	sbr.rel @p0 .LBB2_5-.Ltmp2, $4  }
0x14: {  	[tilespmem:s2], [sflag:$0x2] =	stream.linear.gather [hbm4b:s6+s2], $0x6200, $0x38;
	[tilespmem:$0x6A00] =	vst v63  }
0x15: {  	_ =	swait.ge [sflag:s9], $0x6200  }
0x16: {  	[sflag:s9] =	ssyncset.done $0x0  }
0x17: {  	[sflag:s9] =	ssyncadd.s32 $0xFFFF9E00  }
0x18: {  	[tilespmem:s11], [sflag:$0x1] =	stream.indirect.gather [hbm4b:s3+s10], $0x10, s2, s10, $0xb8;
	[tilespmem:$0x6A00] =	vst v63  }
0x19: {  	s14 =	sadd.s32 $0x1, s4  }
0x1a: {  	_ =	swait.ge [sflag:s12], $0x800;
	p1 =	slt.u32 s14, s5  }
.Ltmp3:
0x1b: {  	[sflag:s12] =	ssyncset.done $0x0;
	(pc) =	sbr.rel @!p1 .LBB2_4-.Ltmp3, $4  }
0x1c: {  	[sflag:s12] =	ssyncadd.s32 $0xFFFFF800  }
0x1d: {  	[hbm4b:s8+s2] =	stream.linear.scatter [tilespmem:s11], [sflag:$0x2], $0x800, $0x38;
	[tilespmem:$0x6A00] =	vst v63  }
0x1e: {  	_ =	swait.ge [sflag:s9], $0x800  }
0x1f: {  	s15 =	sadd.s32 $0x80, s2;
	s16 =	smov.u32 s8;
	[sflag:s9] =	ssyncset.done $0x0  }
.LBB2_3:
0x20: {  	s14 =	sadd.s32 $0x1, s14;
	[sflag:s9] =	ssyncadd.s32 $0xFFFFF800;
	s16 =	sadd.s32 $0x100, s16  }
0x21: {  	[tilespmem:s11], [sflag:$0x1] =	stream.indirect.gather [hbm4b:s3+s10], $0x10, s15, s10, $0xb8;
	[tilespmem:$0x6A00] =	vst v63  }
0x22: {  	p1 =	slt.u32 s14, s5;
	_ =	swait.ge [sflag:s12], $0x800  }
.Ltmp4:
0x23: {  	[sflag:s12] =	ssyncset.done $0x0;
	(pc) =	sbr.rel @p1 .LBB2_3-.Ltmp4, $4  }
0x24: {  	[sflag:s12] =	ssyncadd.s32 $0xFFFFF800  }
0x25: {  	[hbm4b:s16+s2] =	stream.linear.scatter [tilespmem:s11], [sflag:$0x2], $0x800, $0x38;
	[tilespmem:$0x6A00] =	vst v63  }
0x26: {  	_ =	swait.ge [sflag:s9], $0x800  }
0x27: {  	s15 =	sadd.s32 $0x80, s15;
	[sflag:s9] =	ssyncset.done $0x0  }
.Ltmp5:
0x28: {  	_ = 	snop;
	(pc) =	sbr.rel .LBB2_4-.Ltmp5, $1  }
0x29: {  	_ =	sdelay $0x3  }
.LBB2_6:
0x2a: {  	_ =	sfence.sel $0x180000  }
0x2b: {  	[bflag:$0x0] =	sbarrier.arrive $0xFFFF  }
0x2c: {  	p0 =	sne.s32 s0, $0x0;
	_ =	strace $0x90000047  }
0x2d: {  	s0 =	sadd.s32 @!p0 $0x100000, s1;
	[bflag:$0x2] =	sbarrier.arrive $0xFFFF  }
0x2e: {  	[sflag:s0] =	ssyncadd.tile.s32 @!p0 $0x1;
	_ =	shalt  }
.Lfunc_end2:
_tile_overlayer_lowered:
.L_overlay_start_2:
0x2f: {  	(tag) =	ssettag $0x2  }
0x30: {  	s0 =	rddreg [dreg:$0x0];
	s2 =	stileid.u32  }
0x31: {  	s1 =	rddreg [dreg:$0x1];
	p0 =	sne.s32 s2, $0x0  }
0x32: {  	s3 =	rddreg [dreg:$0x2];
	[bflag:$0x3] =	sbarrier.arrive $0xFFFF;
	s2 =	simm.s32 @!p0 $0x1C02  }
0x33: {  	[timem:s3], [sflag:s2] =	dma.local @!p0 [hbm:s0], s1  }
0x34: {  	s0 =	simm.s32 @!p0 $0x2  }
0x35: {  	_ =	swait.ge @!p0 [sflag:s0], s1  }
0x36: {  	s1 =	ssub.s32 @!p0 $0x0, s1;
	[sflag:s0] =	ssyncset.done @!p0 $0x0  }
0x37: {  	[sflag:s0] =	ssyncadd.s32 @!p0 s1  }
0x38: {  	[bflag:$0x3] =	sbarrier.arrive $0xFFFF  }
0x39: {  	_ =	shalt  }

// kernel: kernel.16.cloned.1.call-start
scs
__scs_entry_jumppad:
0x0: {  	(pc) =	sbr.rel $0x88, $3  }
0x1: {  	(tag) =	ssettag $0x0;
	lr =	simm.s32 $0x1  }
0x2: {  	[smem:$0x3F85] =	sst lr;
	_ =	strace $0xD0000000  }
0x3: {  	_ = 	snop  }
0x4: {  	_ = 	snop  }
0x5: {  	_ = 	snop  }
0x6: {  	_ = 	snop  }
0x7: {  	_ = 	snop  }
__scs_overlays_trampoline_lowered:
0x8: {  	[smem:$0x3F94] =	sst s0  }
0x9: {  	[smem:$0x3F95] =	sst s1  }
0xa: {  	[smem:$0x3F96] =	sst s2  }
0xb: {  	[smem:$0x3F97] =	sst s3  }
0xc: {  	[smem:$0x3F98] =	sst s4  }
0xd: {  	[smem:$0x3F99] =	sst s5  }
0xe: {  	[smem:$0x3F9A] =	sst s6  }
0xf: {  	[smem:$0x3F9B] =	sst s7  }
0x10: {  	[smem:$0x3F9C] =	sst s8  }
0x11: {  	[smem:$0x3F9D] =	sst s9;
	s0 =	simm.s32 @!p0 $0x0  }
0x12: {  	s1 =	sld [smem:$0x3F83];
	s0 =	simm.s32 @p0 $0x1  }
0x13: {  	[smem:$0x3F9E] =	sst s0;
	s0 =	simm.s32 @!p1 $0x0  }
0x14: {  	s2 =	sld [smem:$0x3F82];
	s0 =	simm.s32 @p1 $0x1  }
0x15: {  	[smem:$0x3F9F] =	sst s0;
	s0 =	simm.s32 @!p2 $0x0  }
0x16: {  	s3 =	sld [smem:$0x3FDB];
	s0 =	simm.s32 @p2 $0x1  }
0x17: {  	s4 =	simm.s32 $0x1BF5;
	[smem:$0x3FA1] =	sst s0  }
0x18: {  	s0 =	sld [smem:$0x3F84];
	_ =	swait.ge [sflag:s4], $0x0  }
0x19: {  	s7 =	sld [smem:$0x3F85]  }
0x1a: {  	s8 =	sadd.s32 $0xFFFFE003, lr  }
0x1b: {  	s9 =	sadd.s32 $0xFFFFFEF7, lr;
	s5 =	simm.s32 $0xFFFFFFFF;
	p2 =	slt.u32 s8, $0xFFFFF086  }
0x1c: {  	p1 =	slt.u32 s9, $0xF7A;
	s5 =	simm.s32 @!p2 $0x0  }
0x1d: {  	s5 =	simm.s32 @p1 $0x1;
	p0 =	seq.s32 s7, s2  }
0x1e: {  	s7 =	smul.u32 @!p0 $0xF7A, s2;
	p2 =	seq.s32 @!p0 s5, $0x0  }
0x1f: {  	s9 =	smul.u32 $0xF7A, s1;
	s8 =	simm.s32 @!p0 $0x1BF5;
	p2 =	por !p2, p0  }
0x20: {  	[sflag:s8] =	ssyncset.s32 @!p0 $0xFFFFF086;
	s6 =	sadd.s32 @!p0 s3, s7;
	s7 =	simm.s32 @!p0 $0x108  }
0x21: {  	s3 =	sadd.s32 s3, s9;
	s6 =	sadd.s32 @!p0 $0x88, s6;
	s7 =	simm.s32 @p2 $0x1082  }
0x22: {  	[simem:s7], [sflag:s8] =	dma.local @!p0 [hbm:s6], $0xF7A  }
0x23: {  	s9 =	sor.u32 $0xD0000000, s2;
	s6 =	simm.s32 $0x108;
	_ =	swait.ge @!p0 [sflag:s8], $0x0  }
0x24: {  	s3 =	sadd.s32 $0x88, s3;
	s6 =	simm.s32 @!p1 $0x1082;
	[sflag:s4] =	ssyncset.s32 $0xFFFFF086  }
0x25: {  	[simem:s6], [sflag:s4] =	dma.local [hbm:s3], $0xF7A  }
0x26: {  	[smem:$0x3F85] =	sst s1;
	(tag) =	ssettag s2;
	_ =	strace s9  }
0x27: {  	s1 =	sld [smem:$0x3F95]  }
0x28: {  	s2 =	sld [smem:$0x3F96]  }
0x29: {  	s4 =	sld [smem:$0x3F98]  }
0x2a: {  	p0 =	seq.s32 s5, $0x0;
	s5 =	sld [smem:$0x3F99]  }
0x2b: {  	s6 =	sld [smem:$0x3F9A]  }
0x2c: {  	s7 =	sld [smem:$0x3F9B]  }
0x2d: {  	s3 =	simm.s32 $0x108;
	s8 =	sld [smem:$0x3F9C]  }
0x2e: {  	s3 =	simm.s32 @!p0 $0x1082;
	s9 =	sld [smem:$0x3F9D]  }
0x2f: {  	lr =	sadd.s32 s0, s3;
	s0 =	sld [smem:$0x3F94]  }
0x30: {  	s3 =	sld [smem:$0x3F97]  }
0x31: {  	[smem:$0x3FA0] =	sst s10  }
0x32: {  	s10 =	sld [smem:$0x3F9E];
	_ =	sdelay $0x3  }
0x33: {  	p0 =	seq.s32 s10, $0x1;
	s10 =	sld [smem:$0x3FA0];
	_ =	sdelay $0x3  }
0x34: {  	[smem:$0x3FA0] =	sst s10  }
0x35: {  	s10 =	sld [smem:$0x3F9F];
	_ =	sdelay $0x3  }
0x36: {  	p1 =	seq.s32 s10, $0x1;
	s10 =	sld [smem:$0x3FA0];
	_ =	sdelay $0x3  }
0x37: {  	[smem:$0x3FA0] =	sst s10  }
0x38: {  	s10 =	sld [smem:$0x3FA1]  }
0x39: {  	_ = 	snop;
	(pc) =	sbr.ind lr, $3  }
0x3a: {  	_ = 	snop  }
0x3b: {  	_ = 	snop  }
0x3c: {  	p2 =	seq.s32 s10, $0x1;
	s10 =	sld [smem:$0x3FA0]  }
0x3d: {  	_ =	shalt  }
0x3e: {  	_ =	shalt  }
0x3f: {  	_ =	shalt  }
0x40: {  	_ =	shalt  }
0x41: {  	_ =	shalt  }
0x42: {  	_ =	shalt  }
0x43: {  	_ =	shalt  }
0x44: {  	_ =	shalt  }
0x45: {  	_ =	shalt  }
0x46: {  	_ =	shalt  }
0x47: {  	_ =	shalt  }
0x48: {  	_ =	shalt  }
0x49: {  	_ =	shalt  }
0x4a: {  	_ =	shalt  }
0x4b: {  	_ =	shalt  }
0x4c: {  	_ =	shalt  }
0x4d: {  	_ =	shalt  }
0x4e: {  	_ =	shalt  }
0x4f: {  	_ =	shalt  }
0x50: {  	_ =	shalt  }
0x51: {  	_ =	shalt  }
0x52: {  	_ =	shalt  }
0x53: {  	_ =	shalt  }
0x54: {  	_ =	shalt  }
0x55: {  	_ =	shalt  }
0x56: {  	_ =	shalt  }
0x57: {  	_ =	shalt  }
0x58: {  	_ =	shalt  }
0x59: {  	_ =	shalt  }
0x5a: {  	_ =	shalt  }
0x5b: {  	_ =	shalt  }
0x5c: {  	_ =	shalt  }
0x5d: {  	_ =	shalt  }
0x5e: {  	_ =	shalt  }
0x5f: {  	_ =	shalt  }
0x60: {  	_ =	shalt  }
0x61: {  	_ =	shalt  }
0x62: {  	_ =	shalt  }
0x63: {  	_ =	shalt  }
0x64: {  	_ =	shalt  }
0x65: {  	_ =	shalt  }
0x66: {  	_ =	shalt  }
0x67: {  	_ =	shalt  }
0x68: {  	_ =	shalt  }
0x69: {  	_ =	shalt  }
0x6a: {  	_ =	shalt  }
0x6b: {  	_ =	shalt  }
0x6c: {  	_ =	shalt  }
0x6d: {  	_ =	shalt  }
0x6e: {  	_ =	shalt  }
0x6f: {  	_ =	shalt  }
0x70: {  	_ =	shalt  }
0x71: {  	_ =	shalt  }
0x72: {  	_ =	shalt  }
0x73: {  	_ =	shalt  }
0x74: {  	_ =	shalt  }
0x75: {  	_ =	shalt  }
0x76: {  	_ =	shalt  }
0x77: {  	_ =	shalt  }
0x78: {  	_ =	shalt  }
0x79: {  	_ =	shalt  }
0x7a: {  	_ =	shalt  }
0x7b: {  	_ =	shalt  }
0x7c: {  	_ =	shalt  }
0x7d: {  	_ =	shalt  }
0x7e: {  	_ =	shalt  }
0x7f: {  	_ =	shalt  }
0x80: {  	_ =	shalt  }
0x81: {  	_ =	shalt  }
0x82: {  	_ =	shalt  }
0x83: {  	_ =	shalt  }
0x84: {  	_ =	shalt  }
0x85: {  	_ =	shalt  }
0x86: {  	_ =	shalt  }
0x87: {  	_ =	shalt  }
.Lfunc_end0:
.L_simem_size_0:
called_computation.1_lowered:
.L_overlay_start_0:
0x88: {  	s2 =	sld [smem:$0x3FD9]  }
0x89: {  	s3 =	sld [smem:$0x3FFE];
	_ =	sdelay $0x1  }
0x8a: {  	s1 =	srdreg.scid  }
0x8b: {  	s0 =	sand.u32 $0x1, s1  }
0x8c: {  	s17 =	sshll.u32 s0, $0xA;
	s2 =	sadd.s32 s3, s2  }
0x8d: {  	s2 =	sadd.s32 s2, s17  }
0x8e: {  	[smem:$0x3FAC] =	sst s2  }
0x8f: {  	_ = 	snop  }
0x90: {  	s2 =	sld [smem:$0x3FC6];
	(tm) =	ssettm $0x1  }
0x91: {  	s18 =	sld [smem:$0x3FFB];
	_ =	sdelay $0x3  }
0x92: {  	_ =	strace s18  }
0x93: {  	s3 =	sld [smem:$0x3FFC];
	_ =	sdelay $0x3  }
0x94: {  	_ =	strace s3  }
0x95: {  	s3 =	sld [smem:$0x3FFD];
	_ =	sdelay $0x3  }
0x96: {  	_ =	strace s3  }
0x97: {  	_ =	strace $0x8FFFFFFF  }
0x98: {  	s19 =	sld [smem:$0x3FDB];
	_ =	sdelay $0x1  }
0x99: {  	s4 =	simm.s32 $_scs_section_size  }
0x9a: {  	s5 =	simm.s32 $_size__tile_overlayer_lowered;
	s6 =	simm.s32 $_tile_overlayer_lowered  }
0x9b: {  	s22 =	simm.s32 $0x1BFF;
	s21 =	sshll.u32 s6, $0x1;
	s3 =	sadd.s32 s4, s19  }
0x9c: {  	s7 =	simm.s32 $0x0;
	s20 =	sshll.u32 s5, $0x1;
	s5 =	sadd.s32 s21, s3  }
0x9d: {  	[timem:s7], [sflag:s22] =	dma.local [hbm:s5], s20  }
0x9e: {  	_ =	swait.ge [sflag:s22], s20  }
0x9f: {  	s4 =	ssub.s32 $0x0, s20;
	[sflag:s22] =	ssyncset.done $0x0  }
0xa0: {  	[sflag:s22] =	ssyncadd.s32 s4;
	_ =	sdelay $0x1  }
0xa1: {  	s23 =	simm.s32 $0x1B8B  }
0xa2: {  	_ =	swait.ge [sflag:s23], $0x1  }
0xa3: {  	[sflag:s23] =	ssyncset.done $0x0  }
0xa4: {  	s25 =	simm.s32 $0x1B8E;
	s24 =	sld [smem:$0x3FFE];
	[sflag:s23] =	ssyncadd.s32 $0xFFFFFFFF  }
0xa5: {  	s26 =	simm.s32 $execute0_lowered;
	[smem:$0x3FD2] =	sst s25  }
0xa6: {  	s5 =	sshll.u32 s26, $0x1;
	_ =	strace $0x80000049;
	[dreg:$0x1] =	wrdreg $0xFFFFFFFF  }
0xa7: {  	s28 =	simm.s32 $_size_execute0_lowered;
	s3 =	sadd.s32 s3, s5;
	[dreg:$0x0] =	wrdreg $0x0  }
0xa8: {  	s5 =	sshll.u32 s28, $0x1;
	[dreg:$0x2] =	wrdreg s3  }
0xa9: {  	[dreg:$0x3] =	wrdreg s5  }
0xaa: {  	[dreg:$0x4] =	wrdreg $0xC0  }
0xab: {  	_ =	task [dreg:s7], $0x5FFFF  }
0xac: {  	[dreg:$0x1] =	wrdreg $0xFFFFFFFF  }
0xad: {  	[dreg:$0x0] =	wrdreg $0x60  }
0xae: {  	[dreg:$0x2] =	wrdreg s24  }
0xaf: {  	[dreg:$0x3] =	wrdreg s2  }
0xb0: {  	[dreg:$0x4] =	wrdreg $0x6A000  }
0xb1: {  	[dreg:$0x5] =	wrdreg $0x9  }
0xb2: {  	_ =	task.clear_ibuf [dreg:s7], $0x6FFFF;
	_ =	strace $0x90000049  }
0xb3: {  	s29 =	simm.s32 $0x9;
	_ =	strace $0x8000004B  }
0xb4: {  	_ =	swait.ge [sflag:s29], $0x1  }
0xb5: {  	[sflag:s29] =	ssyncadd.s32 $0xFFFFFFFF  }
0xb6: {  	_ =	strace $0x9000004B  }
0xb7: {  	_ =	sfence  }
0xb8: {  	s30 =	sld [smem:$0x0];
	_ =	sdelay $0x2  }
0xb9: {  	s31 =	sshll.u32 s1, $0xD;
	s1 =	sshrl.u32 s1, $0x2  }
0xba: {  	s3 =	sand.u32 $0x4000, s31;
	s1 =	sadd.s32 s1, s30  }
0xbb: {  	s0 =	sor.u32 s3, s0;
	s1 =	sshll.u32 s1, $0x11  }
0xbc: {  	s0 =	sor.u32 s1, s0  }
0xbd: {  	s0 =	sadd.s32 $0x8F2B, s0  }
0xbe: {  	[sflag:s0] =	ssyncadd.remote.s32 $0x1  }
0xbf: {  	_ =	sfence.sel $0xFFFF  }
0xc0: {  	[dreg:$0x0] =	wrdreg $0xFFFFFFFF;
	(pc) =	sbr.abs _section_cstart, $3  }
0xc1: {  	[dreg:$0x1] =	wrdreg $0xFFFFFFFF  }
0xc2: {  	_ =	task.clear_ibuf [dreg:s7], $0x2FFFF;
	_ =	strace $0x9FFFFFFF  }
0xc3: {  	(tm) =	ssettm $0x7FFFFFFF  }
tec
execute0_lowered:
.L_overlay_start_1:
0x0: {  	(tag) =	ssettag $0x1  }
0x1: {  	s4 =	rddreg [dreg:$0x0]  }
0x2: {  	s6 =	rddreg [dreg:$0x1];
	s1 =	srdreg.scid  }
0x3: {  	s0 =	stileid.u32;
	s2 =	rddreg [dreg:$0x2]  }
0x4: {  	s3 =	simm.s32 $0x0;
	s14 =	simm.s32 $0x80;
	s7 =	smul.u32 $0x30D4, s0  }
0x5: {  	s5 =	sand.u32 $0x1, s1;
	s1 =	rddreg [dreg:$0x3];
	s26 =	smul.u32 $0xC380, s0  }
0x6: {  	[smem:$0x7FF] =	sst s3;
	s9 =	sshll.u32 s0, $0x1;
	s8 =	smul.u32 $0x186A, s5  }
0x7: {  	s31 =	sshll.u32 s0, $0x6;
	_ =	strace $0x8000004A;
	s10 =	smul.u32 $0x18700, s5  }
0x8: {  	s9 =	sor.u32 s5, s9;
	s5 =	ssub.s32 $0x2, s5;
	s15 =	sshrl.u32 s26, $0x3  }
0x9: {  	s28 =	smul.u32 $0x186A, s9;
	s12 =	sshrl.u32 s5, $0x1;
	s13 =	sadd.s32 s26, s2  }
0xa: {  	s7 =	sadd.s32 s8, s7;
	s29 =	sadd.s32 s15, s4;
	s10 =	sadd.s32 s10, s4  }
0xb: {  	s12 =	ssub.s32 s5, s12;
	s7 =	sshll.u32 s7, $0x3;
	s16 =	sadd.s32 $0xF63C00, s10  }
0xc: {  	s8 =	smax.u32 s12, $0x1;
	s10 =	simm.s32 $0x1;
	s12 =	sshrl.u32 s13, $0x3  }
.Ltmp0:
0xd: {  	s13 =	simm.s32 $0x6200;
	s7 =	sand.u32 $0x3FFF00, s7;
	(pc) =	sbr.rel .LBB2_1-.Ltmp0, $4  }
0xe: {  	s15 =	sadd.s32 s15, s16;
	s11 =	sadd.s32 s7, s4;
	s7 =	sadd.s32 $0x186A, s28  }
0xf: {  	s16 =	simm.s32 $0x0;
	s4 =	sshrl.u32 s28, $0x5;
	s5 =	sshrl.u32 s7, $0x5  }
0x10: {  	s30 =	sshll.u32 s4, $0x4;
	s7 =	sadd.s32 $0x316000, s29;
	s9 =	sadd.s32 $0x18F600, s11  }
0x11: {  	s11 =	sor.u32 $0x1C01, s31;
	s6 =	sadd.s32 s6, s30;
	p0 =	sge.u32 s4, s5  }
.LBB2_4:
0x12: {  	[sflag:s10] =	ssyncadd.s32 $0xFFFFF800  }
.LBB2_5:
0x13: {  	s16 =	sadd.s32 $0x1, s16  }
0x14: {  	p1 =	sne.s32 s16, s8  }
.Ltmp1:
0x15: {  	[bflag:$0x0] =	sbarrier.arrive $0xFFFF;
	(pc) =	sbr.rel @!p1 .LBB2_6-.Ltmp1, $4  }
0x16: {  	[hbm:s15], [sflag:s11] =	dma.local [spmem:s12], $0x1870  }
0x17: {  	_ =	swait.ge [sflag:s10], $0x1870  }
0x18: {  	[sflag:s10] =	ssyncset.done $0x0  }
0x19: {  	[sflag:s10] =	ssyncadd.s32 $0xFFFFE790  }
.LBB2_1:
0x1a: {  	[tilespmem:s3], [sflag:$0x1] =	stream.linear.gather [hbm4b:s6+s3], $0x6200, $0x38;
	[tilespmem:$0x12D80] =	vst v63  }
0x1b: {  	_ =	swait.ge [sflag:s10], $0x6200  }
0x1c: {  	[sflag:s10] =	ssyncset.done $0x0  }
0x1d: {  	[sflag:s10] =	ssyncadd.s32 $0xFFFF9E00  }
0x1e: {  	[spmem:s12], [sflag:s11] =	dma.local [hbm:s7], $0x1870  }
.Ltmp2:
0x1f: {  	_ =	swait.ge [sflag:s10], $0x1870;
	(pc) =	sbr.rel @p0 .LBB2_5-.Ltmp2, $3  }
0x20: {  	[sflag:s10] =	ssyncset.done $0x0  }
0x21: {  	[sflag:s10] =	ssyncadd.s32 $0xFFFFE790  }
0x22: {  	[bflag:$0x0] =	sbarrier.arrive $0xFFFF;
	_ =	sdelay $0x1  }
0x23: {  	[tilespmem:s13], [sflag:$0x1] =	stream.linear.gather [hbm4b:s9+s3], $0x800, $0x38;
	[tilespmem:$0x12D80] =	vst v63  }
0x24: {  	s17 =	sadd.s32 $0x1, s4  }
0x25: {  	_ =	swait.ge [sflag:s10], $0x800;
	p1 =	slt.u32 s17, s5  }
.Ltmp3:
0x26: {  	[sflag:s10] =	ssyncset.done $0x0;
	(pc) =	sbr.rel @!p1 .LBB2_4-.Ltmp3, $4  }
0x27: {  	[sflag:s10] =	ssyncadd.s32 $0xFFFFF800  }
0x28: {  	[spmem:s2] =	stream.indirect.scatter.add.f32 [tilespmem:s13], [sflag:$0x1], $0x10, s3, s14, $0xb8;
	[tilespmem:$0x12D80] =	vst v63  }
0x29: {  	_ =	swait.ge [sflag:s10], $0x800  }
0x2a: {  	s18 =	sadd.s32 $0x100, s9;
	s19 =	simm.s32 $0x0;
	[sflag:s10] =	ssyncset.done $0x0  }
.LBB2_3:
0x2b: {  	s17 =	sadd.s32 $0x1, s17;
	[sflag:s10] =	ssyncadd.s32 $0xFFFFF800;
	s19 =	sadd.s32 $0x80, s19  }
0x2c: {  	[tilespmem:s13], [sflag:$0x1] =	stream.linear.gather [hbm4b:s18+s3], $0x800, $0x38;
	[tilespmem:$0x12D80] =	vst v63  }
0x2d: {  	p1 =	slt.u32 s17, s5;
	_ =	swait.ge [sflag:s10], $0x800  }
.Ltmp4:
0x2e: {  	[sflag:s10] =	ssyncset.done $0x0;
	(pc) =	sbr.rel @p1 .LBB2_3-.Ltmp4, $4  }
0x2f: {  	[sflag:s10] =	ssyncadd.s32 $0xFFFFF800  }
0x30: {  	[spmem:s2] =	stream.indirect.scatter.add.f32 [tilespmem:s13], [sflag:$0x1], $0x10, s19, s14, $0xb8;
	[tilespmem:$0x12D80] =	vst v63  }
0x31: {  	_ =	swait.ge [sflag:s10], $0x800  }
0x32: {  	s18 =	sadd.s32 $0x100, s18;
	[sflag:s10] =	ssyncset.done $0x0  }
.Ltmp5:
0x33: {  	_ = 	snop;
	(pc) =	sbr.rel .LBB2_4-.Ltmp5, $1  }
0x34: {  	_ =	sdelay $0x3  }
.LBB2_6:
0x35: {  	_ =	sfence.sel $0x180000  }
0x36: {  	[bflag:$0x0] =	sbarrier.arrive $0xFFFF  }
0x37: {  	p0 =	sne.s32 s0, $0x0;
	_ =	strace $0x9000004A  }
0x38: {  	s0 =	sadd.s32 @!p0 $0x100000, s1;
	[bflag:$0x2] =	sbarrier.arrive $0xFFFF  }
0x39: {  	[sflag:s0] =	ssyncadd.tile.s32 @!p0 $0x1;
	_ =	shalt  }
.Lfunc_end2:
_tile_overlayer_lowered:
.L_overlay_start_2:
0x3a: {  	(tag) =	ssettag $0x2  }
0x3b: {  	s0 =	rddreg [dreg:$0x0];
	s2 =	stileid.u32  }
0x3c: {  	s1 =	rddreg [dreg:$0x1];
	p0 =	sne.s32 s2, $0x0  }
0x3d: {  	s3 =	rddreg [dreg:$0x2];
	[bflag:$0x3] =	sbarrier.arrive $0xFFFF;
	s2 =	simm.s32 @!p0 $0x1C01  }
0x3e: {  	[timem:s3], [sflag:s2] =	dma.local @!p0 [hbm:s0], s1  }
0x3f: {  	s0 =	simm.s32 @!p0 $0x1  }
0x40: {  	_ =	swait.ge @!p0 [sflag:s0], s1  }
0x41: {  	s1 =	ssub.s32 @!p0 $0x0, s1;
	[sflag:s0] =	ssyncset.done @!p0 $0x0  }
0x42: {  	[sflag:s0] =	ssyncadd.s32 @!p0 s1  }
0x43: {  	[bflag:$0x3] =	sbarrier.arrive $0xFFFF  }
0x44: {  	_ =	shalt  }

// kernel: kernel.19.cloned.1.call-start
scs
__scs_entry_jumppad:
0x0: {  	(pc) =	sbr.rel $0x88, $3  }
0x1: {  	(tag) =	ssettag $0x0;
	lr =	simm.s32 $0x1  }
0x2: {  	[smem:$0x3F85] =	sst lr;
	_ =	strace $0xD0000000  }
0x3: {  	_ = 	snop  }
0x4: {  	_ = 	snop  }
0x5: {  	_ = 	snop  }
0x6: {  	_ = 	snop  }
0x7: {  	_ = 	snop  }
__scs_overlays_trampoline_lowered:
0x8: {  	[smem:$0x3F94] =	sst s0  }
0x9: {  	[smem:$0x3F95] =	sst s1  }
0xa: {  	[smem:$0x3F96] =	sst s2  }
0xb: {  	[smem:$0x3F97] =	sst s3  }
0xc: {  	[smem:$0x3F98] =	sst s4  }
0xd: {  	[smem:$0x3F99] =	sst s5  }
0xe: {  	[smem:$0x3F9A] =	sst s6  }
0xf: {  	[smem:$0x3F9B] =	sst s7  }
0x10: {  	[smem:$0x3F9C] =	sst s8  }
0x11: {  	[smem:$0x3F9D] =	sst s9;
	s0 =	simm.s32 @!p0 $0x0  }
0x12: {  	s1 =	sld [smem:$0x3F83];
	s0 =	simm.s32 @p0 $0x1  }
0x13: {  	[smem:$0x3F9E] =	sst s0;
	s0 =	simm.s32 @!p1 $0x0  }
0x14: {  	s2 =	sld [smem:$0x3F82];
	s0 =	simm.s32 @p1 $0x1  }
0x15: {  	[smem:$0x3F9F] =	sst s0;
	s0 =	simm.s32 @!p2 $0x0  }
0x16: {  	s3 =	sld [smem:$0x3FDB];
	s0 =	simm.s32 @p2 $0x1  }
0x17: {  	s4 =	simm.s32 $0x1BF5;
	[smem:$0x3FA1] =	sst s0  }
0x18: {  	s0 =	sld [smem:$0x3F84];
	_ =	swait.ge [sflag:s4], $0x0  }
0x19: {  	s7 =	sld [smem:$0x3F85]  }
0x1a: {  	s8 =	sadd.s32 $0xFFFFE003, lr  }
0x1b: {  	s9 =	sadd.s32 $0xFFFFFEF7, lr;
	s5 =	simm.s32 $0xFFFFFFFF;
	p2 =	slt.u32 s8, $0xFFFFF086  }
0x1c: {  	p1 =	slt.u32 s9, $0xF7A;
	s5 =	simm.s32 @!p2 $0x0  }
0x1d: {  	s5 =	simm.s32 @p1 $0x1;
	p0 =	seq.s32 s7, s2  }
0x1e: {  	s7 =	smul.u32 @!p0 $0xF7A, s2;
	p2 =	seq.s32 @!p0 s5, $0x0  }
0x1f: {  	s9 =	smul.u32 $0xF7A, s1;
	s8 =	simm.s32 @!p0 $0x1BF5;
	p2 =	por !p2, p0  }
0x20: {  	[sflag:s8] =	ssyncset.s32 @!p0 $0xFFFFF086;
	s6 =	sadd.s32 @!p0 s3, s7;
	s7 =	simm.s32 @!p0 $0x108  }
0x21: {  	s3 =	sadd.s32 s3, s9;
	s6 =	sadd.s32 @!p0 $0x88, s6;
	s7 =	simm.s32 @p2 $0x1082  }
0x22: {  	[simem:s7], [sflag:s8] =	dma.local @!p0 [hbm:s6], $0xF7A  }
0x23: {  	s9 =	sor.u32 $0xD0000000, s2;
	s6 =	simm.s32 $0x108;
	_ =	swait.ge @!p0 [sflag:s8], $0x0  }
0x24: {  	s3 =	sadd.s32 $0x88, s3;
	s6 =	simm.s32 @!p1 $0x1082;
	[sflag:s4] =	ssyncset.s32 $0xFFFFF086  }
0x25: {  	[simem:s6], [sflag:s4] =	dma.local [hbm:s3], $0xF7A  }
0x26: {  	[smem:$0x3F85] =	sst s1;
	(tag) =	ssettag s2;
	_ =	strace s9  }
0x27: {  	s1 =	sld [smem:$0x3F95]  }
0x28: {  	s2 =	sld [smem:$0x3F96]  }
0x29: {  	s4 =	sld [smem:$0x3F98]  }
0x2a: {  	p0 =	seq.s32 s5, $0x0;
	s5 =	sld [smem:$0x3F99]  }
0x2b: {  	s6 =	sld [smem:$0x3F9A]  }
0x2c: {  	s7 =	sld [smem:$0x3F9B]  }
0x2d: {  	s3 =	simm.s32 $0x108;
	s8 =	sld [smem:$0x3F9C]  }
0x2e: {  	s3 =	simm.s32 @!p0 $0x1082;
	s9 =	sld [smem:$0x3F9D]  }
0x2f: {  	lr =	sadd.s32 s0, s3;
	s0 =	sld [smem:$0x3F94]  }
0x30: {  	s3 =	sld [smem:$0x3F97]  }
0x31: {  	[smem:$0x3FA0] =	sst s10  }
0x32: {  	s10 =	sld [smem:$0x3F9E];
	_ =	sdelay $0x3  }
0x33: {  	p0 =	seq.s32 s10, $0x1;
	s10 =	sld [smem:$0x3FA0];
	_ =	sdelay $0x3  }
0x34: {  	[smem:$0x3FA0] =	sst s10  }
0x35: {  	s10 =	sld [smem:$0x3F9F];
	_ =	sdelay $0x3  }
0x36: {  	p1 =	seq.s32 s10, $0x1;
	s10 =	sld [smem:$0x3FA0];
	_ =	sdelay $0x3  }
0x37: {  	[smem:$0x3FA0] =	sst s10  }
0x38: {  	s10 =	sld [smem:$0x3FA1]  }
0x39: {  	_ = 	snop;
	(pc) =	sbr.ind lr, $3  }
0x3a: {  	_ = 	snop  }
0x3b: {  	_ = 	snop  }
0x3c: {  	p2 =	seq.s32 s10, $0x1;
	s10 =	sld [smem:$0x3FA0]  }
0x3d: {  	_ =	shalt  }
0x3e: {  	_ =	shalt  }
0x3f: {  	_ =	shalt  }
0x40: {  	_ =	shalt  }
0x41: {  	_ =	shalt  }
0x42: {  	_ =	shalt  }
0x43: {  	_ =	shalt  }
0x44: {  	_ =	shalt  }
0x45: {  	_ =	shalt  }
0x46: {  	_ =	shalt  }
0x47: {  	_ =	shalt  }
0x48: {  	_ =	shalt  }
0x49: {  	_ =	shalt  }
0x4a: {  	_ =	shalt  }
0x4b: {  	_ =	shalt  }
0x4c: {  	_ =	shalt  }
0x4d: {  	_ =	shalt  }
0x4e: {  	_ =	shalt  }
0x4f: {  	_ =	shalt  }
0x50: {  	_ =	shalt  }
0x51: {  	_ =	shalt  }
0x52: {  	_ =	shalt  }
0x53: {  	_ =	shalt  }
0x54: {  	_ =	shalt  }
0x55: {  	_ =	shalt  }
0x56: {  	_ =	shalt  }
0x57: {  	_ =	shalt  }
0x58: {  	_ =	shalt  }
0x59: {  	_ =	shalt  }
0x5a: {  	_ =	shalt  }
0x5b: {  	_ =	shalt  }
0x5c: {  	_ =	shalt  }
0x5d: {  	_ =	shalt  }
0x5e: {  	_ =	shalt  }
0x5f: {  	_ =	shalt  }
0x60: {  	_ =	shalt  }
0x61: {  	_ =	shalt  }
0x62: {  	_ =	shalt  }
0x63: {  	_ =	shalt  }
0x64: {  	_ =	shalt  }
0x65: {  	_ =	shalt  }
0x66: {  	_ =	shalt  }
0x67: {  	_ =	shalt  }
0x68: {  	_ =	shalt  }
0x69: {  	_ =	shalt  }
0x6a: {  	_ =	shalt  }
0x6b: {  	_ =	shalt  }
0x6c: {  	_ =	shalt  }
0x6d: {  	_ =	shalt  }
0x6e: {  	_ =	shalt  }
0x6f: {  	_ =	shalt  }
0x70: {  	_ =	shalt  }
0x71: {  	_ =	shalt  }
0x72: {  	_ =	shalt  }
0x73: {  	_ =	shalt  }
0x74: {  	_ =	shalt  }
0x75: {  	_ =	shalt  }
0x76: {  	_ =	shalt  }
0x77: {  	_ =	shalt  }
0x78: {  	_ =	shalt  }
0x79: {  	_ =	shalt  }
0x7a: {  	_ =	shalt  }
0x7b: {  	_ =	shalt  }
0x7c: {  	_ =	shalt  }
0x7d: {  	_ =	shalt  }
0x7e: {  	_ =	shalt  }
0x7f: {  	_ =	shalt  }
0x80: {  	_ =	shalt  }
0x81: {  	_ =	shalt  }
0x82: {  	_ =	shalt  }
0x83: {  	_ =	shalt  }
0x84: {  	_ =	shalt  }
0x85: {  	_ =	shalt  }
0x86: {  	_ =	shalt  }
0x87: {  	_ =	shalt  }
.Lfunc_end0:
.L_simem_size_0:
called_computation.2_lowered:
.L_overlay_start_0:
0x88: {  	s2 =	sld [smem:$0x3FD9]  }
0x89: {  	s3 =	sld [smem:$0x3FFE];
	_ =	sdelay $0x1  }
0x8a: {  	s1 =	srdreg.scid  }
0x8b: {  	s0 =	sand.u32 $0x1, s1  }
0x8c: {  	s17 =	sshll.u32 s0, $0xA;
	s2 =	sadd.s32 s3, s2  }
0x8d: {  	s2 =	sadd.s32 s2, s17  }
0x8e: {  	[smem:$0x3FAC] =	sst s2  }
0x8f: {  	_ = 	snop  }
0x90: {  	s2 =	sld [smem:$0x3FC7];
	(tm) =	ssettm $0x1  }
0x91: {  	s18 =	sld [smem:$0x3FFB];
	_ =	sdelay $0x3  }
0x92: {  	_ =	strace s18  }
0x93: {  	s3 =	sld [smem:$0x3FFC];
	_ =	sdelay $0x3  }
0x94: {  	_ =	strace s3  }
0x95: {  	s3 =	sld [smem:$0x3FFD];
	_ =	sdelay $0x3  }
0x96: {  	_ =	strace s3  }
0x97: {  	_ =	strace $0x8FFFFFFF  }
0x98: {  	s19 =	sld [smem:$0x3FDB];
	_ =	sdelay $0x1  }
0x99: {  	s4 =	simm.s32 $_scs_section_size  }
0x9a: {  	s5 =	simm.s32 $_size__tile_overlayer_lowered;
	s6 =	simm.s32 $_tile_overlayer_lowered  }
0x9b: {  	s22 =	simm.s32 $0x1BFF;
	s21 =	sshll.u32 s6, $0x1;
	s3 =	sadd.s32 s4, s19  }
0x9c: {  	s7 =	simm.s32 $0x0;
	s20 =	sshll.u32 s5, $0x1;
	s5 =	sadd.s32 s21, s3  }
0x9d: {  	[timem:s7], [sflag:s22] =	dma.local [hbm:s5], s20  }
0x9e: {  	_ =	swait.ge [sflag:s22], s20  }
0x9f: {  	s4 =	ssub.s32 $0x0, s20;
	[sflag:s22] =	ssyncset.done $0x0  }
0xa0: {  	[sflag:s22] =	ssyncadd.s32 s4;
	_ =	sdelay $0x1  }
0xa1: {  	s23 =	simm.s32 $0x1B8B  }
0xa2: {  	_ =	swait.ge [sflag:s23], $0x1  }
0xa3: {  	[sflag:s23] =	ssyncset.done $0x0  }
0xa4: {  	s25 =	simm.s32 $0x1B8E;
	s24 =	sld [smem:$0x3FFE];
	[sflag:s23] =	ssyncadd.s32 $0xFFFFFFFF  }
0xa5: {  	s26 =	simm.s32 $execute0_lowered;
	[smem:$0x3FD2] =	sst s25  }
0xa6: {  	s5 =	sshll.u32 s26, $0x1;
	_ =	strace $0x8000004C;
	[dreg:$0x1] =	wrdreg $0xFFFFFFFF  }
0xa7: {  	s28 =	simm.s32 $_size_execute0_lowered;
	s3 =	sadd.s32 s3, s5;
	[dreg:$0x0] =	wrdreg $0x0  }
0xa8: {  	s5 =	sshll.u32 s28, $0x1;
	[dreg:$0x2] =	wrdreg s3  }
0xa9: {  	[dreg:$0x3] =	wrdreg s5  }
0xaa: {  	[dreg:$0x4] =	wrdreg $0xC0  }
0xab: {  	_ =	task [dreg:s7], $0x5FFFF  }
0xac: {  	[dreg:$0x1] =	wrdreg $0xFFFFFFFF  }
0xad: {  	[dreg:$0x0] =	wrdreg $0x60  }
0xae: {  	[dreg:$0x2] =	wrdreg s24  }
0xaf: {  	[dreg:$0x3] =	wrdreg s2  }
0xb0: {  	[dreg:$0x4] =	wrdreg $0x9  }
0xb1: {  	_ =	task.clear_ibuf [dreg:s7], $0x5FFFF;
	_ =	strace $0x9000004C  }
0xb2: {  	s29 =	simm.s32 $0x9;
	_ =	strace $0x8000004E  }
0xb3: {  	_ =	swait.ge [sflag:s29], $0x1  }
0xb4: {  	[sflag:s29] =	ssyncadd.s32 $0xFFFFFFFF  }
0xb5: {  	_ =	strace $0x9000004E  }
0xb6: {  	_ =	sfence  }
0xb7: {  	s30 =	sld [smem:$0x0];
	_ =	sdelay $0x2  }
0xb8: {  	s31 =	sshll.u32 s1, $0xD;
	s1 =	sshrl.u32 s1, $0x2  }
0xb9: {  	s3 =	sand.u32 $0x4000, s31;
	s1 =	sadd.s32 s1, s30  }
0xba: {  	s0 =	sor.u32 s3, s0;
	s1 =	sshll.u32 s1, $0x11  }
0xbb: {  	s0 =	sor.u32 s1, s0  }
0xbc: {  	s0 =	sadd.s32 $0x8F2B, s0  }
0xbd: {  	[sflag:s0] =	ssyncadd.remote.s32 $0x1  }
0xbe: {  	_ =	sfence.sel $0xFFFF  }
0xbf: {  	[dreg:$0x0] =	wrdreg $0xFFFFFFFF;
	(pc) =	sbr.abs _section_cstart, $3  }
0xc0: {  	[dreg:$0x1] =	wrdreg $0xFFFFFFFF  }
0xc1: {  	_ =	task.clear_ibuf [dreg:s7], $0x2FFFF;
	_ =	strace $0x9FFFFFFF  }
0xc2: {  	(tm) =	ssettm $0x7FFFFFFF  }
0xc3: {  	_ =	shalt  }
tec
execute0_lowered:
.L_overlay_start_1:
0x0: {  	(tag) =	ssettag $0x1  }
0x1: {  	s1 =	srdreg.scid  }
0x2: {  	s0 =	stileid.u32;
	s4 =	rddreg [dreg:$0x0]  }
0x3: {  	s6 =	rddreg [dreg:$0x1];
	s5 =	sand.u32 $0x1, s1;
	s3 =	smul.u32 $0x30D4, s0  }
0x4: {  	s2 =	simm.s32 $0x0;
	s10 =	simm.s32 $0x80;
	s7 =	smul.u32 $0x186A, s5  }
0x5: {  	s11 =	simm.s32 $0x6200;
	s12 =	simm.s32 $0x1;
	s13 =	simm.s32 $0x0  }
0x6: {  	s1 =	rddreg [dreg:$0x2];
	s30 =	sshll.u32 s0, $0x1;
	s3 =	sadd.s32 s7, s3  }
0x7: {  	[smem:$0x7FF] =	sst s2;
	s7 =	sor.u32 s5, s30;
	s3 =	sshll.u32 s3, $0x3  }
0x8: {  	s5 =	ssub.s32 $0x2, s5;
	s7 =	smul.u32 $0x186A, s7;
	s8 =	sand.u32 $0x3FFF00, s3  }
.Ltmp0:
0x9: {  	s9 =	sshrl.u32 s5, $0x1;
	s3 =	sadd.s32 $0xF63C00, s4;
	(pc) =	sbr.rel .LBB2_1-.Ltmp0, $4  }
0xa: {  	s8 =	sadd.s32 s8, s4;
	s4 =	sshrl.u32 s7, $0x5;
	s7 =	sadd.s32 $0x186A, s7  }
0xb: {  	_ =	strace $0x8000004D;
	s9 =	ssub.s32 s5, s9;
	s5 =	sshrl.u32 s7, $0x5  }
0xc: {  	s31 =	sshll.u32 s4, $0x4;
	s7 =	smax.u32 s9, $0x1;
	s8 =	sadd.s32 $0xCBE00, s8  }
0xd: {  	s9 =	simm.s32 $0x2;
	s6 =	sadd.s32 s6, s31;
	p0 =	sge.u32 s4, s5  }
.LBB2_4:
0xe: {  	[sflag:s9] =	ssyncadd.s32 $0xFFFFF800  }
.LBB2_5:
0xf: {  	s13 =	sadd.s32 $0x1, s13  }
0x10: {  	p1 =	sne.s32 s13, s7  }
.Ltmp1:
0x11: {  	_ = 	snop;
	(pc) =	sbr.rel @!p1 .LBB2_6-.Ltmp1, $1  }
0x12: {  	_ =	sdelay $0x3  }
.LBB2_1:
.Ltmp2:
0x13: {  	(pc) =	sbr.rel @p0 .LBB2_5-.Ltmp2, $4  }
0x14: {  	[tilespmem:s2], [sflag:$0x2] =	stream.linear.gather [hbm4b:s6+s2], $0x6200, $0x38;
	[tilespmem:$0x6A00] =	vst v63  }
0x15: {  	_ =	swait.ge [sflag:s9], $0x6200  }
0x16: {  	[sflag:s9] =	ssyncset.done $0x0  }
0x17: {  	[sflag:s9] =	ssyncadd.s32 $0xFFFF9E00  }
0x18: {  	[tilespmem:s11], [sflag:$0x1] =	stream.indirect.gather [hbm4b:s3+s10], $0x10, s2, s10, $0xb8;
	[tilespmem:$0x6A00] =	vst v63  }
0x19: {  	s14 =	sadd.s32 $0x1, s4  }
0x1a: {  	_ =	swait.ge [sflag:s12], $0x800;
	p1 =	slt.u32 s14, s5  }
.Ltmp3:
0x1b: {  	[sflag:s12] =	ssyncset.done $0x0;
	(pc) =	sbr.rel @!p1 .LBB2_4-.Ltmp3, $4  }
0x1c: {  	[sflag:s12] =	ssyncadd.s32 $0xFFFFF800  }
0x1d: {  	[hbm4b:s8+s2] =	stream.linear.scatter [tilespmem:s11], [sflag:$0x2], $0x800, $0x38;
	[tilespmem:$0x6A00] =	vst v63  }
0x1e: {  	_ =	swait.ge [sflag:s9], $0x800  }
0x1f: {  	s15 =	sadd.s32 $0x80, s2;
	s16 =	smov.u32 s8;
	[sflag:s9] =	ssyncset.done $0x0  }
.LBB2_3:
0x20: {  	s14 =	sadd.s32 $0x1, s14;
	[sflag:s9] =	ssyncadd.s32 $0xFFFFF800;
	s16 =	sadd.s32 $0x100, s16  }
0x21: {  	[tilespmem:s11], [sflag:$0x1] =	stream.indirect.gather [hbm4b:s3+s10], $0x10, s15, s10, $0xb8;
	[tilespmem:$0x6A00] =	vst v63  }
0x22: {  	p1 =	slt.u32 s14, s5;
	_ =	swait.ge [sflag:s12], $0x800  }
.Ltmp4:
0x23: {  	[sflag:s12] =	ssyncset.done $0x0;
	(pc) =	sbr.rel @p1 .LBB2_3-.Ltmp4, $4  }
0x24: {  	[sflag:s12] =	ssyncadd.s32 $0xFFFFF800  }
0x25: {  	[hbm4b:s16+s2] =	stream.linear.scatter [tilespmem:s11], [sflag:$0x2], $0x800, $0x38;
	[tilespmem:$0x6A00] =	vst v63  }
0x26: {  	_ =	swait.ge [sflag:s9], $0x800  }
0x27: {  	s15 =	sadd.s32 $0x80, s15;
	[sflag:s9] =	ssyncset.done $0x0  }
.Ltmp5:
0x28: {  	_ = 	snop;
	(pc) =	sbr.rel .LBB2_4-.Ltmp5, $1  }
0x29: {  	_ =	sdelay $0x3  }
.LBB2_6:
0x2a: {  	_ =	sfence.sel $0x180000  }
0x2b: {  	[bflag:$0x0] =	sbarrier.arrive $0xFFFF  }
0x2c: {  	p0 =	sne.s32 s0, $0x0;
	_ =	strace $0x9000004D  }
0x2d: {  	s0 =	sadd.s32 @!p0 $0x100000, s1;
	[bflag:$0x2] =	sbarrier.arrive $0xFFFF  }
0x2e: {  	[sflag:s0] =	ssyncadd.tile.s32 @!p0 $0x1;
	_ =	shalt  }
.Lfunc_end2:
_tile_overlayer_lowered:
.L_overlay_start_2:
0x2f: {  	(tag) =	ssettag $0x2  }
0x30: {  	s0 =	rddreg [dreg:$0x0];
	s2 =	stileid.u32  }
0x31: {  	s1 =	rddreg [dreg:$0x1];
	p0 =	sne.s32 s2, $0x0  }
0x32: {  	s3 =	rddreg [dreg:$0x2];
	[bflag:$0x3] =	sbarrier.arrive $0xFFFF;
	s2 =	simm.s32 @!p0 $0x1C02  }
0x33: {  	[timem:s3], [sflag:s2] =	dma.local @!p0 [hbm:s0], s1  }
0x34: {  	s0 =	simm.s32 @!p0 $0x2  }
0x35: {  	_ =	swait.ge @!p0 [sflag:s0], s1  }
0x36: {  	s1 =	ssub.s32 @!p0 $0x0, s1;
	[sflag:s0] =	ssyncset.done @!p0 $0x0  }
0x37: {  	[sflag:s0] =	ssyncadd.s32 @!p0 s1  }
0x38: {  	[bflag:$0x3] =	sbarrier.arrive $0xFFFF  }
0x39: {  	_ =	shalt  }

// kernel: kernel.22.cloned.1.call-start
scs
__scs_entry_jumppad:
0x0: {  	(pc) =	sbr.rel $0x88, $3  }
0x1: {  	(tag) =	ssettag $0x0;
	lr =	simm.s32 $0x1  }
0x2: {  	[smem:$0x3F85] =	sst lr;
	_ =	strace $0xD0000000  }
0x3: {  	_ = 	snop  }
0x4: {  	_ = 	snop  }
0x5: {  	_ = 	snop  }
0x6: {  	_ = 	snop  }
0x7: {  	_ = 	snop  }
__scs_overlays_trampoline_lowered:
0x8: {  	[smem:$0x3F94] =	sst s0  }
0x9: {  	[smem:$0x3F95] =	sst s1  }
0xa: {  	[smem:$0x3F96] =	sst s2  }
0xb: {  	[smem:$0x3F97] =	sst s3  }
0xc: {  	[smem:$0x3F98] =	sst s4  }
0xd: {  	[smem:$0x3F99] =	sst s5  }
0xe: {  	[smem:$0x3F9A] =	sst s6  }
0xf: {  	[smem:$0x3F9B] =	sst s7  }
0x10: {  	[smem:$0x3F9C] =	sst s8  }
0x11: {  	[smem:$0x3F9D] =	sst s9;
	s0 =	simm.s32 @!p0 $0x0  }
0x12: {  	s1 =	sld [smem:$0x3F83];
	s0 =	simm.s32 @p0 $0x1  }
0x13: {  	[smem:$0x3F9E] =	sst s0;
	s0 =	simm.s32 @!p1 $0x0  }
0x14: {  	s2 =	sld [smem:$0x3F82];
	s0 =	simm.s32 @p1 $0x1  }
0x15: {  	[smem:$0x3F9F] =	sst s0;
	s0 =	simm.s32 @!p2 $0x0  }
0x16: {  	s3 =	sld [smem:$0x3FDB];
	s0 =	simm.s32 @p2 $0x1  }
0x17: {  	s4 =	simm.s32 $0x1BF5;
	[smem:$0x3FA1] =	sst s0  }
0x18: {  	s0 =	sld [smem:$0x3F84];
	_ =	swait.ge [sflag:s4], $0x0  }
0x19: {  	s7 =	sld [smem:$0x3F85]  }
0x1a: {  	s8 =	sadd.s32 $0xFFFFE003, lr  }
0x1b: {  	s9 =	sadd.s32 $0xFFFFFEF7, lr;
	s5 =	simm.s32 $0xFFFFFFFF;
	p2 =	slt.u32 s8, $0xFFFFF086  }
0x1c: {  	p1 =	slt.u32 s9, $0xF7A;
	s5 =	simm.s32 @!p2 $0x0  }
0x1d: {  	s5 =	simm.s32 @p1 $0x1;
	p0 =	seq.s32 s7, s2  }
0x1e: {  	s7 =	smul.u32 @!p0 $0xF7A, s2;
	p2 =	seq.s32 @!p0 s5, $0x0  }
0x1f: {  	s9 =	smul.u32 $0xF7A, s1;
	s8 =	simm.s32 @!p0 $0x1BF5;
	p2 =	por !p2, p0  }
0x20: {  	[sflag:s8] =	ssyncset.s32 @!p0 $0xFFFFF086;
	s6 =	sadd.s32 @!p0 s3, s7;
	s7 =	simm.s32 @!p0 $0x108  }
0x21: {  	s3 =	sadd.s32 s3, s9;
	s6 =	sadd.s32 @!p0 $0x88, s6;
	s7 =	simm.s32 @p2 $0x1082  }
0x22: {  	[simem:s7], [sflag:s8] =	dma.local @!p0 [hbm:s6], $0xF7A  }
0x23: {  	s9 =	sor.u32 $0xD0000000, s2;
	s6 =	simm.s32 $0x108;
	_ =	swait.ge @!p0 [sflag:s8], $0x0  }
0x24: {  	s3 =	sadd.s32 $0x88, s3;
	s6 =	simm.s32 @!p1 $0x1082;
	[sflag:s4] =	ssyncset.s32 $0xFFFFF086  }
0x25: {  	[simem:s6], [sflag:s4] =	dma.local [hbm:s3], $0xF7A  }
0x26: {  	[smem:$0x3F85] =	sst s1;
	(tag) =	ssettag s2;
	_ =	strace s9  }
0x27: {  	s1 =	sld [smem:$0x3F95]  }
0x28: {  	s2 =	sld [smem:$0x3F96]  }
0x29: {  	s4 =	sld [smem:$0x3F98]  }
0x2a: {  	p0 =	seq.s32 s5, $0x0;
	s5 =	sld [smem:$0x3F99]  }
0x2b: {  	s6 =	sld [smem:$0x3F9A]  }
0x2c: {  	s7 =	sld [smem:$0x3F9B]  }
0x2d: {  	s3 =	simm.s32 $0x108;
	s8 =	sld [smem:$0x3F9C]  }
0x2e: {  	s3 =	simm.s32 @!p0 $0x1082;
	s9 =	sld [smem:$0x3F9D]  }
0x2f: {  	lr =	sadd.s32 s0, s3;
	s0 =	sld [smem:$0x3F94]  }
0x30: {  	s3 =	sld [smem:$0x3F97]  }
0x31: {  	[smem:$0x3FA0] =	sst s10  }
0x32: {  	s10 =	sld [smem:$0x3F9E];
	_ =	sdelay $0x3  }
0x33: {  	p0 =	seq.s32 s10, $0x1;
	s10 =	sld [smem:$0x3FA0];
	_ =	sdelay $0x3  }
0x34: {  	[smem:$0x3FA0] =	sst s10  }
0x35: {  	s10 =	sld [smem:$0x3F9F];
	_ =	sdelay $0x3  }
0x36: {  	p1 =	seq.s32 s10, $0x1;
	s10 =	sld [smem:$0x3FA0];
	_ =	sdelay $0x3  }
0x37: {  	[smem:$0x3FA0] =	sst s10  }
0x38: {  	s10 =	sld [smem:$0x3FA1]  }
0x39: {  	_ = 	snop;
	(pc) =	sbr.ind lr, $3  }
0x3a: {  	_ = 	snop  }
0x3b: {  	_ = 	snop  }
0x3c: {  	p2 =	seq.s32 s10, $0x1;
	s10 =	sld [smem:$0x3FA0]  }
0x3d: {  	_ =	shalt  }
0x3e: {  	_ =	shalt  }
0x3f: {  	_ =	shalt  }
0x40: {  	_ =	shalt  }
0x41: {  	_ =	shalt  }
0x42: {  	_ =	shalt  }
0x43: {  	_ =	shalt  }
0x44: {  	_ =	shalt  }
0x45: {  	_ =	shalt  }
0x46: {  	_ =	shalt  }
0x47: {  	_ =	shalt  }
0x48: {  	_ =	shalt  }
0x49: {  	_ =	shalt  }
0x4a: {  	_ =	shalt  }
0x4b: {  	_ =	shalt  }
0x4c: {  	_ =	shalt  }
0x4d: {  	_ =	shalt  }
0x4e: {  	_ =	shalt  }
0x4f: {  	_ =	shalt  }
0x50: {  	_ =	shalt  }
0x51: {  	_ =	shalt  }
0x52: {  	_ =	shalt  }
0x53: {  	_ =	shalt  }
0x54: {  	_ =	shalt  }
0x55: {  	_ =	shalt  }
0x56: {  	_ =	shalt  }
0x57: {  	_ =	shalt  }
0x58: {  	_ =	shalt  }
0x59: {  	_ =	shalt  }
0x5a: {  	_ =	shalt  }
0x5b: {  	_ =	shalt  }
0x5c: {  	_ =	shalt  }
0x5d: {  	_ =	shalt  }
0x5e: {  	_ =	shalt  }
0x5f: {  	_ =	shalt  }
0x60: {  	_ =	shalt  }
0x61: {  	_ =	shalt  }
0x62: {  	_ =	shalt  }
0x63: {  	_ =	shalt  }
0x64: {  	_ =	shalt  }
0x65: {  	_ =	shalt  }
0x66: {  	_ =	shalt  }
0x67: {  	_ =	shalt  }
0x68: {  	_ =	shalt  }
0x69: {  	_ =	shalt  }
0x6a: {  	_ =	shalt  }
0x6b: {  	_ =	shalt  }
0x6c: {  	_ =	shalt  }
0x6d: {  	_ =	shalt  }
0x6e: {  	_ =	shalt  }
0x6f: {  	_ =	shalt  }
0x70: {  	_ =	shalt  }
0x71: {  	_ =	shalt  }
0x72: {  	_ =	shalt  }
0x73: {  	_ =	shalt  }
0x74: {  	_ =	shalt  }
0x75: {  	_ =	shalt  }
0x76: {  	_ =	shalt  }
0x77: {  	_ =	shalt  }
0x78: {  	_ =	shalt  }
0x79: {  	_ =	shalt  }
0x7a: {  	_ =	shalt  }
0x7b: {  	_ =	shalt  }
0x7c: {  	_ =	shalt  }
0x7d: {  	_ =	shalt  }
0x7e: {  	_ =	shalt  }
0x7f: {  	_ =	shalt  }
0x80: {  	_ =	shalt  }
0x81: {  	_ =	shalt  }
0x82: {  	_ =	shalt  }
0x83: {  	_ =	shalt  }
0x84: {  	_ =	shalt  }
0x85: {  	_ =	shalt  }
0x86: {  	_ =	shalt  }
0x87: {  	_ =	shalt  }
.Lfunc_end0:
.L_simem_size_0:
called_computation.3_lowered:
.L_overlay_start_0:
0x88: {  	s2 =	sld [smem:$0x3FD9]  }
0x89: {  	s3 =	sld [smem:$0x3FFE];
	_ =	sdelay $0x1  }
0x8a: {  	s1 =	srdreg.scid  }
0x8b: {  	s0 =	sand.u32 $0x1, s1  }
0x8c: {  	s17 =	sshll.u32 s0, $0xA;
	s2 =	sadd.s32 s3, s2  }
0x8d: {  	s2 =	sadd.s32 s2, s17  }
0x8e: {  	[smem:$0x3FAC] =	sst s2  }
0x8f: {  	_ = 	snop  }
0x90: {  	s2 =	sld [smem:$0x3FC6];
	(tm) =	ssettm $0x1  }
0x91: {  	s18 =	sld [smem:$0x3FFB];
	_ =	sdelay $0x3  }
0x92: {  	_ =	strace s18  }
0x93: {  	s3 =	sld [smem:$0x3FFC];
	_ =	sdelay $0x3  }
0x94: {  	_ =	strace s3  }
0x95: {  	s3 =	sld [smem:$0x3FFD];
	_ =	sdelay $0x3  }
0x96: {  	_ =	strace s3  }
0x97: {  	_ =	strace $0x8FFFFFFF  }
0x98: {  	s19 =	sld [smem:$0x3FDB];
	_ =	sdelay $0x1  }
0x99: {  	s4 =	simm.s32 $_scs_section_size  }
0x9a: {  	s5 =	simm.s32 $_size__tile_overlayer_lowered;
	s6 =	simm.s32 $_tile_overlayer_lowered  }
0x9b: {  	s22 =	simm.s32 $0x1BFF;
	s21 =	sshll.u32 s6, $0x1;
	s3 =	sadd.s32 s4, s19  }
0x9c: {  	s7 =	simm.s32 $0x0;
	s20 =	sshll.u32 s5, $0x1;
	s5 =	sadd.s32 s21, s3  }
0x9d: {  	[timem:s7], [sflag:s22] =	dma.local [hbm:s5], s20  }
0x9e: {  	_ =	swait.ge [sflag:s22], s20  }
0x9f: {  	s4 =	ssub.s32 $0x0, s20;
	[sflag:s22] =	ssyncset.done $0x0  }
0xa0: {  	[sflag:s22] =	ssyncadd.s32 s4;
	_ =	sdelay $0x1  }
0xa1: {  	s23 =	simm.s32 $0x1B8B  }
0xa2: {  	_ =	swait.ge [sflag:s23], $0x1  }
0xa3: {  	[sflag:s23] =	ssyncset.done $0x0  }
0xa4: {  	s25 =	simm.s32 $0x1B8E;
	s24 =	sld [smem:$0x3FFE];
	[sflag:s23] =	ssyncadd.s32 $0xFFFFFFFF  }
0xa5: {  	s26 =	simm.s32 $execute0_lowered;
	[smem:$0x3FD2] =	sst s25  }
0xa6: {  	s5 =	sshll.u32 s26, $0x1;
	_ =	strace $0x8000004F;
	[dreg:$0x1] =	wrdreg $0xFFFFFFFF  }
0xa7: {  	s28 =	simm.s32 $_size_execute0_lowered;
	s3 =	sadd.s32 s3, s5;
	[dreg:$0x0] =	wrdreg $0x0  }
0xa8: {  	s5 =	sshll.u32 s28, $0x1;
	[dreg:$0x2] =	wrdreg s3  }
0xa9: {  	[dreg:$0x3] =	wrdreg s5  }
0xaa: {  	[dreg:$0x4] =	wrdreg $0xC0  }
0xab: {  	_ =	task [dreg:s7], $0x5FFFF  }
0xac: {  	[dreg:$0x1] =	wrdreg $0xFFFFFFFF  }
0xad: {  	[dreg:$0x0] =	wrdreg $0x60  }
0xae: {  	[dreg:$0x2] =	wrdreg s24  }
0xaf: {  	[dreg:$0x3] =	wrdreg s2  }
0xb0: {  	[dreg:$0x4] =	wrdreg $0x6A000  }
0xb1: {  	[dreg:$0x5] =	wrdreg $0x9  }
0xb2: {  	_ =	task.clear_ibuf [dreg:s7], $0x6FFFF;
	_ =	strace $0x9000004F  }
0xb3: {  	s29 =	simm.s32 $0x9;
	_ =	strace $0x80000051  }
0xb4: {  	_ =	swait.ge [sflag:s29], $0x1  }
0xb5: {  	[sflag:s29] =	ssyncadd.s32 $0xFFFFFFFF  }
0xb6: {  	_ =	strace $0x90000051  }
0xb7: {  	_ =	sfence  }
0xb8: {  	s30 =	sld [smem:$0x0];
	_ =	sdelay $0x2  }
0xb9: {  	s31 =	sshll.u32 s1, $0xD;
	s1 =	sshrl.u32 s1, $0x2  }
0xba: {  	s3 =	sand.u32 $0x4000, s31;
	s1 =	sadd.s32 s1, s30  }
0xbb: {  	s0 =	sor.u32 s3, s0;
	s1 =	sshll.u32 s1, $0x11  }
0xbc: {  	s0 =	sor.u32 s1, s0  }
0xbd: {  	s0 =	sadd.s32 $0x8F2B, s0  }
0xbe: {  	[sflag:s0] =	ssyncadd.remote.s32 $0x1  }
0xbf: {  	_ =	sfence.sel $0xFFFF  }
0xc0: {  	[dreg:$0x0] =	wrdreg $0xFFFFFFFF;
	(pc) =	sbr.abs _section_cstart, $3  }
0xc1: {  	[dreg:$0x1] =	wrdreg $0xFFFFFFFF  }
0xc2: {  	_ =	task.clear_ibuf [dreg:s7], $0x2FFFF;
	_ =	strace $0x9FFFFFFF  }
0xc3: {  	(tm) =	ssettm $0x7FFFFFFF  }
tec
execute0_lowered:
.L_overlay_start_1:
0x0: {  	(tag) =	ssettag $0x1  }
0x1: {  	s4 =	rddreg [dreg:$0x0]  }
0x2: {  	s6 =	rddreg [dreg:$0x1];
	s1 =	srdreg.scid  }
0x3: {  	s0 =	stileid.u32;
	s2 =	rddreg [dreg:$0x2]  }
0x4: {  	s3 =	simm.s32 $0x0;
	s14 =	simm.s32 $0x80;
	s7 =	smul.u32 $0x30D4, s0  }
0x5: {  	s5 =	sand.u32 $0x1, s1;
	s1 =	rddreg [dreg:$0x3];
	s26 =	smul.u32 $0xC380, s0  }
0x6: {  	[smem:$0x7FF] =	sst s3;
	s9 =	sshll.u32 s0, $0x1;
	s8 =	smul.u32 $0x186A, s5  }
0x7: {  	s31 =	sshll.u32 s0, $0x6;
	_ =	strace $0x80000050;
	s10 =	smul.u32 $0x18700, s5  }
0x8: {  	s9 =	sor.u32 s5, s9;
	s5 =	ssub.s32 $0x2, s5;
	s15 =	sshrl.u32 s26, $0x3  }
0x9: {  	s28 =	smul.u32 $0x186A, s9;
	s12 =	sshrl.u32 s5, $0x1;
	s13 =	sadd.s32 s26, s2  }
0xa: {  	s7 =	sadd.s32 s8, s7;
	s29 =	sadd.s32 s15, s4;
	s10 =	sadd.s32 s10, s4  }
0xb: {  	s12 =	ssub.s32 s5, s12;
	s7 =	sshll.u32 s7, $0x3;
	s16 =	sadd.s32 $0x252800, s10  }
0xc: {  	s8 =	smax.u32 s12, $0x1;
	s10 =	simm.s32 $0x1;
	s12 =	sshrl.u32 s13, $0x3  }
.Ltmp0:
0xd: {  	s13 =	simm.s32 $0x6200;
	s7 =	sand.u32 $0x3FFF00, s7;
	(pc) =	sbr.rel .LBB2_1-.Ltmp0, $4  }
0xe: {  	s15 =	sadd.s32 s15, s16;
	s11 =	sadd.s32 s7, s4;
	s7 =	sadd.s32 $0x186A, s28  }
0xf: {  	s16 =	simm.s32 $0x0;
	s4 =	sshrl.u32 s28, $0x5;
	s5 =	sshrl.u32 s7, $0x5  }
0x10: {  	s30 =	sshll.u32 s4, $0x4;
	s7 =	sadd.s32 $0x316000, s29;
	s9 =	sadd.s32 $0xCBE00, s11  }
0x11: {  	s11 =	sor.u32 $0x1C01, s31;
	s6 =	sadd.s32 s6, s30;
	p0 =	sge.u32 s4, s5  }
.LBB2_4:
0x12: {  	[sflag:s10] =	ssyncadd.s32 $0xFFFFF800  }
.LBB2_5:
0x13: {  	s16 =	sadd.s32 $0x1, s16  }
0x14: {  	p1 =	sne.s32 s16, s8  }
.Ltmp1:
0x15: {  	[bflag:$0x0] =	sbarrier.arrive $0xFFFF;
	(pc) =	sbr.rel @!p1 .LBB2_6-.Ltmp1, $4  }
0x16: {  	[hbm:s15], [sflag:s11] =	dma.local [spmem:s12], $0x1870  }
0x17: {  	_ =	swait.ge [sflag:s10], $0x1870  }
0x18: {  	[sflag:s10] =	ssyncset.done $0x0  }
0x19: {  	[sflag:s10] =	ssyncadd.s32 $0xFFFFE790  }
.LBB2_1:
0x1a: {  	[tilespmem:s3], [sflag:$0x1] =	stream.linear.gather [hbm4b:s6+s3], $0x6200, $0x38;
	[tilespmem:$0x12D80] =	vst v63  }
0x1b: {  	_ =	swait.ge [sflag:s10], $0x6200  }
0x1c: {  	[sflag:s10] =	ssyncset.done $0x0  }
0x1d: {  	[sflag:s10] =	ssyncadd.s32 $0xFFFF9E00  }
0x1e: {  	[spmem:s12], [sflag:s11] =	dma.local [hbm:s7], $0x1870  }
.Ltmp2:
0x1f: {  	_ =	swait.ge [sflag:s10], $0x1870;
	(pc) =	sbr.rel @p0 .LBB2_5-.Ltmp2, $3  }
0x20: {  	[sflag:s10] =	ssyncset.done $0x0  }
0x21: {  	[sflag:s10] =	ssyncadd.s32 $0xFFFFE790  }
0x22: {  	[bflag:$0x0] =	sbarrier.arrive $0xFFFF;
	_ =	sdelay $0x1  }
0x23: {  	[tilespmem:s13], [sflag:$0x1] =	stream.linear.gather [hbm4b:s9+s3], $0x800, $0x38;
	[tilespmem:$0x12D80] =	vst v63  }
0x24: {  	s17 =	sadd.s32 $0x1, s4  }
0x25: {  	_ =	swait.ge [sflag:s10], $0x800;
	p1 =	slt.u32 s17, s5  }
.Ltmp3:
0x26: {  	[sflag:s10] =	ssyncset.done $0x0;
	(pc) =	sbr.rel @!p1 .LBB2_4-.Ltmp3, $4  }
0x27: {  	[sflag:s10] =	ssyncadd.s32 $0xFFFFF800  }
0x28: {  	[spmem:s2] =	stream.indirect.scatter.add.f32 [tilespmem:s13], [sflag:$0x1], $0x10, s3, s14, $0xb8;
	[tilespmem:$0x12D80] =	vst v63  }
0x29: {  	_ =	swait.ge [sflag:s10], $0x800  }
0x2a: {  	s18 =	sadd.s32 $0x100, s9;
	s19 =	simm.s32 $0x0;
	[sflag:s10] =	ssyncset.done $0x0  }
.LBB2_3:
0x2b: {  	s17 =	sadd.s32 $0x1, s17;
	[sflag:s10] =	ssyncadd.s32 $0xFFFFF800;
	s19 =	sadd.s32 $0x80, s19  }
0x2c: {  	[tilespmem:s13], [sflag:$0x1] =	stream.linear.gather [hbm4b:s18+s3], $0x800, $0x38;
	[tilespmem:$0x12D80] =	vst v63  }
0x2d: {  	p1 =	slt.u32 s17, s5;
	_ =	swait.ge [sflag:s10], $0x800  }
.Ltmp4:
0x2e: {  	[sflag:s10] =	ssyncset.done $0x0;
	(pc) =	sbr.rel @p1 .LBB2_3-.Ltmp4, $4  }
0x2f: {  	[sflag:s10] =	ssyncadd.s32 $0xFFFFF800  }
0x30: {  	[spmem:s2] =	stream.indirect.scatter.add.f32 [tilespmem:s13], [sflag:$0x1], $0x10, s19, s14, $0xb8;
	[tilespmem:$0x12D80] =	vst v63  }
0x31: {  	_ =	swait.ge [sflag:s10], $0x800  }
0x32: {  	s18 =	sadd.s32 $0x100, s18;
	[sflag:s10] =	ssyncset.done $0x0  }
.Ltmp5:
0x33: {  	_ = 	snop;
	(pc) =	sbr.rel .LBB2_4-.Ltmp5, $1  }
0x34: {  	_ =	sdelay $0x3  }
.LBB2_6:
0x35: {  	_ =	sfence.sel $0x180000  }
0x36: {  	[bflag:$0x0] =	sbarrier.arrive $0xFFFF  }
0x37: {  	p0 =	sne.s32 s0, $0x0;
	_ =	strace $0x90000050  }
0x38: {  	s0 =	sadd.s32 @!p0 $0x100000, s1;
	[bflag:$0x2] =	sbarrier.arrive $0xFFFF  }
0x39: {  	[sflag:s0] =	ssyncadd.tile.s32 @!p0 $0x1;
	_ =	shalt  }
.Lfunc_end2:
_tile_overlayer_lowered:
.L_overlay_start_2:
0x3a: {  	(tag) =	ssettag $0x2  }
0x3b: {  	s0 =	rddreg [dreg:$0x0];
	s2 =	stileid.u32  }
0x3c: {  	s1 =	rddreg [dreg:$0x1];
	p0 =	sne.s32 s2, $0x0  }
0x3d: {  	s3 =	rddreg [dreg:$0x2];
	[bflag:$0x3] =	sbarrier.arrive $0xFFFF;
	s2 =	simm.s32 @!p0 $0x1C01  }
0x3e: {  	[timem:s3], [sflag:s2] =	dma.local @!p0 [hbm:s0], s1  }
0x3f: {  	s0 =	simm.s32 @!p0 $0x1  }
0x40: {  	_ =	swait.ge @!p0 [sflag:s0], s1  }
0x41: {  	s1 =	ssub.s32 @!p0 $0x0, s1;
	[sflag:s0] =	ssyncset.done @!p0 $0x0  }
0x42: {  	[sflag:s0] =	ssyncadd.s32 @!p0 s1  }
0x43: {  	[bflag:$0x3] =	sbarrier.arrive $0xFFFF  }
0x44: {  	_ =	shalt  }

// kernel: kernel.25.cloned.1.call-start
scs
__scs_entry_jumppad:
0x0: {  	(pc) =	sbr.rel $0x88, $3  }
0x1: {  	(tag) =	ssettag $0x0;
	lr =	simm.s32 $0x1  }
0x2: {  	[smem:$0x3F85] =	sst lr;
	_ =	strace $0xD0000000  }
0x3: {  	_ = 	snop  }
0x4: {  	_ = 	snop  }
0x5: {  	_ = 	snop  }
0x6: {  	_ = 	snop  }
0x7: {  	_ = 	snop  }
__scs_overlays_trampoline_lowered:
0x8: {  	[smem:$0x3F94] =	sst s0  }
0x9: {  	[smem:$0x3F95] =	sst s1  }
0xa: {  	[smem:$0x3F96] =	sst s2  }
0xb: {  	[smem:$0x3F97] =	sst s3  }
0xc: {  	[smem:$0x3F98] =	sst s4  }
0xd: {  	[smem:$0x3F99] =	sst s5  }
0xe: {  	[smem:$0x3F9A] =	sst s6  }
0xf: {  	[smem:$0x3F9B] =	sst s7  }
0x10: {  	[smem:$0x3F9C] =	sst s8  }
0x11: {  	[smem:$0x3F9D] =	sst s9;
	s0 =	simm.s32 @!p0 $0x0  }
0x12: {  	s1 =	sld [smem:$0x3F83];
	s0 =	simm.s32 @p0 $0x1  }
0x13: {  	[smem:$0x3F9E] =	sst s0;
	s0 =	simm.s32 @!p1 $0x0  }
0x14: {  	s2 =	sld [smem:$0x3F82];
	s0 =	simm.s32 @p1 $0x1  }
0x15: {  	[smem:$0x3F9F] =	sst s0;
	s0 =	simm.s32 @!p2 $0x0  }
0x16: {  	s3 =	sld [smem:$0x3FDB];
	s0 =	simm.s32 @p2 $0x1  }
0x17: {  	s4 =	simm.s32 $0x1BF5;
	[smem:$0x3FA1] =	sst s0  }
0x18: {  	s0 =	sld [smem:$0x3F84];
	_ =	swait.ge [sflag:s4], $0x0  }
0x19: {  	s7 =	sld [smem:$0x3F85]  }
0x1a: {  	s8 =	sadd.s32 $0xFFFFE003, lr  }
0x1b: {  	s9 =	sadd.s32 $0xFFFFFEF7, lr;
	s5 =	simm.s32 $0xFFFFFFFF;
	p2 =	slt.u32 s8, $0xFFFFF086  }
0x1c: {  	p1 =	slt.u32 s9, $0xF7A;
	s5 =	simm.s32 @!p2 $0x0  }
0x1d: {  	s5 =	simm.s32 @p1 $0x1;
	p0 =	seq.s32 s7, s2  }
0x1e: {  	s7 =	smul.u32 @!p0 $0xF7A, s2;
	p2 =	seq.s32 @!p0 s5, $0x0  }
0x1f: {  	s9 =	smul.u32 $0xF7A, s1;
	s8 =	simm.s32 @!p0 $0x1BF5;
	p2 =	por !p2, p0  }
0x20: {  	[sflag:s8] =	ssyncset.s32 @!p0 $0xFFFFF086;
	s6 =	sadd.s32 @!p0 s3, s7;
	s7 =	simm.s32 @!p0 $0x108  }
0x21: {  	s3 =	sadd.s32 s3, s9;
	s6 =	sadd.s32 @!p0 $0x88, s6;
	s7 =	simm.s32 @p2 $0x1082  }
0x22: {  	[simem:s7], [sflag:s8] =	dma.local @!p0 [hbm:s6], $0xF7A  }
0x23: {  	s9 =	sor.u32 $0xD0000000, s2;
	s6 =	simm.s32 $0x108;
	_ =	swait.ge @!p0 [sflag:s8], $0x0  }
0x24: {  	s3 =	sadd.s32 $0x88, s3;
	s6 =	simm.s32 @!p1 $0x1082;
	[sflag:s4] =	ssyncset.s32 $0xFFFFF086  }
0x25: {  	[simem:s6], [sflag:s4] =	dma.local [hbm:s3], $0xF7A  }
0x26: {  	[smem:$0x3F85] =	sst s1;
	(tag) =	ssettag s2;
	_ =	strace s9  }
0x27: {  	s1 =	sld [smem:$0x3F95]  }
0x28: {  	s2 =	sld [smem:$0x3F96]  }
0x29: {  	s4 =	sld [smem:$0x3F98]  }
0x2a: {  	p0 =	seq.s32 s5, $0x0;
	s5 =	sld [smem:$0x3F99]  }
0x2b: {  	s6 =	sld [smem:$0x3F9A]  }
0x2c: {  	s7 =	sld [smem:$0x3F9B]  }
0x2d: {  	s3 =	simm.s32 $0x108;
	s8 =	sld [smem:$0x3F9C]  }
0x2e: {  	s3 =	simm.s32 @!p0 $0x1082;
	s9 =	sld [smem:$0x3F9D]  }
0x2f: {  	lr =	sadd.s32 s0, s3;
	s0 =	sld [smem:$0x3F94]  }
0x30: {  	s3 =	sld [smem:$0x3F97]  }
0x31: {  	[smem:$0x3FA0] =	sst s10  }
0x32: {  	s10 =	sld [smem:$0x3F9E];
	_ =	sdelay $0x3  }
0x33: {  	p0 =	seq.s32 s10, $0x1;
	s10 =	sld [smem:$0x3FA0];
	_ =	sdelay $0x3  }
0x34: {  	[smem:$0x3FA0] =	sst s10  }
0x35: {  	s10 =	sld [smem:$0x3F9F];
	_ =	sdelay $0x3  }
0x36: {  	p1 =	seq.s32 s10, $0x1;
	s10 =	sld [smem:$0x3FA0];
	_ =	sdelay $0x3  }
0x37: {  	[smem:$0x3FA0] =	sst s10  }
0x38: {  	s10 =	sld [smem:$0x3FA1]  }
0x39: {  	_ = 	snop;
	(pc) =	sbr.ind lr, $3  }
0x3a: {  	_ = 	snop  }
0x3b: {  	_ = 	snop  }
0x3c: {  	p2 =	seq.s32 s10, $0x1;
	s10 =	sld [smem:$0x3FA0]  }
0x3d: {  	_ =	shalt  }
0x3e: {  	_ =	shalt  }
0x3f: {  	_ =	shalt  }
0x40: {  	_ =	shalt  }
0x41: {  	_ =	shalt  }
0x42: {  	_ =	shalt  }
0x43: {  	_ =	shalt  }
0x44: {  	_ =	shalt  }
0x45: {  	_ =	shalt  }
0x46: {  	_ =	shalt  }
0x47: {  	_ =	shalt  }
0x48: {  	_ =	shalt  }
0x49: {  	_ =	shalt  }
0x4a: {  	_ =	shalt  }
0x4b: {  	_ =	shalt  }
0x4c: {  	_ =	shalt  }
0x4d: {  	_ =	shalt  }
0x4e: {  	_ =	shalt  }
0x4f: {  	_ =	shalt  }
0x50: {  	_ =	shalt  }
0x51: {  	_ =	shalt  }
0x52: {  	_ =	shalt  }
0x53: {  	_ =	shalt  }
0x54: {  	_ =	shalt  }
0x55: {  	_ =	shalt  }
0x56: {  	_ =	shalt  }
0x57: {  	_ =	shalt  }
0x58: {  	_ =	shalt  }
0x59: {  	_ =	shalt  }
0x5a: {  	_ =	shalt  }
0x5b: {  	_ =	shalt  }
0x5c: {  	_ =	shalt  }
0x5d: {  	_ =	shalt  }
0x5e: {  	_ =	shalt  }
0x5f: {  	_ =	shalt  }
0x60: {  	_ =	shalt  }
0x61: {  	_ =	shalt  }
0x62: {  	_ =	shalt  }
0x63: {  	_ =	shalt  }
0x64: {  	_ =	shalt  }
0x65: {  	_ =	shalt  }
0x66: {  	_ =	shalt  }
0x67: {  	_ =	shalt  }
0x68: {  	_ =	shalt  }
0x69: {  	_ =	shalt  }
0x6a: {  	_ =	shalt  }
0x6b: {  	_ =	shalt  }
0x6c: {  	_ =	shalt  }
0x6d: {  	_ =	shalt  }
0x6e: {  	_ =	shalt  }
0x6f: {  	_ =	shalt  }
0x70: {  	_ =	shalt  }
0x71: {  	_ =	shalt  }
0x72: {  	_ =	shalt  }
0x73: {  	_ =	shalt  }
0x74: {  	_ =	shalt  }
0x75: {  	_ =	shalt  }
0x76: {  	_ =	shalt  }
0x77: {  	_ =	shalt  }
0x78: {  	_ =	shalt  }
0x79: {  	_ =	shalt  }
0x7a: {  	_ =	shalt  }
0x7b: {  	_ =	shalt  }
0x7c: {  	_ =	shalt  }
0x7d: {  	_ =	shalt  }
0x7e: {  	_ =	shalt  }
0x7f: {  	_ =	shalt  }
0x80: {  	_ =	shalt  }
0x81: {  	_ =	shalt  }
0x82: {  	_ =	shalt  }
0x83: {  	_ =	shalt  }
0x84: {  	_ =	shalt  }
0x85: {  	_ =	shalt  }
0x86: {  	_ =	shalt  }
0x87: {  	_ =	shalt  }
.Lfunc_end0:
.L_simem_size_0:
called_computation.4_lowered:
.L_overlay_start_0:
0x88: {  	s2 =	sld [smem:$0x3FD9]  }
0x89: {  	s3 =	sld [smem:$0x3FFE];
	_ =	sdelay $0x1  }
0x8a: {  	s1 =	srdreg.scid  }
0x8b: {  	s0 =	sand.u32 $0x1, s1  }
0x8c: {  	s16 =	sshll.u32 s0, $0xA;
	s2 =	sadd.s32 s3, s2  }
0x8d: {  	s2 =	sadd.s32 s2, s16  }
0x8e: {  	[smem:$0x3FAC] =	sst s2  }
0x8f: {  	_ = 	snop  }
0x90: {  	(tm) =	ssettm $0x1  }
0x91: {  	s17 =	sld [smem:$0x3FFB];
	_ =	sdelay $0x3  }
0x92: {  	_ =	strace s17  }
0x93: {  	s2 =	sld [smem:$0x3FFC];
	_ =	sdelay $0x3  }
0x94: {  	_ =	strace s2  }
0x95: {  	s2 =	sld [smem:$0x3FFD];
	_ =	sdelay $0x3  }
0x96: {  	_ =	strace s2  }
0x97: {  	_ =	strace $0x8FFFFFFF  }
0x98: {  	s18 =	sld [smem:$0x3FDB];
	_ =	sdelay $0x1  }
0x99: {  	s19 =	simm.s32 $_scs_section_size  }
0x9a: {  	s4 =	simm.s32 $_size__tile_overlayer_lowered;
	s5 =	simm.s32 $_tile_overlayer_lowered  }
0x9b: {  	s22 =	simm.s32 $0x1BFF;
	s21 =	sshll.u32 s5, $0x1;
	s2 =	sadd.s32 s19, s18  }
0x9c: {  	s6 =	simm.s32 $0x0;
	s20 =	sshll.u32 s4, $0x1;
	s4 =	sadd.s32 s21, s2  }
0x9d: {  	[timem:s6], [sflag:s22] =	dma.local [hbm:s4], s20  }
0x9e: {  	_ =	swait.ge [sflag:s22], s20  }
0x9f: {  	s3 =	ssub.s32 $0x0, s20;
	[sflag:s22] =	ssyncset.done $0x0  }
0xa0: {  	[sflag:s22] =	ssyncadd.s32 s3;
	_ =	sdelay $0x1  }
0xa1: {  	s23 =	simm.s32 $0x1B8B  }
0xa2: {  	_ =	swait.ge [sflag:s23], $0x1  }
0xa3: {  	[sflag:s23] =	ssyncset.done $0x0  }
0xa4: {  	s25 =	simm.s32 $0x1B8E;
	s24 =	sld [smem:$0x3FFE];
	[sflag:s23] =	ssyncadd.s32 $0xFFFFFFFF  }
0xa5: {  	s26 =	simm.s32 $execute0_lowered;
	[smem:$0x3FD2] =	sst s25  }
0xa6: {  	s4 =	sshll.u32 s26, $0x1;
	_ =	strace $0x80000052;
	[dreg:$0x1] =	wrdreg $0xFFFFFFFF  }
0xa7: {  	s28 =	simm.s32 $_size_execute0_lowered;
	s2 =	sadd.s32 s2, s4;
	[dreg:$0x0] =	wrdreg $0x0  }
0xa8: {  	s4 =	sshll.u32 s28, $0x1;
	[dreg:$0x2] =	wrdreg s2  }
0xa9: {  	[dreg:$0x3] =	wrdreg s4  }
0xaa: {  	[dreg:$0x4] =	wrdreg $0xC0  }
0xab: {  	_ =	task [dreg:s6], $0x5FFFF  }
0xac: {  	[dreg:$0x1] =	wrdreg $0xFFFFFFFF  }
0xad: {  	[dreg:$0x0] =	wrdreg $0x60  }
0xae: {  	[dreg:$0x2] =	wrdreg s24  }
0xaf: {  	[dreg:$0x3] =	wrdreg $0x46800  }
0xb0: {  	[dreg:$0x4] =	wrdreg $0x9  }
0xb1: {  	_ =	task.clear_ibuf [dreg:s6], $0x5FFFF;
	_ =	strace $0x90000052  }
0xb2: {  	s29 =	simm.s32 $0x9;
	_ =	strace $0x80000054  }
0xb3: {  	_ =	swait.ge [sflag:s29], $0x1  }
0xb4: {  	[sflag:s29] =	ssyncadd.s32 $0xFFFFFFFF  }
0xb5: {  	_ =	strace $0x90000054  }
0xb6: {  	_ =	sfence  }
0xb7: {  	s30 =	sld [smem:$0x0];
	_ =	sdelay $0x2  }
0xb8: {  	s31 =	sshll.u32 s1, $0xD;
	s1 =	sshrl.u32 s1, $0x2  }
0xb9: {  	s3 =	sand.u32 $0x4000, s31;
	s1 =	sadd.s32 s1, s30  }
0xba: {  	s0 =	sor.u32 s3, s0;
	s1 =	sshll.u32 s1, $0x11  }
0xbb: {  	s0 =	sor.u32 s1, s0  }
0xbc: {  	s0 =	sadd.s32 $0x8F2B, s0  }
0xbd: {  	[sflag:s0] =	ssyncadd.remote.s32 $0x1  }
0xbe: {  	_ =	sfence.sel $0xFFFF  }
0xbf: {  	[dreg:$0x0] =	wrdreg $0xFFFFFFFF;
	(pc) =	sbr.abs _section_cstart, $3  }
0xc0: {  	[dreg:$0x1] =	wrdreg $0xFFFFFFFF  }
0xc1: {  	_ =	task.clear_ibuf [dreg:s6], $0x2FFFF;
	_ =	strace $0x9FFFFFFF  }
0xc2: {  	(tm) =	ssettm $0x7FFFFFFF  }
0xc3: {  	_ =	shalt  }
tec
execute0_lowered:
.L_overlay_start_1:
0x0: {  	(tag) =	ssettag $0x1  }
0x1: {  	s1 =	srdreg.scid  }
0x2: {  	s0 =	stileid.u32;
	s6 =	rddreg [dreg:$0x0]  }
0x3: {  	s2 =	rddreg [dreg:$0x1];
	s4 =	smul.u32 $0x30E, s0  }
0x4: {  	s3 =	simm.s32 $0x0;
	s5 =	sand.u32 $0x1, s1;
	s10 =	smul.u32 $0x2080, s0  }
0x5: {  	s28 =	sshll.u32 s0, $0x1;
	[smem:$0x7FF] =	sst s3;
	s7 =	smul.u32 $0x187, s5  }
0x6: {  	s31 =	sshll.u32 s0, $0x6;
	s1 =	sor.u32 s5, s28;
	s30 =	smul.u32 $0x4100, s5  }
0x7: {  	s5 =	ssub.s32 $0x2, s5;
	s8 =	smul.u32 $0x187, s1;
	s1 =	rddreg [dreg:$0x2]  }
0x8: {  	_ =	strace $0x80000053;
	s15 =	sshrl.u32 s10, $0x3;
	s13 =	sshrl.u32 s5, $0x1  }
0x9: {  	s14 =	sadd.s32 s10, s2;
	s10 =	simm.s32 $0x1;
	s4 =	sadd.s32 s7, s4  }
0xa: {  	s12 =	sadd.s32 s15, s6;
	s13 =	ssub.s32 s5, s13;
	s7 =	sshll.u32 s4, $0x6  }
0xb: {  	s4 =	sshrl.u32 s8, $0x5;
	s8 =	sadd.s32 $0x187, s8;
	s7 =	sand.u32 $0x1FF800, s7  }
0xc: {  	s9 =	sshll.u32 s4, $0x4;
	s5 =	sshrl.u32 s8, $0x5;
	s8 =	smax.u32 s13, $0x1  }
.Ltmp0:
0xd: {  	s13 =	simm.s32 $0x680;
	s11 =	sadd.s32 s7, s6;
	(pc) =	sbr.rel .LBB2_1-.Ltmp0, $4  }
0xe: {  	s29 =	sadd.s32 s9, s6;
	s9 =	sadd.s32 s30, s6;
	s7 =	sadd.s32 $0x8800, s12  }
0xf: {  	p0 =	sge.u32 s4, s5;
	s12 =	sshrl.u32 s14, $0x3;
	s14 =	simm.s32 $0x80  }
0x10: {  	s6 =	sadd.s32 $0x283600, s29;
	s16 =	sadd.s32 $0xCA00, s9;
	s9 =	sadd.s32 $0xCC000, s11  }
0x11: {  	s11 =	sor.u32 $0x1C01, s31;
	s15 =	sadd.s32 s15, s16;
	s16 =	simm.s32 $0x0  }
.LBB2_4:
0x12: {  	[sflag:s10] =	ssyncadd.s32 $0xFFFFC000  }
.LBB2_5:
0x13: {  	s16 =	sadd.s32 $0x1, s16  }
0x14: {  	p1 =	sne.s32 s16, s8  }
.Ltmp1:
0x15: {  	[bflag:$0x0] =	sbarrier.arrive $0xFFFF;
	(pc) =	sbr.rel @!p1 .LBB2_6-.Ltmp1, $4  }
0x16: {  	[hbm:s15], [sflag:s11] =	dma.local [spmem:s12], $0x410  }
0x17: {  	_ =	swait.ge [sflag:s10], $0x410  }
0x18: {  	[sflag:s10] =	ssyncset.done $0x0  }
0x19: {  	[sflag:s10] =	ssyncadd.s32 $0xFFFFFBF0  }
.LBB2_1:
0x1a: {  	[tilespmem:s3], [sflag:$0x1] =	stream.linear.gather [hbm4b:s6+s3], $0x680, $0x38;
	[tilespmem:$0x6700] =	vst v63  }
0x1b: {  	_ =	swait.ge [sflag:s10], $0x680  }
0x1c: {  	[sflag:s10] =	ssyncset.done $0x0  }
0x1d: {  	[sflag:s10] =	ssyncadd.s32 $0xFFFFF980  }
0x1e: {  	[spmem:s12], [sflag:s11] =	dma.local [hbm:s7], $0x410  }
.Ltmp2:
0x1f: {  	_ =	swait.ge [sflag:s10], $0x410;
	(pc) =	sbr.rel @p0 .LBB2_5-.Ltmp2, $3  }
0x20: {  	[sflag:s10] =	ssyncset.done $0x0  }
0x21: {  	[sflag:s10] =	ssyncadd.s32 $0xFFFFFBF0  }
0x22: {  	[bflag:$0x0] =	sbarrier.arrive $0xFFFF;
	_ =	sdelay $0x1  }
0x23: {  	[tilespmem:s13], [sflag:$0x1] =	stream.linear.gather [hbm4b:s9+s3], $0x4000, $0x38;
	[tilespmem:$0x6700] =	vst v63  }
0x24: {  	s17 =	sadd.s32 $0x1, s4  }
0x25: {  	_ =	swait.ge [sflag:s10], $0x4000;
	p1 =	slt.u32 s17, s5  }
.Ltmp3:
0x26: {  	[sflag:s10] =	ssyncset.done $0x0;
	(pc) =	sbr.rel @!p1 .LBB2_4-.Ltmp3, $4  }
0x27: {  	[sflag:s10] =	ssyncadd.s32 $0xFFFFC000  }
0x28: {  	[spmem:s2] =	stream.indirect.scatter.add.f32 [tilespmem:s13], [sflag:$0x1], $0x80, s3, s14, $0xb8;
	[tilespmem:$0x6700] =	vst v63  }
0x29: {  	_ =	swait.ge [sflag:s10], $0x4000  }
0x2a: {  	s18 =	sadd.s32 $0x800, s9;
	s19 =	simm.s32 $0x0;
	[sflag:s10] =	ssyncset.done $0x0  }
.LBB2_3:
0x2b: {  	s17 =	sadd.s32 $0x1, s17;
	[sflag:s10] =	ssyncadd.s32 $0xFFFFC000;
	s19 =	sadd.s32 $0x80, s19  }
0x2c: {  	[tilespmem:s13], [sflag:$0x1] =	stream.linear.gather [hbm4b:s18+s3], $0x4000, $0x38;
	[tilespmem:$0x6700] =	vst v63  }
0x2d: {  	p1 =	slt.u32 s17, s5;
	_ =	swait.ge [sflag:s10], $0x4000  }
.Ltmp4:
0x2e: {  	[sflag:s10] =	ssyncset.done $0x0;
	(pc) =	sbr.rel @p1 .LBB2_3-.Ltmp4, $4  }
0x2f: {  	[sflag:s10] =	ssyncadd.s32 $0xFFFFC000  }
0x30: {  	[spmem:s2] =	stream.indirect.scatter.add.f32 [tilespmem:s13], [sflag:$0x1], $0x80, s19, s14, $0xb8;
	[tilespmem:$0x6700] =	vst v63  }
0x31: {  	_ =	swait.ge [sflag:s10], $0x4000  }
0x32: {  	s18 =	sadd.s32 $0x800, s18;
	[sflag:s10] =	ssyncset.done $0x0  }
.Ltmp5:
0x33: {  	_ = 	snop;
	(pc) =	sbr.rel .LBB2_4-.Ltmp5, $1  }
0x34: {  	_ =	sdelay $0x3  }
.LBB2_6:
0x35: {  	_ =	sfence.sel $0x180000  }
0x36: {  	[bflag:$0x0] =	sbarrier.arrive $0xFFFF  }
0x37: {  	p0 =	sne.s32 s0, $0x0;
	_ =	strace $0x90000053  }
0x38: {  	s0 =	sadd.s32 @!p0 $0x100000, s1;
	[bflag:$0x2] =	sbarrier.arrive $0xFFFF  }
0x39: {  	[sflag:s0] =	ssyncadd.tile.s32 @!p0 $0x1;
	_ =	shalt  }
.Lfunc_end2:
_tile_overlayer_lowered:
.L_overlay_start_2:
0x3a: {  	(tag) =	ssettag $0x2  }
0x3b: {  	s0 =	rddreg [dreg:$0x0];
	s2 =	stileid.u32  }
0x3c: {  	s1 =	rddreg [dreg:$0x1];
	p0 =	sne.s32 s2, $0x0  }
0x3d: {  	s3 =	rddreg [dreg:$0x2];
	[bflag:$0x3] =	sbarrier.arrive $0xFFFF;
	s2 =	simm.s32 @!p0 $0x1C01  }
0x3e: {  	[timem:s3], [sflag:s2] =	dma.local @!p0 [hbm:s0], s1  }
0x3f: {  	s0 =	simm.s32 @!p0 $0x1  }
0x40: {  	_ =	swait.ge @!p0 [sflag:s0], s1  }
0x41: {  	s1 =	ssub.s32 @!p0 $0x0, s1;
	[sflag:s0] =	ssyncset.done @!p0 $0x0  }
0x42: {  	[sflag:s0] =	ssyncadd.s32 @!p0 s1  }
0x43: {  	[bflag:$0x3] =	sbarrier.arrive $0xFFFF  }
0x44: {  	_ =	shalt  }

</sc_bundles>
